<compile_context>
chip_gen: v7x
topology: tpu7x:2x2x1
jax: 0.10.2.dev20260603
libtpu: 0.0.44.dev20260713+nightly
codegen_flags: <defaults>
</compile_context>

<pallas_src>
import functools

import jax
import jax.numpy as jnp
from jax import lax
from jax.experimental import pallas as pl
from jax.experimental.pallas import tpu as pltpu
from jax.experimental.pallas import tpu_sc as plsc


def kernel(user, item, user_table, item_table, W, b):
    B = user.shape[0]
    D = user_table.shape[1]
    NA = 4
    L = 16

    info = plsc.get_sparse_core_info()
    NC, NS = info.num_cores, info.num_subcores
    NW = NC * NS
    b_per_w = B // NW
    NG = b_per_w // L
    QR = 4

    user_r = user.reshape(NW, b_per_w)
    item_r = item.reshape(NW, b_per_w)
    tut3 = user_table.T.reshape(NA, 8, user_table.shape[0])
    tit3 = item_table.T.reshape(NA, 8, item_table.shape[0])
    wb = jnp.concatenate([W.reshape(-1), jnp.broadcast_to(b, (L,))])

    mesh = plsc.VectorSubcoreMesh(core_axis_name="c", subcore_axis_name="s")

    @functools.partial(
        pl.kernel,
        mesh=mesh,
        compiler_params=pltpu.CompilerParams(needs_layout_passes=False),
        out_type=jax.ShapeDtypeStruct((B,), jnp.float32),
        scratch_types=[
            pltpu.VMEM((b_per_w,), jnp.int32),
            pltpu.VMEM((b_per_w,), jnp.int32),
            pltpu.VMEM((2, QR, NA, 8, 128), jnp.float32),
            pltpu.VMEM((2, QR, NA, 8, 128), jnp.float32),
            pltpu.VMEM((L * L,), jnp.float32),
            pltpu.VMEM((b_per_w,), jnp.float32),
            pltpu.VMEM((48,), jnp.float32),
            pltpu.SemaphoreType.DMA,
            pltpu.SemaphoreType.DMA,
        ],
    )
    def gmf_sc(user_hbm, item_hbm, utab_hbm, itab_hbm, wb_hbm, out_hbm,
               idx_u, idx_i, ublk, vblk, tbuf, acc, wb_v, sem0, sem1):
        sems = (sem0, sem1)
        wid = lax.axis_index("s") * NC + lax.axis_index("c")
        base = wid * b_per_w

        pltpu.sync_copy(wb_hbm, wb_v)
        pltpu.sync_copy(user_hbm.at[wid], idx_u)
        pltpu.sync_copy(item_hbm.at[wid], idx_i)

        w0 = wb_v[pl.ds(0, L)]
        w1 = wb_v[pl.ds(L, L)]
        bias = wb_v[pl.ds(2 * L, L)]
        lanes = lax.iota(jnp.int32, L)
        a_lo = lanes >> 3
        a_hi = a_lo + 2
        i_id = lanes & 7

        def issue(slot, k, u, v):
            bu = (u >> 7) * 128
            bv = (v >> 7) * 128
            pltpu.async_copy(
                utab_hbm.at[:, :, pl.ds(bu, 128)], ublk.at[slot, k],
                sems[slot])
            pltpu.async_copy(
                itab_hbm.at[:, :, pl.ds(bv, 128)], vblk.at[slot, k],
                sems[slot])

        def drain(slot, k):
            pltpu.make_async_copy(
                utab_hbm.at[:, :, pl.ds(0, 128)], ublk.at[slot, k],
                sems[slot]).wait()
            pltpu.make_async_copy(
                itab_hbm.at[:, :, pl.ds(0, 128)], vblk.at[slot, k],
                sems[slot]).wait()

        vu0 = idx_u[pl.ds(0, L)]
        vi0 = idx_i[pl.ds(0, L)]
        for k in range(QR):
            issue(0, k, vu0[k], vi0[k])

        def group(g, carry):
            vu = idx_u[pl.ds(g * L, L)]
            vi = idx_i[pl.ds(g * L, L)]
            vu_n = idx_u[pl.ds((g + 1) * L - b_per_w * (g // (NG - 1)), L)]
            vi_n = idx_i[pl.ds((g + 1) * L - b_per_w * (g // (NG - 1)), L)]
            for p in range(L // QR):
                slot = p & 1
                for k in range(QR):
                    drain(slot, k)
                for k in range(QR):
                    kk = (p + 1) * QR + k
                    if kk < L:
                        issue(slot ^ 1, k, vu[kk], vi[kk])
                    else:
                        issue(slot ^ 1, k, vu_n[kk - L], vi_n[kk - L])
                for k in range(QR):
                    u = vu[p * QR + k]
                    v = vi[p * QR + k]
                    ju = jnp.full((L,), u & 127, jnp.int32)
                    jv = jnp.full((L,), v & 127, jnp.int32)
                    sk = jnp.full((L,), slot, jnp.int32)
                    kk16 = jnp.full((L,), k, jnp.int32)
                    u0 = plsc.load_gather(ublk, [sk, kk16, a_lo, i_id, ju])
                    u1 = plsc.load_gather(ublk, [sk, kk16, a_hi, i_id, ju])
                    v0 = plsc.load_gather(vblk, [sk, kk16, a_lo, i_id, jv])
                    v1 = plsc.load_gather(vblk, [sk, kk16, a_hi, i_id, jv])
                    t = u0 * v0 * w0 + u1 * v1 * w1
                    tbuf[pl.ds((p * QR + k) * L, L)] = t
            s = bias
            for k in range(L):
                s = s + plsc.load_gather(tbuf, [lanes * L + k])
            acc[pl.ds(g * L, L)] = s
            return carry

        lax.fori_loop(0, NG, group, 0)

        for k in range(QR):
            drain(0, k)

        pltpu.sync_copy(acc, out_hbm.at[pl.ds(base, b_per_w)])

    return gmf_sc(user_r, item_r, tut3, tit3, wb)

# --- scband reference (transcript-rebuilt; emitter-appended) ---
"""Pipeline reference for scband-gmf-32684701123019 (READ-ONLY COPY).

The authoritative reference and input builder live on the scoring server;
editing this copy changes nothing except your own understanding.
"""

import jax, jax.numpy as jnp
import numpy as np

NUM_USERS = 1000000
NUM_ITEMS = 1000000
EMBED_DIM = 32
BATCH = 16384

def setup_inputs(seed: int = 0) -> dict:
    key = jax.random.key(seed)
    k_user, k_item, k_ut, k_it, k_w, k_b = jax.random.split(key, 6)
    user = jax.random.randint(k_user, (BATCH,), 0, NUM_USERS, dtype=jnp.int64 if jax.config.jax_enable_x64 else jnp.int32).astype(jnp.int32)
    item = jax.random.randint(k_item, (BATCH,), 0, NUM_ITEMS, dtype=jnp.int32)
    user_table = jax.random.normal(k_ut, (NUM_USERS, EMBED_DIM), dtype=jnp.float32)
    item_table = jax.random.normal(k_it, (NUM_ITEMS, EMBED_DIM), dtype=jnp.float32)
    W = jax.random.normal(k_w, (EMBED_DIM, 1), dtype=jnp.float32) * (1.0 / np.sqrt(EMBED_DIM))
    b = jnp.zeros((1,), dtype=jnp.float32)
    return {"user": user, "item": item, "user_table": user_table, "item_table": item_table, "W": W, "b": b}

def reference(user, item, user_table, item_table, W, b):
    user_embed = jnp.take(user_table, user, axis=0)
    item_embed = jnp.take(item_table, item, axis=0)
    x = user_embed * item_embed
    out = x @ W + b
    return out.reshape(-1)

if __name__ == "__main__":
    import jax
    _d = setup_inputs()
    print(jax.jit(kernel)(*tuple(_d.values())))

</pallas_src>

<mosaic_0001>
#map = affine_map<(d0, d1) -> (0, 0)>
#map1 = affine_map<(d0, d1) -> (0, 0, 0)>
#map2 = affine_map<(d0, d1) -> (0)>
module attributes {stable_mosaic.version = 14 : i64} {
  func.func @gmf_sc(%arg0: i32, %arg1: i32, %arg2: memref<32x512xi32, #tpu.memory_space<hbm>>, %arg3: memref<32x512xi32, #tpu.memory_space<hbm>>, %arg4: memref<4x8x1000000xf32, #tpu.memory_space<hbm>>, %arg5: memref<4x8x1000000xf32, #tpu.memory_space<hbm>>, %arg6: memref<48xf32, #tpu.memory_space<hbm>>, %arg7: memref<16384xf32, #tpu.memory_space<hbm>>, %arg8: memref<512xi32, #tpu.memory_space<vmem>>, %arg9: memref<512xi32, #tpu.memory_space<vmem>>, %arg10: memref<2x4x4x8x128xf32, #tpu.memory_space<vmem>>, %arg11: memref<2x4x4x8x128xf32, #tpu.memory_space<vmem>>, %arg12: memref<256xf32, #tpu.memory_space<vmem>>, %arg13: memref<512xf32, #tpu.memory_space<vmem>>, %arg14: memref<48xf32, #tpu.memory_space<vmem>>, %arg15: memref<!tpu.dma_semaphore, #tpu.memory_space<semaphore_mem>>, %arg16: memref<!tpu.dma_semaphore, #tpu.memory_space<semaphore_mem>>) attributes {dimension_semantics = [#tpu.dimension_semantics<core_parallel>, #tpu.dimension_semantics<subcore_parallel>], iteration_bounds = array<i64: 2, 16>, scalar_prefetch = 0 : i64, scratch_operands = 9 : i64, tpu.core_type = #tpu.core_type<sc_vector_subcore>, window_params = [{transform_indices = #map}, {transform_indices = #map}, {transform_indices = #map1}, {transform_indices = #map1}, {transform_indices = #map2}, {transform_indices = #map2}]} {
    %mul3A = arith.constant 2 : i32
    %mul3A_0 = arith.muli %arg1, %mul3A : i32
    %add3A = arith.addi %mul3A_0, %arg0 : i32
    %mul3A_1 = arith.constant 512 : i32
    %mul3A_2 = arith.muli %add3A, %mul3A_1 : i32
    "tpu.region"() ({
      %run_scoped3A = tpu.sem_alloc : memref<!tpu.dma_semaphore, #tpu.memory_space<semaphore_mem>>
      tpu.enqueue_dma source(%arg6 : memref<48xf32, #tpu.memory_space<hbm>>) target(%arg14 : memref<48xf32, #tpu.memory_space<vmem>>) target_semaphore(%run_scoped3A : memref<!tpu.dma_semaphore, #tpu.memory_space<semaphore_mem>>)
      tpu.wait_dma2 semaphore(%run_scoped3A : memref<!tpu.dma_semaphore, #tpu.memory_space<semaphore_mem>>) src(%arg6 : memref<48xf32, #tpu.memory_space<hbm>>) dst(%arg14 : memref<48xf32, #tpu.memory_space<vmem>>)
      tpu.yield
    }) : () -> ()
    "tpu.region"() ({
      %run_scoped3A = tpu.sem_alloc : memref<!tpu.dma_semaphore, #tpu.memory_space<semaphore_mem>>
      %dma_start3A_372 = arith.constant 0 : i32
      %dma_start3A_373 = tpu.memref_slice %arg2[%add3A, %dma_start3A_372] : memref<32x512xi32, #tpu.memory_space<hbm>> -> memref<1x512xi32, #tpu.memory_space<hbm>>
      %dma_start3A_374 = tpu.memref_squeeze %dma_start3A_373 : memref<1x512xi32, #tpu.memory_space<hbm>> -> memref<512xi32, #tpu.memory_space<hbm>>
      %dma_start3A_375 = arith.constant 0 : i32
      %dma_start3A_376 = tpu.memref_slice %arg2[%add3A, %dma_start3A_375] : memref<32x512xi32, #tpu.memory_space<hbm>> -> memref<1x512xi32, #tpu.memory_space<hbm>>
      %dma_start3A_377 = tpu.memref_squeeze %dma_start3A_376 : memref<1x512xi32, #tpu.memory_space<hbm>> -> memref<512xi32, #tpu.memory_space<hbm>>
      tpu.enqueue_dma source(%dma_start3A_377 : memref<512xi32, #tpu.memory_space<hbm>>) target(%arg8 : memref<512xi32, #tpu.memory_space<vmem>>) target_semaphore(%run_scoped3A : memref<!tpu.dma_semaphore, #tpu.memory_space<semaphore_mem>>)
      %dma_wait3A_378 = arith.constant 0 : i32
      %dma_wait3A_379 = tpu.memref_slice %arg2[%add3A, %dma_wait3A_378] : memref<32x512xi32, #tpu.memory_space<hbm>> -> memref<1x512xi32, #tpu.memory_space<hbm>>
      %dma_wait3A_380 = tpu.memref_squeeze %dma_wait3A_379 : memref<1x512xi32, #tpu.memory_space<hbm>> -> memref<512xi32, #tpu.memory_space<hbm>>
      %dma_wait3A_381 = arith.constant 0 : i32
      %dma_wait3A_382 = tpu.memref_slice %arg2[%add3A, %dma_wait3A_381] : memref<32x512xi32, #tpu.memory_space<hbm>> -> memref<1x512xi32, #tpu.memory_space<hbm>>
      %dma_wait3A_383 = tpu.memref_squeeze %dma_wait3A_382 : memref<1x512xi32, #tpu.memory_space<hbm>> -> memref<512xi32, #tpu.memory_space<hbm>>
      tpu.wait_dma2 semaphore(%run_scoped3A : memref<!tpu.dma_semaphore, #tpu.memory_space<semaphore_mem>>) src(%dma_wait3A_383 : memref<512xi32, #tpu.memory_space<hbm>>) dst(%arg8 : memref<512xi32, #tpu.memory_space<vmem>>)
      tpu.yield
    }) : () -> ()
    "tpu.region"() ({
      %run_scoped3A = tpu.sem_alloc : memref<!tpu.dma_semaphore, #tpu.memory_space<semaphore_mem>>
      %dma_start3A_372 = arith.constant 0 : i32
      %dma_start3A_373 = tpu.memref_slice %arg3[%add3A, %dma_start3A_372] : memref<32x512xi32, #tpu.memory_space<hbm>> -> memref<1x512xi32, #tpu.memory_space<hbm>>
      %dma_start3A_374 = tpu.memref_squeeze %dma_start3A_373 : memref<1x512xi32, #tpu.memory_space<hbm>> -> memref<512xi32, #tpu.memory_space<hbm>>
      %dma_start3A_375 = arith.constant 0 : i32
      %dma_start3A_376 = tpu.memref_slice %arg3[%add3A, %dma_start3A_375] : memref<32x512xi32, #tpu.memory_space<hbm>> -> memref<1x512xi32, #tpu.memory_space<hbm>>
      %dma_start3A_377 = tpu.memref_squeeze %dma_start3A_376 : memref<1x512xi32, #tpu.memory_space<hbm>> -> memref<512xi32, #tpu.memory_space<hbm>>
      tpu.enqueue_dma source(%dma_start3A_377 : memref<512xi32, #tpu.memory_space<hbm>>) target(%arg9 : memref<512xi32, #tpu.memory_space<vmem>>) target_semaphore(%run_scoped3A : memref<!tpu.dma_semaphore, #tpu.memory_space<semaphore_mem>>)
      %dma_wait3A_378 = arith.constant 0 : i32
      %dma_wait3A_379 = tpu.memref_slice %arg3[%add3A, %dma_wait3A_378] : memref<32x512xi32, #tpu.memory_space<hbm>> -> memref<1x512xi32, #tpu.memory_space<hbm>>
      %dma_wait3A_380 = tpu.memref_squeeze %dma_wait3A_379 : memref<1x512xi32, #tpu.memory_space<hbm>> -> memref<512xi32, #tpu.memory_space<hbm>>
      %dma_wait3A_381 = arith.constant 0 : i32
      %dma_wait3A_382 = tpu.memref_slice %arg3[%add3A, %dma_wait3A_381] : memref<32x512xi32, #tpu.memory_space<hbm>> -> memref<1x512xi32, #tpu.memory_space<hbm>>
      %dma_wait3A_383 = tpu.memref_squeeze %dma_wait3A_382 : memref<1x512xi32, #tpu.memory_space<hbm>> -> memref<512xi32, #tpu.memory_space<hbm>>
      tpu.wait_dma2 semaphore(%run_scoped3A : memref<!tpu.dma_semaphore, #tpu.memory_space<semaphore_mem>>) src(%dma_wait3A_383 : memref<512xi32, #tpu.memory_space<hbm>>) dst(%arg9 : memref<512xi32, #tpu.memory_space<vmem>>)
      tpu.yield
    }) : () -> ()
    %get3A = arith.constant 0 : index
    %get3A_3 = tpu.vector_load %arg14[%get3A] {strides = array<i32>} : memref<48xf32, #tpu.memory_space<vmem>>, vector<16xf32>,
    %get3A_4 = arith.constant 16 : index
    %get3A_5 = tpu.vector_load %arg14[%get3A_4] {strides = array<i32>} : memref<48xf32, #tpu.memory_space<vmem>>, vector<16xf32>,
    %get3A_6 = arith.constant 32 : index
    %get3A_7 = tpu.vector_load %arg14[%get3A_6] {strides = array<i32>} : memref<48xf32, #tpu.memory_space<vmem>>, vector<16xf32>,
    %iota3A = tpu.iota {dimensions = array<i32: 0>} : vector<16xi32>
    %shift_right_arithmetic3A = arith.constant 3 : i32
    %shift_right_arithmetic3A_8 = vector.broadcast %shift_right_arithmetic3A : i32 to vector<16xi32>
    %shift_right_arithmetic3A_9 = arith.shrsi %iota3A, %shift_right_arithmetic3A_8 : vector<16xi32>
    %add3A_10 = arith.constant 2 : i32
    %add3A_11 = vector.broadcast %add3A_10 : i32 to vector<16xi32>
    %add3A_12 = arith.addi %shift_right_arithmetic3A_9, %add3A_11 : vector<16xi32>
    %and3A = arith.constant 7 : i32
    %and3A_13 = vector.broadcast %and3A : i32 to vector<16xi32>
    %and3A_14 = arith.andi %iota3A, %and3A_13 : vector<16xi32>
    %get3A_15 = arith.constant 0 : index
    %get3A_16 = tpu.vector_load %arg8[%get3A_15] {strides = array<i32>} : memref<512xi32, #tpu.memory_space<vmem>>, vector<16xi32>,
    %get3A_17 = arith.constant 0 : index
    %get3A_18 = tpu.vector_load %arg9[%get3A_17] {strides = array<i32>} : memref<512xi32, #tpu.memory_space<vmem>>, vector<16xi32>,
    %slice3A = vector.extract_strided_slice %get3A_16 {offsets = [0], sizes = [1], strides = [1]} : vector<16xi32> to vector<1xi32>
    %squeeze3A = vector.extract %slice3A[0] : i32 from vector<1xi32>
    %slice3A_19 = vector.extract_strided_slice %get3A_18 {offsets = [0], sizes = [1], strides = [1]} : vector<16xi32> to vector<1xi32>
    %squeeze3A_20 = vector.extract %slice3A_19[0] : i32 from vector<1xi32>
    %shift_right_arithmetic3A_21 = arith.constant 7 : i32
    %shift_right_arithmetic3A_22 = arith.shrsi %squeeze3A, %shift_right_arithmetic3A_21 : i32
    %mul3A_23 = arith.constant 128 : i32
    %mul3A_24 = arith.muli %shift_right_arithmetic3A_22, %mul3A_23 : i32
    %shift_right_arithmetic3A_25 = arith.constant 7 : i32
    %shift_right_arithmetic3A_26 = arith.shrsi %squeeze3A_20, %shift_right_arithmetic3A_25 : i32
    %mul3A_27 = arith.constant 128 : i32
    %mul3A_28 = arith.muli %shift_right_arithmetic3A_26, %mul3A_27 : i32
    %dma_start3A = arith.constant 0 : i32
    %dma_start3A_29 = arith.constant 0 : i32
    %dma_start3A_30 = arith.constant 0 : i32
    %dma_start3A_31 = arith.constant 0 : i32
    %dma_start3A_32 = arith.constant 0 : i32
    %dma_start3A_33 = tpu.memref_slice %arg10[%dma_start3A, %dma_start3A_29, %dma_start3A_30, %dma_start3A_31, %dma_start3A_32] : memref<2x4x4x8x128xf32, #tpu.memory_space<vmem>> -> memref<1x1x4x8x128xf32, #tpu.memory_space<vmem>>
    %dma_start3A_34 = tpu.memref_squeeze %dma_start3A_33 : memref<1x1x4x8x128xf32, #tpu.memory_space<vmem>> -> memref<4x8x128xf32, #tpu.memory_space<vmem>>
    %dma_start3A_35 = arith.constant 0 : i32
    %dma_start3A_36 = arith.constant 0 : i32
    %dma_start3A_37 = tpu.memref_slice %arg4[%dma_start3A_35, %dma_start3A_36, %mul3A_24] : memref<4x8x1000000xf32, #tpu.memory_space<hbm>> -> memref<4x8x128xf32, #tpu.memory_space<hbm>>
    %dma_start3A_38 = arith.constant 0 : i32
    %dma_start3A_39 = arith.constant 0 : i32
    %dma_start3A_40 = arith.constant 0 : i32
    %dma_start3A_41 = tpu.memref_slice %arg10[%dma_start3A, %dma_start3A_29, %dma_start3A_38, %dma_start3A_39, %dma_start3A_40] : memref<2x4x4x8x128xf32, #tpu.memory_space<vmem>> -> memref<1x1x4x8x128xf32, #tpu.memory_space<vmem>>
    %dma_start3A_42 = tpu.memref_squeeze %dma_start3A_41 : memref<1x1x4x8x128xf32, #tpu.memory_space<vmem>> -> memref<4x8x128xf32, #tpu.memory_space<vmem>>
    %dma_start3A_43 = arith.constant 0 : i32
    %dma_start3A_44 = arith.constant 0 : i32
    %dma_start3A_45 = tpu.memref_slice %arg4[%dma_start3A_43, %dma_start3A_44, %mul3A_24] : memref<4x8x1000000xf32, #tpu.memory_space<hbm>> -> memref<4x8x128xf32, #tpu.memory_space<hbm>>
    tpu.enqueue_dma source(%dma_start3A_45 : memref<4x8x128xf32, #tpu.memory_space<hbm>>) target(%dma_start3A_42 : memref<4x8x128xf32, #tpu.memory_space<vmem>>) target_semaphore(%arg15 : memref<!tpu.dma_semaphore, #tpu.memory_space<semaphore_mem>>)
    %dma_start3A_46 = arith.constant 0 : i32
    %dma_start3A_47 = arith.constant 0 : i32
    %dma_start3A_48 = arith.constant 0 : i32
    %dma_start3A_49 = arith.constant 0 : i32
    %dma_start3A_50 = arith.constant 0 : i32
    %dma_start3A_51 = tpu.memref_slice %arg11[%dma_start3A_46, %dma_start3A_47, %dma_start3A_48, %dma_start3A_49, %dma_start3A_50] : memref<2x4x4x8x128xf32, #tpu.memory_space<vmem>> -> memref<1x1x4x8x128xf32, #tpu.memory_space<vmem>>
    %dma_start3A_52 = tpu.memref_squeeze %dma_start3A_51 : memref<1x1x4x8x128xf32, #tpu.memory_space<vmem>> -> memref<4x8x128xf32, #tpu.memory_space<vmem>>
    %dma_start3A_53 = arith.constant 0 : i32
    %dma_start3A_54 = arith.constant 0 : i32
    %dma_start3A_55 = tpu.memref_slice %arg5[%dma_start3A_53, %dma_start3A_54, %mul3A_28] : memref<4x8x1000000xf32, #tpu.memory_space<hbm>> -> memref<4x8x128xf32, #tpu.memory_space<hbm>>
    %dma_start3A_56 = arith.constant 0 : i32
    %dma_start3A_57 = arith.constant 0 : i32
    %dma_start3A_58 = arith.constant 0 : i32
    %dma_start3A_59 = tpu.memref_slice %arg11[%dma_start3A_46, %dma_start3A_47, %dma_start3A_56, %dma_start3A_57, %dma_start3A_58] : memref<2x4x4x8x128xf32, #tpu.memory_space<vmem>> -> memref<1x1x4x8x128xf32, #tpu.memory_space<vmem>>
    %dma_start3A_60 = tpu.memref_squeeze %dma_start3A_59 : memref<1x1x4x8x128xf32, #tpu.memory_space<vmem>> -> memref<4x8x128xf32, #tpu.memory_space<vmem>>
    %dma_start3A_61 = arith.constant 0 : i32
    %dma_start3A_62 = arith.constant 0 : i32
    %dma_start3A_63 = tpu.memref_slice %arg5[%dma_start3A_61, %dma_start3A_62, %mul3A_28] : memref<4x8x1000000xf32, #tpu.memory_space<hbm>> -> memref<4x8x128xf32, #tpu.memory_space<hbm>>
    tpu.enqueue_dma source(%dma_start3A_63 : memref<4x8x128xf32, #tpu.memory_space<hbm>>) target(%dma_start3A_60 : memref<4x8x128xf32, #tpu.memory_space<vmem>>) target_semaphore(%arg15 : memref<!tpu.dma_semaphore, #tpu.memory_space<semaphore_mem>>)
    %slice3A_64 = vector.extract_strided_slice %get3A_16 {offsets = [1], sizes = [1], strides = [1]} : vector<16xi32> to vector<1xi32>
    %squeeze3A_65 = vector.extract %slice3A_64[0] : i32 from vector<1xi32>
    %slice3A_66 = vector.extract_strided_slice %get3A_18 {offsets = [1], sizes = [1], strides = [1]} : vector<16xi32> to vector<1xi32>
    %squeeze3A_67 = vector.extract %slice3A_66[0] : i32 from vector<1xi32>
    %shift_right_arithmetic3A_68 = arith.constant 7 : i32
    %shift_right_arithmetic3A_69 = arith.shrsi %squeeze3A_65, %shift_right_arithmetic3A_68 : i32
    %mul3A_70 = arith.constant 128 : i32
    %mul3A_71 = arith.muli %shift_right_arithmetic3A_69, %mul3A_70 : i32
    %shift_right_arithmetic3A_72 = arith.constant 7 : i32
    %shift_right_arithmetic3A_73 = arith.shrsi %squeeze3A_67, %shift_right_arithmetic3A_72 : i32
    %mul3A_74 = arith.constant 128 : i32
    %mul3A_75 = arith.muli %shift_right_arithmetic3A_73, %mul3A_74 : i32
    %dma_start3A_76 = arith.constant 0 : i32
    %dma_start3A_77 = arith.constant 1 : i32
    %dma_start3A_78 = arith.constant 0 : i32
    %dma_start3A_79 = arith.constant 0 : i32
    %dma_start3A_80 = arith.constant 0 : i32
    %dma_start3A_81 = tpu.memref_slice %arg10[%dma_start3A_76, %dma_start3A_77, %dma_start3A_78, %dma_start3A_79, %dma_start3A_80] : memref<2x4x4x8x128xf32, #tpu.memory_space<vmem>> -> memref<1x1x4x8x128xf32, #tpu.memory_space<vmem>>
    %dma_start3A_82 = tpu.memref_squeeze %dma_start3A_81 : memref<1x1x4x8x128xf32, #tpu.memory_space<vmem>> -> memref<4x8x128xf32, #tpu.memory_space<vmem>>
    %dma_start3A_83 = arith.constant 0 : i32
    %dma_start3A_84 = arith.constant 0 : i32
    %dma_start3A_85 = tpu.memref_slice %arg4[%dma_start3A_83, %dma_start3A_84, %mul3A_71] : memref<4x8x1000000xf32, #tpu.memory_space<hbm>> -> memref<4x8x128xf32, #tpu.memory_space<hbm>>
    %dma_start3A_86 = arith.constant 0 : i32
    %dma_start3A_87 = arith.constant 0 : i32
    %dma_start3A_88 = arith.constant 0 : i32
    %dma_start3A_89 = tpu.memref_slice %arg10[%dma_start3A_76, %dma_start3A_77, %dma_start3A_86, %dma_start3A_87, %dma_start3A_88] : memref<2x4x4x8x128xf32, #tpu.memory_space<vmem>> -> memref<1x1x4x8x128xf32, #tpu.memory_space<vmem>>
    %dma_start3A_90 = tpu.memref_squeeze %dma_start3A_89 : memref<1x1x4x8x128xf32, #tpu.memory_space<vmem>> -> memref<4x8x128xf32, #tpu.memory_space<vmem>>
    %dma_start3A_91 = arith.constant 0 : i32
    %dma_start3A_92 = arith.constant 0 : i32
    %dma_start3A_93 = tpu.memref_slice %arg4[%dma_start3A_91, %dma_start3A_92, %mul3A_71] : memref<4x8x1000000xf32, #tpu.memory_space<hbm>> -> memref<4x8x128xf32, #tpu.memory_space<hbm>>
    tpu.enqueue_dma source(%dma_start3A_93 : memref<4x8x128xf32, #tpu.memory_space<hbm>>) target(%dma_start3A_90 : memref<4x8x128xf32, #tpu.memory_space<vmem>>) target_semaphore(%arg15 : memref<!tpu.dma_semaphore, #tpu.memory_space<semaphore_mem>>)
    %dma_start3A_94 = arith.constant 0 : i32
    %dma_start3A_95 = arith.constant 1 : i32
    %dma_start3A_96 = arith.constant 0 : i32
    %dma_start3A_97 = arith.constant 0 : i32
    %dma_start3A_98 = arith.constant 0 : i32
    %dma_start3A_99 = tpu.memref_slice %arg11[%dma_start3A_94, %dma_start3A_95, %dma_start3A_96, %dma_start3A_97, %dma_start3A_98] : memref<2x4x4x8x128xf32, #tpu.memory_space<vmem>> -> memref<1x1x4x8x128xf32, #tpu.memory_space<vmem>>
    %dma_start3A_100 = tpu.memref_squeeze %dma_start3A_99 : memref<1x1x4x8x128xf32, #tpu.memory_space<vmem>> -> memref<4x8x128xf32, #tpu.memory_space<vmem>>
    %dma_start3A_101 = arith.constant 0 : i32
    %dma_start3A_102 = arith.constant 0 : i32
    %dma_start3A_103 = tpu.memref_slice %arg5[%dma_start3A_101, %dma_start3A_102, %mul3A_75] : memref<4x8x1000000xf32, #tpu.memory_space<hbm>> -> memref<4x8x128xf32, #tpu.memory_space<hbm>>
    %dma_start3A_104 = arith.constant 0 : i32
    %dma_start3A_105 = arith.constant 0 : i32
    %dma_start3A_106 = arith.constant 0 : i32
    %dma_start3A_107 = tpu.memref_slice %arg11[%dma_start3A_94, %dma_start3A_95, %dma_start3A_104, %dma_start3A_105, %dma_start3A_106] : memref<2x4x4x8x128xf32, #tpu.memory_space<vmem>> -> memref<1x1x4x8x128xf32, #tpu.memory_space<vmem>>
    %dma_start3A_108 = tpu.memref_squeeze %dma_start3A_107 : memref<1x1x4x8x128xf32, #tpu.memory_space<vmem>> -> memref<4x8x128xf32, #tpu.memory_space<vmem>>
    %dma_start3A_109 = arith.constant 0 : i32
    %dma_start3A_110 = arith.constant 0 : i32
    %dma_start3A_111 = tpu.memref_slice %arg5[%dma_start3A_109, %dma_start3A_110, %mul3A_75] : memref<4x8x1000000xf32, #tpu.memory_space<hbm>> -> memref<4x8x128xf32, #tpu.memory_space<hbm>>
    tpu.enqueue_dma source(%dma_start3A_111 : memref<4x8x128xf32, #tpu.memory_space<hbm>>) target(%dma_start3A_108 : memref<4x8x128xf32, #tpu.memory_space<vmem>>) target_semaphore(%arg15 : memref<!tpu.dma_semaphore, #tpu.memory_space<semaphore_mem>>)
    %slice3A_112 = vector.extract_strided_slice %get3A_16 {offsets = [2], sizes = [1], strides = [1]} : vector<16xi32> to vector<1xi32>
    %squeeze3A_113 = vector.extract %slice3A_112[0] : i32 from vector<1xi32>
    %slice3A_114 = vector.extract_strided_slice %get3A_18 {offsets = [2], sizes = [1], strides = [1]} : vector<16xi32> to vector<1xi32>
    %squeeze3A_115 = vector.extract %slice3A_114[0] : i32 from vector<1xi32>
    %shift_right_arithmetic3A_116 = arith.constant 7 : i32
    %shift_right_arithmetic3A_117 = arith.shrsi %squeeze3A_113, %shift_right_arithmetic3A_116 : i32
    %mul3A_118 = arith.constant 128 : i32
    %mul3A_119 = arith.muli %shift_right_arithmetic3A_117, %mul3A_118 : i32
    %shift_right_arithmetic3A_120 = arith.constant 7 : i32
    %shift_right_arithmetic3A_121 = arith.shrsi %squeeze3A_115, %shift_right_arithmetic3A_120 : i32
    %mul3A_122 = arith.constant 128 : i32
    %mul3A_123 = arith.muli %shift_right_arithmetic3A_121, %mul3A_122 : i32
    %dma_start3A_124 = arith.constant 0 : i32
    %dma_start3A_125 = arith.constant 2 : i32
    %dma_start3A_126 = arith.constant 0 : i32
    %dma_start3A_127 = arith.constant 0 : i32
    %dma_start3A_128 = arith.constant 0 : i32
    %dma_start3A_129 = tpu.memref_slice %arg10[%dma_start3A_124, %dma_start3A_125, %dma_start3A_126, %dma_start3A_127, %dma_start3A_128] : memref<2x4x4x8x128xf32, #tpu.memory_space<vmem>> -> memref<1x1x4x8x128xf32, #tpu.memory_space<vmem>>
    %dma_start3A_130 = tpu.memref_squeeze %dma_start3A_129 : memref<1x1x4x8x128xf32, #tpu.memory_space<vmem>> -> memref<4x8x128xf32, #tpu.memory_space<vmem>>
    %dma_start3A_131 = arith.constant 0 : i32
    %dma_start3A_132 = arith.constant 0 : i32
    %dma_start3A_133 = tpu.memref_slice %arg4[%dma_start3A_131, %dma_start3A_132, %mul3A_119] : memref<4x8x1000000xf32, #tpu.memory_space<hbm>> -> memref<4x8x128xf32, #tpu.memory_space<hbm>>
    %dma_start3A_134 = arith.constant 0 : i32
    %dma_start3A_135 = arith.constant 0 : i32
    %dma_start3A_136 = arith.constant 0 : i32
    %dma_start3A_137 = tpu.memref_slice %arg10[%dma_start3A_124, %dma_start3A_125, %dma_start3A_134, %dma_start3A_135, %dma_start3A_136] : memref<2x4x4x8x128xf32, #tpu.memory_space<vmem>> -> memref<1x1x4x8x128xf32, #tpu.memory_space<vmem>>
    %dma_start3A_138 = tpu.memref_squeeze %dma_start3A_137 : memref<1x1x4x8x128xf32, #tpu.memory_space<vmem>> -> memref<4x8x128xf32, #tpu.memory_space<vmem>>
    %dma_start3A_139 = arith.constant 0 : i32
    %dma_start3A_140 = arith.constant 0 : i32
    %dma_start3A_141 = tpu.memref_slice %arg4[%dma_start3A_139, %dma_start3A_140, %mul3A_119] : memref<4x8x1000000xf32, #tpu.memory_space<hbm>> -> memref<4x8x128xf32, #tpu.memory_space<hbm>>
    tpu.enqueue_dma source(%dma_start3A_141 : memref<4x8x128xf32, #tpu.memory_space<hbm>>) target(%dma_start3A_138 : memref<4x8x128xf32, #tpu.memory_space<vmem>>) target_semaphore(%arg15 : memref<!tpu.dma_semaphore, #tpu.memory_space<semaphore_mem>>)
    %dma_start3A_142 = arith.constant 0 : i32
    %dma_start3A_143 = arith.constant 2 : i32
    %dma_start3A_144 = arith.constant 0 : i32
    %dma_start3A_145 = arith.constant 0 : i32
    %dma_start3A_146 = arith.constant 0 : i32
    %dma_start3A_147 = tpu.memref_slice %arg11[%dma_start3A_142, %dma_start3A_143, %dma_start3A_144, %dma_start3A_145, %dma_start3A_146] : memref<2x4x4x8x128xf32, #tpu.memory_space<vmem>> -> memref<1x1x4x8x128xf32, #tpu.memory_space<vmem>>
    %dma_start3A_148 = tpu.memref_squeeze %dma_start3A_147 : memref<1x1x4x8x128xf32, #tpu.memory_space<vmem>> -> memref<4x8x128xf32, #tpu.memory_space<vmem>>
    %dma_start3A_149 = arith.constant 0 : i32
    %dma_start3A_150 = arith.constant 0 : i32
    %dma_start3A_151 = tpu.memref_slice %arg5[%dma_start3A_149, %dma_start3A_150, %mul3A_123] : memref<4x8x1000000xf32, #tpu.memory_space<hbm>> -> memref<4x8x128xf32, #tpu.memory_space<hbm>>
    %dma_start3A_152 = arith.constant 0 : i32
    %dma_start3A_153 = arith.constant 0 : i32
    %dma_start3A_154 = arith.constant 0 : i32
    %dma_start3A_155 = tpu.memref_slice %arg11[%dma_start3A_142, %dma_start3A_143, %dma_start3A_152, %dma_start3A_153, %dma_start3A_154] : memref<2x4x4x8x128xf32, #tpu.memory_space<vmem>> -> memref<1x1x4x8x128xf32, #tpu.memory_space<vmem>>
    %dma_start3A_156 = tpu.memref_squeeze %dma_start3A_155 : memref<1x1x4x8x128xf32, #tpu.memory_space<vmem>> -> memref<4x8x128xf32, #tpu.memory_space<vmem>>
    %dma_start3A_157 = arith.constant 0 : i32
    %dma_start3A_158 = arith.constant 0 : i32
    %dma_start3A_159 = tpu.memref_slice %arg5[%dma_start3A_157, %dma_start3A_158, %mul3A_123] : memref<4x8x1000000xf32, #tpu.memory_space<hbm>> -> memref<4x8x128xf32, #tpu.memory_space<hbm>>
    tpu.enqueue_dma source(%dma_start3A_159 : memref<4x8x128xf32, #tpu.memory_space<hbm>>) target(%dma_start3A_156 : memref<4x8x128xf32, #tpu.memory_space<vmem>>) target_semaphore(%arg15 : memref<!tpu.dma_semaphore, #tpu.memory_space<semaphore_mem>>)
    %slice3A_160 = vector.extract_strided_slice %get3A_16 {offsets = [3], sizes = [1], strides = [1]} : vector<16xi32> to vector<1xi32>
    %squeeze3A_161 = vector.extract %slice3A_160[0] : i32 from vector<1xi32>
    %slice3A_162 = vector.extract_strided_slice %get3A_18 {offsets = [3], sizes = [1], strides = [1]} : vector<16xi32> to vector<1xi32>
    %squeeze3A_163 = vector.extract %slice3A_162[0] : i32 from vector<1xi32>
    %shift_right_arithmetic3A_164 = arith.constant 7 : i32
    %shift_right_arithmetic3A_165 = arith.shrsi %squeeze3A_161, %shift_right_arithmetic3A_164 : i32
    %mul3A_166 = arith.constant 128 : i32
    %mul3A_167 = arith.muli %shift_right_arithmetic3A_165, %mul3A_166 : i32
    %shift_right_arithmetic3A_168 = arith.constant 7 : i32
    %shift_right_arithmetic3A_169 = arith.shrsi %squeeze3A_163, %shift_right_arithmetic3A_168 : i32
    %mul3A_170 = arith.constant 128 : i32
    %mul3A_171 = arith.muli %shift_right_arithmetic3A_169, %mul3A_170 : i32
    %dma_start3A_172 = arith.constant 0 : i32
    %dma_start3A_173 = arith.constant 3 : i32
    %dma_start3A_174 = arith.constant 0 : i32
    %dma_start3A_175 = arith.constant 0 : i32
    %dma_start3A_176 = arith.constant 0 : i32
    %dma_start3A_177 = tpu.memref_slice %arg10[%dma_start3A_172, %dma_start3A_173, %dma_start3A_174, %dma_start3A_175, %dma_start3A_176] : memref<2x4x4x8x128xf32, #tpu.memory_space<vmem>> -> memref<1x1x4x8x128xf32, #tpu.memory_space<vmem>>
    %dma_start3A_178 = tpu.memref_squeeze %dma_start3A_177 : memref<1x1x4x8x128xf32, #tpu.memory_space<vmem>> -> memref<4x8x128xf32, #tpu.memory_space<vmem>>
    %dma_start3A_179 = arith.constant 0 : i32
    %dma_start3A_180 = arith.constant 0 : i32
    %dma_start3A_181 = tpu.memref_slice %arg4[%dma_start3A_179, %dma_start3A_180, %mul3A_167] : memref<4x8x1000000xf32, #tpu.memory_space<hbm>> -> memref<4x8x128xf32, #tpu.memory_space<hbm>>
    %dma_start3A_182 = arith.constant 0 : i32
    %dma_start3A_183 = arith.constant 0 : i32
    %dma_start3A_184 = arith.constant 0 : i32
    %dma_start3A_185 = tpu.memref_slice %arg10[%dma_start3A_172, %dma_start3A_173, %dma_start3A_182, %dma_start3A_183, %dma_start3A_184] : memref<2x4x4x8x128xf32, #tpu.memory_space<vmem>> -> memref<1x1x4x8x128xf32, #tpu.memory_space<vmem>>
    %dma_start3A_186 = tpu.memref_squeeze %dma_start3A_185 : memref<1x1x4x8x128xf32, #tpu.memory_space<vmem>> -> memref<4x8x128xf32, #tpu.memory_space<vmem>>
    %dma_start3A_187 = arith.constant 0 : i32
    %dma_start3A_188 = arith.constant 0 : i32
    %dma_start3A_189 = tpu.memref_slice %arg4[%dma_start3A_187, %dma_start3A_188, %mul3A_167] : memref<4x8x1000000xf32, #tpu.memory_space<hbm>> -> memref<4x8x128xf32, #tpu.memory_space<hbm>>
    tpu.enqueue_dma source(%dma_start3A_189 : memref<4x8x128xf32, #tpu.memory_space<hbm>>) target(%dma_start3A_186 : memref<4x8x128xf32, #tpu.memory_space<vmem>>) target_semaphore(%arg15 : memref<!tpu.dma_semaphore, #tpu.memory_space<semaphore_mem>>)
    %dma_start3A_190 = arith.constant 0 : i32
    %dma_start3A_191 = arith.constant 3 : i32
    %dma_start3A_192 = arith.constant 0 : i32
    %dma_start3A_193 = arith.constant 0 : i32
    %dma_start3A_194 = arith.constant 0 : i32
    %dma_start3A_195 = tpu.memref_slice %arg11[%dma_start3A_190, %dma_start3A_191, %dma_start3A_192, %dma_start3A_193, %dma_start3A_194] : memref<2x4x4x8x128xf32, #tpu.memory_space<vmem>> -> memref<1x1x4x8x128xf32, #tpu.memory_space<vmem>>
    %dma_start3A_196 = tpu.memref_squeeze %dma_start3A_195 : memref<1x1x4x8x128xf32, #tpu.memory_space<vmem>> -> memref<4x8x128xf32, #tpu.memory_space<vmem>>
    %dma_start3A_197 = arith.constant 0 : i32
    %dma_start3A_198 = arith.constant 0 : i32
    %dma_start3A_199 = tpu.memref_slice %arg5[%dma_start3A_197, %dma_start3A_198, %mul3A_171] : memref<4x8x1000000xf32, #tpu.memory_space<hbm>> -> memref<4x8x128xf32, #tpu.memory_space<hbm>>
    %dma_start3A_200 = arith.constant 0 : i32
    %dma_start3A_201 = arith.constant 0 : i32
    %dma_start3A_202 = arith.constant 0 : i32
    %dma_start3A_203 = tpu.memref_slice %arg11[%dma_start3A_190, %dma_start3A_191, %dma_start3A_200, %dma_start3A_201, %dma_start3A_202] : memref<2x4x4x8x128xf32, #tpu.memory_space<vmem>> -> memref<1x1x4x8x128xf32, #tpu.memory_space<vmem>>
    %dma_start3A_204 = tpu.memref_squeeze %dma_start3A_203 : memref<1x1x4x8x128xf32, #tpu.memory_space<vmem>> -> memref<4x8x128xf32, #tpu.memory_space<vmem>>
    %dma_start3A_205 = arith.constant 0 : i32
    %dma_start3A_206 = arith.constant 0 : i32
    %dma_start3A_207 = tpu.memref_slice %arg5[%dma_start3A_205, %dma_start3A_206, %mul3A_171] : memref<4x8x1000000xf32, #tpu.memory_space<hbm>> -> memref<4x8x128xf32, #tpu.memory_space<hbm>>
    tpu.enqueue_dma source(%dma_start3A_207 : memref<4x8x128xf32, #tpu.memory_space<hbm>>) target(%dma_start3A_204 : memref<4x8x128xf32, #tpu.memory_space<vmem>>) target_semaphore(%arg15 : memref<!tpu.dma_semaphore, #tpu.memory_space<semaphore_mem>>)
    %scan3A = arith.constant 0 : i32
    %scan3A_208 = arith.constant 0 : i32
    %scan3A_209 = arith.constant 32 : i32
    %scan3A_210 = arith.addi %scan3A_208, %scan3A_209 : i32
    %scan3A_211 = arith.constant 1 : i32
    scf.for %scan3A_372 = %scan3A_208 to %scan3A_210 step %scan3A_211  : i32 {
      %mul3A_373 = arith.constant 16 : i32
      %mul3A_374 = arith.muli %scan3A_372, %mul3A_373 : i32
      %get3A_375 = arith.index_cast %mul3A_374 : i32 to index
      %get3A_376 = tpu.vector_load %arg8[%get3A_375] {strides = array<i32>} : memref<512xi32, #tpu.memory_space<vmem>>, vector<16xi32>,
      %mul3A_377 = arith.constant 16 : i32
      %mul3A_378 = arith.muli %scan3A_372, %mul3A_377 : i32
      %get3A_379 = arith.index_cast %mul3A_378 : i32 to index
      %get3A_380 = tpu.vector_load %arg9[%get3A_379] {strides = array<i32>} : memref<512xi32, #tpu.memory_space<vmem>>, vector<16xi32>,
      %add3A_381 = arith.constant 1 : i32
      %add3A_382 = arith.addi %scan3A_372, %add3A_381 : i32
      %mul3A_383 = arith.constant 16 : i32
      %mul3A_384 = arith.muli %add3A_382, %mul3A_383 : i32
      %jit3A = arith.constant 31 : i32
      %div3A = arith.divsi %scan3A_372, %jit3A : i32
      %sign3A = arith.constant 0 : i32
      %sign3A_385 = arith.cmpi sgt, %scan3A_372, %sign3A : i32
      %sign3A_386 = arith.extui %sign3A_385 : i1 to i32
      %sign3A_387 = arith.constant 0 : i32
      %sign3A_388 = arith.cmpi slt, %scan3A_372, %sign3A_387 : i32
      %sign3A_389 = arith.extui %sign3A_388 : i1 to i32
      %sign3A_390 = arith.subi %sign3A_386, %sign3A_389 : i32
      %sign3A_391 = arith.constant 0 : i32
      %sign3A_392 = arith.cmpi sgt, %jit3A, %sign3A_391 : i32
      %sign3A_393 = arith.extui %sign3A_392 : i1 to i32
      %sign3A_394 = arith.constant 0 : i32
      %sign3A_395 = arith.cmpi slt, %jit3A, %sign3A_394 : i32
      %sign3A_396 = arith.extui %sign3A_395 : i1 to i32
      %sign3A_397 = arith.subi %sign3A_393, %sign3A_396 : i32
      %ne3A = arith.cmpi ne, %sign3A_390, %sign3A_397 : i32
      %rem3A = arith.remsi %scan3A_372, %jit3A : i32
      %ne3A_398 = arith.constant 0 : i32
      %ne3A_399 = arith.cmpi ne, %rem3A, %ne3A_398 : i32
      %and3A_400 = arith.andi %ne3A, %ne3A_399 : i1
      %sub3A = arith.constant 1 : i32
      %sub3A_401 = arith.subi %div3A, %sub3A : i32
      %select_n3A = arith.select %and3A_400, %sub3A_401, %div3A : i32
      %mul3A_402 = arith.constant 512 : i32
      %mul3A_403 = arith.muli %mul3A_402, %select_n3A : i32
      %sub3A_404 = arith.subi %mul3A_384, %mul3A_403 : i32
      %get3A_405 = arith.index_cast %sub3A_404 : i32 to index
      %get3A_406 = tpu.vector_load %arg8[%get3A_405] {strides = array<i32>} : memref<512xi32, #tpu.memory_space<vmem>>, vector<16xi32>,
      %add3A_407 = arith.constant 1 : i32
      %add3A_408 = arith.addi %scan3A_372, %add3A_407 : i32
      %mul3A_409 = arith.constant 16 : i32
      %mul3A_410 = arith.muli %add3A_408, %mul3A_409 : i32
      %jit3A_411 = arith.constant 31 : i32
      %div3A_412 = arith.divsi %scan3A_372, %jit3A_411 : i32
      %sign3A_413 = arith.constant 0 : i32
      %sign3A_414 = arith.cmpi sgt, %scan3A_372, %sign3A_413 : i32
      %sign3A_415 = arith.extui %sign3A_414 : i1 to i32
      %sign3A_416 = arith.constant 0 : i32
      %sign3A_417 = arith.cmpi slt, %scan3A_372, %sign3A_416 : i32
      %sign3A_418 = arith.extui %sign3A_417 : i1 to i32
      %sign3A_419 = arith.subi %sign3A_415, %sign3A_418 : i32
      %sign3A_420 = arith.constant 0 : i32
      %sign3A_421 = arith.cmpi sgt, %jit3A_411, %sign3A_420 : i32
      %sign3A_422 = arith.extui %sign3A_421 : i1 to i32
      %sign3A_423 = arith.constant 0 : i32
      %sign3A_424 = arith.cmpi slt, %jit3A_411, %sign3A_423 : i32
      %sign3A_425 = arith.extui %sign3A_424 : i1 to i32
      %sign3A_426 = arith.subi %sign3A_422, %sign3A_425 : i32
      %ne3A_427 = arith.cmpi ne, %sign3A_419, %sign3A_426 : i32
      %rem3A_428 = arith.remsi %scan3A_372, %jit3A_411 : i32
      %ne3A_429 = arith.constant 0 : i32
      %ne3A_430 = arith.cmpi ne, %rem3A_428, %ne3A_429 : i32
      %and3A_431 = arith.andi %ne3A_427, %ne3A_430 : i1
      %sub3A_432 = arith.constant 1 : i32
      %sub3A_433 = arith.subi %div3A_412, %sub3A_432 : i32
      %select_n3A_434 = arith.select %and3A_431, %sub3A_433, %div3A_412 : i32
      %mul3A_435 = arith.constant 512 : i32
      %mul3A_436 = arith.muli %mul3A_435, %select_n3A_434 : i32
      %sub3A_437 = arith.subi %mul3A_410, %mul3A_436 : i32
      %get3A_438 = arith.index_cast %sub3A_437 : i32 to index
      %get3A_439 = tpu.vector_load %arg9[%get3A_438] {strides = array<i32>} : memref<512xi32, #tpu.memory_space<vmem>>, vector<16xi32>,
      %dma_wait3A_440 = arith.constant 0 : i32
      %dma_wait3A_441 = arith.constant 0 : i32
      %dma_wait3A_442 = arith.constant 0 : i32
      %dma_wait3A_443 = arith.constant 0 : i32
      %dma_wait3A_444 = arith.constant 0 : i32
      %dma_wait3A_445 = tpu.memref_slice %arg10[%dma_wait3A_440, %dma_wait3A_441, %dma_wait3A_442, %dma_wait3A_443, %dma_wait3A_444] : memref<2x4x4x8x128xf32, #tpu.memory_space<vmem>> -> memref<1x1x4x8x128xf32, #tpu.memory_space<vmem>>
      %dma_wait3A_446 = tpu.memref_squeeze %dma_wait3A_445 : memref<1x1x4x8x128xf32, #tpu.memory_space<vmem>> -> memref<4x8x128xf32, #tpu.memory_space<vmem>>
      %dma_wait3A_447 = arith.constant 0 : i32
      %dma_wait3A_448 = arith.constant 0 : i32
      %dma_wait3A_449 = arith.constant 0 : i32
      %dma_wait3A_450 = tpu.memref_slice %arg4[%dma_wait3A_447, %dma_wait3A_448, %dma_wait3A_449] : memref<4x8x1000000xf32, #tpu.memory_space<hbm>> -> memref<4x8x128xf32, #tpu.memory_space<hbm>>
      %dma_wait3A_451 = arith.constant 0 : i32
      %dma_wait3A_452 = arith.constant 0 : i32
      %dma_wait3A_453 = arith.constant 0 : i32
      %dma_wait3A_454 = tpu.memref_slice %arg10[%dma_wait3A_440, %dma_wait3A_441, %dma_wait3A_451, %dma_wait3A_452, %dma_wait3A_453] : memref<2x4x4x8x128xf32, #tpu.memory_space<vmem>> -> memref<1x1x4x8x128xf32, #tpu.memory_space<vmem>>
      %dma_wait3A_455 = tpu.memref_squeeze %dma_wait3A_454 : memref<1x1x4x8x128xf32, #tpu.memory_space<vmem>> -> memref<4x8x128xf32, #tpu.memory_space<vmem>>
      %dma_wait3A_456 = arith.constant 0 : i32
      %dma_wait3A_457 = arith.constant 0 : i32
      %dma_wait3A_458 = arith.constant 0 : i32
      %dma_wait3A_459 = tpu.memref_slice %arg4[%dma_wait3A_456, %dma_wait3A_457, %dma_wait3A_458] : memref<4x8x1000000xf32, #tpu.memory_space<hbm>> -> memref<4x8x128xf32, #tpu.memory_space<hbm>>
      tpu.wait_dma2 semaphore(%arg15 : memref<!tpu.dma_semaphore, #tpu.memory_space<semaphore_mem>>) src(%dma_wait3A_459 : memref<4x8x128xf32, #tpu.memory_space<hbm>>) dst(%dma_wait3A_455 : memref<4x8x128xf32, #tpu.memory_space<vmem>>)
      %dma_wait3A_460 = arith.constant 0 : i32
      %dma_wait3A_461 = arith.constant 0 : i32
      %dma_wait3A_462 = arith.constant 0 : i32
      %dma_wait3A_463 = arith.constant 0 : i32
      %dma_wait3A_464 = arith.constant 0 : i32
      %dma_wait3A_465 = tpu.memref_slice %arg11[%dma_wait3A_460, %dma_wait3A_461, %dma_wait3A_462, %dma_wait3A_463, %dma_wait3A_464] : memref<2x4x4x8x128xf32, #tpu.memory_space<vmem>> -> memref<1x1x4x8x128xf32, #tpu.memory_space<vmem>>
      %dma_wait3A_466 = tpu.memref_squeeze %dma_wait3A_465 : memref<1x1x4x8x128xf32, #tpu.memory_space<vmem>> -> memref<4x8x128xf32, #tpu.memory_space<vmem>>
      %dma_wait3A_467 = arith.constant 0 : i32
      %dma_wait3A_468 = arith.constant 0 : i32
      %dma_wait3A_469 = arith.constant 0 : i32
      %dma_wait3A_470 = tpu.memref_slice %arg5[%dma_wait3A_467, %dma_wait3A_468, %dma_wait3A_469] : memref<4x8x1000000xf32, #tpu.memory_space<hbm>> -> memref<4x8x128xf32, #tpu.memory_space<hbm>>
      %dma_wait3A_471 = arith.constant 0 : i32
      %dma_wait3A_472 = arith.constant 0 : i32
      %dma_wait3A_473 = arith.constant 0 : i32
      %dma_wait3A_474 = tpu.memref_slice %arg11[%dma_wait3A_460, %dma_wait3A_461, %dma_wait3A_471, %dma_wait3A_472, %dma_wait3A_473] : memref<2x4x4x8x128xf32, #tpu.memory_space<vmem>> -> memref<1x1x4x8x128xf32, #tpu.memory_space<vmem>>
      %dma_wait3A_475 = tpu.memref_squeeze %dma_wait3A_474 : memref<1x1x4x8x128xf32, #tpu.memory_space<vmem>> -> memref<4x8x128xf32, #tpu.memory_space<vmem>>
      %dma_wait3A_476 = arith.constant 0 : i32
      %dma_wait3A_477 = arith.constant 0 : i32
      %dma_wait3A_478 = arith.constant 0 : i32
      %dma_wait3A_479 = tpu.memref_slice %arg5[%dma_wait3A_476, %dma_wait3A_477, %dma_wait3A_478] : memref<4x8x1000000xf32, #tpu.memory_space<hbm>> -> memref<4x8x128xf32, #tpu.memory_space<hbm>>
      tpu.wait_dma2 semaphore(%arg15 : memref<!tpu.dma_semaphore, #tpu.memory_space<semaphore_mem>>) src(%dma_wait3A_479 : memref<4x8x128xf32, #tpu.memory_space<hbm>>) dst(%dma_wait3A_475 : memref<4x8x128xf32, #tpu.memory_space<vmem>>)
      %dma_wait3A_480 = arith.constant 0 : i32
      %dma_wait3A_481 = arith.constant 1 : i32
      %dma_wait3A_482 = arith.constant 0 : i32
      %dma_wait3A_483 = arith.constant 0 : i32
      %dma_wait3A_484 = arith.constant 0 : i32
      %dma_wait3A_485 = tpu.memref_slice %arg10[%dma_wait3A_480, %dma_wait3A_481, %dma_wait3A_482, %dma_wait3A_483, %dma_wait3A_484] : memref<2x4x4x8x128xf32, #tpu.memory_space<vmem>> -> memref<1x1x4x8x128xf32, #tpu.memory_space<vmem>>
      %dma_wait3A_486 = tpu.memref_squeeze %dma_wait3A_485 : memref<1x1x4x8x128xf32, #tpu.memory_space<vmem>> -> memref<4x8x128xf32, #tpu.memory_space<vmem>>
      %dma_wait3A_487 = arith.constant 0 : i32
      %dma_wait3A_488 = arith.constant 0 : i32
      %dma_wait3A_489 = arith.constant 0 : i32
      %dma_wait3A_490 = tpu.memref_slice %arg4[%dma_wait3A_487, %dma_wait3A_488, %dma_wait3A_489] : memref<4x8x1000000xf32, #tpu.memory_space<hbm>> -> memref<4x8x128xf32, #tpu.memory_space<hbm>>
      %dma_wait3A_491 = arith.constant 0 : i32
      %dma_wait3A_492 = arith.constant 0 : i32
      %dma_wait3A_493 = arith.constant 0 : i32
      %dma_wait3A_494 = tpu.memref_slice %arg10[%dma_wait3A_480, %dma_wait3A_481, %dma_wait3A_491, %dma_wait3A_492, %dma_wait3A_493] : memref<2x4x4x8x128xf32, #tpu.memory_space<vmem>> -> memref<1x1x4x8x128xf32, #tpu.memory_space<vmem>>
      %dma_wait3A_495 = tpu.memref_squeeze %dma_wait3A_494 : memref<1x1x4x8x128xf32, #tpu.memory_space<vmem>> -> memref<4x8x128xf32, #tpu.memory_space<vmem>>
      %dma_wait3A_496 = arith.constant 0 : i32
      %dma_wait3A_497 = arith.constant 0 : i32
      %dma_wait3A_498 = arith.constant 0 : i32
      %dma_wait3A_499 = tpu.memref_slice %arg4[%dma_wait3A_496, %dma_wait3A_497, %dma_wait3A_498] : memref<4x8x1000000xf32, #tpu.memory_space<hbm>> -> memref<4x8x128xf32, #tpu.memory_space<hbm>>
      tpu.wait_dma2 semaphore(%arg15 : memref<!tpu.dma_semaphore, #tpu.memory_space<semaphore_mem>>) src(%dma_wait3A_499 : memref<4x8x128xf32, #tpu.memory_space<hbm>>) dst(%dma_wait3A_495 : memref<4x8x128xf32, #tpu.memory_space<vmem>>)
      %dma_wait3A_500 = arith.constant 0 : i32
      %dma_wait3A_501 = arith.constant 1 : i32
      %dma_wait3A_502 = arith.constant 0 : i32
      %dma_wait3A_503 = arith.constant 0 : i32
      %dma_wait3A_504 = arith.constant 0 : i32
      %dma_wait3A_505 = tpu.memref_slice %arg11[%dma_wait3A_500, %dma_wait3A_501, %dma_wait3A_502, %dma_wait3A_503, %dma_wait3A_504] : memref<2x4x4x8x128xf32, #tpu.memory_space<vmem>> -> memref<1x1x4x8x128xf32, #tpu.memory_space<vmem>>
      %dma_wait3A_506 = tpu.memref_squeeze %dma_wait3A_505 : memref<1x1x4x8x128xf32, #tpu.memory_space<vmem>> -> memref<4x8x128xf32, #tpu.memory_space<vmem>>
      %dma_wait3A_507 = arith.constant 0 : i32
      %dma_wait3A_508 = arith.constant 0 : i32
      %dma_wait3A_509 = arith.constant 0 : i32
      %dma_wait3A_510 = tpu.memref_slice %arg5[%dma_wait3A_507, %dma_wait3A_508, %dma_wait3A_509] : memref<4x8x1000000xf32, #tpu.memory_space<hbm>> -> memref<4x8x128xf32, #tpu.memory_space<hbm>>
      %dma_wait3A_511 = arith.constant 0 : i32
      %dma_wait3A_512 = arith.constant 0 : i32
      %dma_wait3A_513 = arith.constant 0 : i32
      %dma_wait3A_514 = tpu.memref_slice %arg11[%dma_wait3A_500, %dma_wait3A_501, %dma_wait3A_511, %dma_wait3A_512, %dma_wait3A_513] : memref<2x4x4x8x128xf32, #tpu.memory_space<vmem>> -> memref<1x1x4x8x128xf32, #tpu.memory_space<vmem>>
      %dma_wait3A_515 = tpu.memref_squeeze %dma_wait3A_514 : memref<1x1x4x8x128xf32, #tpu.memory_space<vmem>> -> memref<4x8x128xf32, #tpu.memory_space<vmem>>
      %dma_wait3A_516 = arith.constant 0 : i32
      %dma_wait3A_517 = arith.constant 0 : i32
      %dma_wait3A_518 = arith.constant 0 : i32
      %dma_wait3A_519 = tpu.memref_slice %arg5[%dma_wait3A_516, %dma_wait3A_517, %dma_wait3A_518] : memref<4x8x1000000xf32, #tpu.memory_space<hbm>> -> memref<4x8x128xf32, #tpu.memory_space<hbm>>
      tpu.wait_dma2 semaphore(%arg15 : memref<!tpu.dma_semaphore, #tpu.memory_space<semaphore_mem>>) src(%dma_wait3A_519 : memref<4x8x128xf32, #tpu.memory_space<hbm>>) dst(%dma_wait3A_515 : memref<4x8x128xf32, #tpu.memory_space<vmem>>)
      %dma_wait3A_520 = arith.constant 0 : i32
      %dma_wait3A_521 = arith.constant 2 : i32
      %dma_wait3A_522 = arith.constant 0 : i32
      %dma_wait3A_523 = arith.constant 0 : i32
      %dma_wait3A_524 = arith.constant 0 : i32
      %dma_wait3A_525 = tpu.memref_slice %arg10[%dma_wait3A_520, %dma_wait3A_521, %dma_wait3A_522, %dma_wait3A_523, %dma_wait3A_524] : memref<2x4x4x8x128xf32, #tpu.memory_space<vmem>> -> memref<1x1x4x8x128xf32, #tpu.memory_space<vmem>>
      %dma_wait3A_526 = tpu.memref_squeeze %dma_wait3A_525 : memref<1x1x4x8x128xf32, #tpu.memory_space<vmem>> -> memref<4x8x128xf32, #tpu.memory_space<vmem>>
      %dma_wait3A_527 = arith.constant 0 : i32
      %dma_wait3A_528 = arith.constant 0 : i32
      %dma_wait3A_529 = arith.constant 0 : i32
      %dma_wait3A_530 = tpu.memref_slice %arg4[%dma_wait3A_527, %dma_wait3A_528, %dma_wait3A_529] : memref<4x8x1000000xf32, #tpu.memory_space<hbm>> -> memref<4x8x128xf32, #tpu.memory_space<hbm>>
      %dma_wait3A_531 = arith.constant 0 : i32
      %dma_wait3A_532 = arith.constant 0 : i32
      %dma_wait3A_533 = arith.constant 0 : i32
      %dma_wait3A_534 = tpu.memref_slice %arg10[%dma_wait3A_520, %dma_wait3A_521, %dma_wait3A_531, %dma_wait3A_532, %dma_wait3A_533] : memref<2x4x4x8x128xf32, #tpu.memory_space<vmem>> -> memref<1x1x4x8x128xf32, #tpu.memory_space<vmem>>
      %dma_wait3A_535 = tpu.memref_squeeze %dma_wait3A_534 : memref<1x1x4x8x128xf32, #tpu.memory_space<vmem>> -> memref<4x8x128xf32, #tpu.memory_space<vmem>>
      %dma_wait3A_536 = arith.constant 0 : i32
      %dma_wait3A_537 = arith.constant 0 : i32
      %dma_wait3A_538 = arith.constant 0 : i32
      %dma_wait3A_539 = tpu.memref_slice %arg4[%dma_wait3A_536, %dma_wait3A_537, %dma_wait3A_538] : memref<4x8x1000000xf32, #tpu.memory_space<hbm>> -> memref<4x8x128xf32, #tpu.memory_space<hbm>>
      tpu.wait_dma2 semaphore(%arg15 : memref<!tpu.dma_semaphore, #tpu.memory_space<semaphore_mem>>) src(%dma_wait3A_539 : memref<4x8x128xf32, #tpu.memory_space<hbm>>) dst(%dma_wait3A_535 : memref<4x8x128xf32, #tpu.memory_space<vmem>>)
      %dma_wait3A_540 = arith.constant 0 : i32
      %dma_wait3A_541 = arith.constant 2 : i32
      %dma_wait3A_542 = arith.constant 0 : i32
      %dma_wait3A_543 = arith.constant 0 : i32
      %dma_wait3A_544 = arith.constant 0 : i32
      %dma_wait3A_545 = tpu.memref_slice %arg11[%dma_wait3A_540, %dma_wait3A_541, %dma_wait3A_542, %dma_wait3A_543, %dma_wait3A_544] : memref<2x4x4x8x128xf32, #tpu.memory_space<vmem>> -> memref<1x1x4x8x128xf32, #tpu.memory_space<vmem>>
      %dma_wait3A_546 = tpu.memref_squeeze %dma_wait3A_545 : memref<1x1x4x8x128xf32, #tpu.memory_space<vmem>> -> memref<4x8x128xf32, #tpu.memory_space<vmem>>
      %dma_wait3A_547 = arith.constant 0 : i32
      %dma_wait3A_548 = arith.constant 0 : i32
      %dma_wait3A_549 = arith.constant 0 : i32
      %dma_wait3A_550 = tpu.memref_slice %arg5[%dma_wait3A_547, %dma_wait3A_548, %dma_wait3A_549] : memref<4x8x1000000xf32, #tpu.memory_space<hbm>> -> memref<4x8x128xf32, #tpu.memory_space<hbm>>
      %dma_wait3A_551 = arith.constant 0 : i32
      %dma_wait3A_552 = arith.constant 0 : i32
      %dma_wait3A_553 = arith.constant 0 : i32
      %dma_wait3A_554 = tpu.memref_slice %arg11[%dma_wait3A_540, %dma_wait3A_541, %dma_wait3A_551, %dma_wait3A_552, %dma_wait3A_553] : memref<2x4x4x8x128xf32, #tpu.memory_space<vmem>> -> memref<1x1x4x8x128xf32, #tpu.memory_space<vmem>>
      %dma_wait3A_555 = tpu.memref_squeeze %dma_wait3A_554 : memref<1x1x4x8x128xf32, #tpu.memory_space<vmem>> -> memref<4x8x128xf32, #tpu.memory_space<vmem>>
      %dma_wait3A_556 = arith.constant 0 : i32
      %dma_wait3A_557 = arith.constant 0 : i32
      %dma_wait3A_558 = arith.constant 0 : i32
      %dma_wait3A_559 = tpu.memref_slice %arg5[%dma_wait3A_556, %dma_wait3A_557, %dma_wait3A_558] : memref<4x8x1000000xf32, #tpu.memory_space<hbm>> -> memref<4x8x128xf32, #tpu.memory_space<hbm>>
      tpu.wait_dma2 semaphore(%arg15 : memref<!tpu.dma_semaphore, #tpu.memory_space<semaphore_mem>>) src(%dma_wait3A_559 : memref<4x8x128xf32, #tpu.memory_space<hbm>>) dst(%dma_wait3A_555 : memref<4x8x128xf32, #tpu.memory_space<vmem>>)
      %dma_wait3A_560 = arith.constant 0 : i32
      %dma_wait3A_561 = arith.constant 3 : i32
      %dma_wait3A_562 = arith.constant 0 : i32
      %dma_wait3A_563 = arith.constant 0 : i32
      %dma_wait3A_564 = arith.constant 0 : i32
      %dma_wait3A_565 = tpu.memref_slice %arg10[%dma_wait3A_560, %dma_wait3A_561, %dma_wait3A_562, %dma_wait3A_563, %dma_wait3A_564] : memref<2x4x4x8x128xf32, #tpu.memory_space<vmem>> -> memref<1x1x4x8x128xf32, #tpu.memory_space<vmem>>
      %dma_wait3A_566 = tpu.memref_squeeze %dma_wait3A_565 : memref<1x1x4x8x128xf32, #tpu.memory_space<vmem>> -> memref<4x8x128xf32, #tpu.memory_space<vmem>>
      %dma_wait3A_567 = arith.constant 0 : i32
      %dma_wait3A_568 = arith.constant 0 : i32
      %dma_wait3A_569 = arith.constant 0 : i32
      %dma_wait3A_570 = tpu.memref_slice %arg4[%dma_wait3A_567, %dma_wait3A_568, %dma_wait3A_569] : memref<4x8x1000000xf32, #tpu.memory_space<hbm>> -> memref<4x8x128xf32, #tpu.memory_space<hbm>>
      %dma_wait3A_571 = arith.constant 0 : i32
      %dma_wait3A_572 = arith.constant 0 : i32
      %dma_wait3A_573 = arith.constant 0 : i32
      %dma_wait3A_574 = tpu.memref_slice %arg10[%dma_wait3A_560, %dma_wait3A_561, %dma_wait3A_571, %dma_wait3A_572, %dma_wait3A_573] : memref<2x4x4x8x128xf32, #tpu.memory_space<vmem>> -> memref<1x1x4x8x128xf32, #tpu.memory_space<vmem>>
      %dma_wait3A_575 = tpu.memref_squeeze %dma_wait3A_574 : memref<1x1x4x8x128xf32, #tpu.memory_space<vmem>> -> memref<4x8x128xf32, #tpu.memory_space<vmem>>
      %dma_wait3A_576 = arith.constant 0 : i32
      %dma_wait3A_577 = arith.constant 0 : i32
      %dma_wait3A_578 = arith.constant 0 : i32
      %dma_wait3A_579 = tpu.memref_slice %arg4[%dma_wait3A_576, %dma_wait3A_577, %dma_wait3A_578] : memref<4x8x1000000xf32, #tpu.memory_space<hbm>> -> memref<4x8x128xf32, #tpu.memory_space<hbm>>
      tpu.wait_dma2 semaphore(%arg15 : memref<!tpu.dma_semaphore, #tpu.memory_space<semaphore_mem>>) src(%dma_wait3A_579 : memref<4x8x128xf32, #tpu.memory_space<hbm>>) dst(%dma_wait3A_575 : memref<4x8x128xf32, #tpu.memory_space<vmem>>)
      %dma_wait3A_580 = arith.constant 0 : i32
      %dma_wait3A_581 = arith.constant 3 : i32
      %dma_wait3A_582 = arith.constant 0 : i32
      %dma_wait3A_583 = arith.constant 0 : i32
      %dma_wait3A_584 = arith.constant 0 : i32
      %dma_wait3A_585 = tpu.memref_slice %arg11[%dma_wait3A_580, %dma_wait3A_581, %dma_wait3A_582, %dma_wait3A_583, %dma_wait3A_584] : memref<2x4x4x8x128xf32, #tpu.memory_space<vmem>> -> memref<1x1x4x8x128xf32, #tpu.memory_space<vmem>>
      %dma_wait3A_586 = tpu.memref_squeeze %dma_wait3A_585 : memref<1x1x4x8x128xf32, #tpu.memory_space<vmem>> -> memref<4x8x128xf32, #tpu.memory_space<vmem>>
      %dma_wait3A_587 = arith.constant 0 : i32
      %dma_wait3A_588 = arith.constant 0 : i32
      %dma_wait3A_589 = arith.constant 0 : i32
      %dma_wait3A_590 = tpu.memref_slice %arg5[%dma_wait3A_587, %dma_wait3A_588, %dma_wait3A_589] : memref<4x8x1000000xf32, #tpu.memory_space<hbm>> -> memref<4x8x128xf32, #tpu.memory_space<hbm>>
      %dma_wait3A_591 = arith.constant 0 : i32
      %dma_wait3A_592 = arith.constant 0 : i32
      %dma_wait3A_593 = arith.constant 0 : i32
      %dma_wait3A_594 = tpu.memref_slice %arg11[%dma_wait3A_580, %dma_wait3A_581, %dma_wait3A_591, %dma_wait3A_592, %dma_wait3A_593] : memref<2x4x4x8x128xf32, #tpu.memory_space<vmem>> -> memref<1x1x4x8x128xf32, #tpu.memory_space<vmem>>
      %dma_wait3A_595 = tpu.memref_squeeze %dma_wait3A_594 : memref<1x1x4x8x128xf32, #tpu.memory_space<vmem>> -> memref<4x8x128xf32, #tpu.memory_space<vmem>>
      %dma_wait3A_596 = arith.constant 0 : i32
      %dma_wait3A_597 = arith.constant 0 : i32
      %dma_wait3A_598 = arith.constant 0 : i32
      %dma_wait3A_599 = tpu.memref_slice %arg5[%dma_wait3A_596, %dma_wait3A_597, %dma_wait3A_598] : memref<4x8x1000000xf32, #tpu.memory_space<hbm>> -> memref<4x8x128xf32, #tpu.memory_space<hbm>>
      tpu.wait_dma2 semaphore(%arg15 : memref<!tpu.dma_semaphore, #tpu.memory_space<semaphore_mem>>) src(%dma_wait3A_599 : memref<4x8x128xf32, #tpu.memory_space<hbm>>) dst(%dma_wait3A_595 : memref<4x8x128xf32, #tpu.memory_space<vmem>>)
      %slice3A_600 = vector.extract_strided_slice %get3A_376 {offsets = [4], sizes = [1], strides = [1]} : vector<16xi32> to vector<1xi32>
      %squeeze3A_601 = vector.extract %slice3A_600[0] : i32 from vector<1xi32>
      %slice3A_602 = vector.extract_strided_slice %get3A_380 {offsets = [4], sizes = [1], strides = [1]} : vector<16xi32> to vector<1xi32>
      %squeeze3A_603 = vector.extract %slice3A_602[0] : i32 from vector<1xi32>
      %shift_right_arithmetic3A_604 = arith.constant 7 : i32
      %shift_right_arithmetic3A_605 = arith.shrsi %squeeze3A_601, %shift_right_arithmetic3A_604 : i32
      %mul3A_606 = arith.constant 128 : i32
      %mul3A_607 = arith.muli %shift_right_arithmetic3A_605, %mul3A_606 : i32
      %shift_right_arithmetic3A_608 = arith.constant 7 : i32
      %shift_right_arithmetic3A_609 = arith.shrsi %squeeze3A_603, %shift_right_arithmetic3A_608 : i32
      %mul3A_610 = arith.constant 128 : i32
      %mul3A_611 = arith.muli %shift_right_arithmetic3A_609, %mul3A_610 : i32
      %dma_start3A_612 = arith.constant 1 : i32
      %dma_start3A_613 = arith.constant 0 : i32
      %dma_start3A_614 = arith.constant 0 : i32
      %dma_start3A_615 = arith.constant 0 : i32
      %dma_start3A_616 = arith.constant 0 : i32
      %dma_start3A_617 = tpu.memref_slice %arg10[%dma_start3A_612, %dma_start3A_613, %dma_start3A_614, %dma_start3A_615, %dma_start3A_616] : memref<2x4x4x8x128xf32, #tpu.memory_space<vmem>> -> memref<1x1x4x8x128xf32, #tpu.memory_space<vmem>>
      %dma_start3A_618 = tpu.memref_squeeze %dma_start3A_617 : memref<1x1x4x8x128xf32, #tpu.memory_space<vmem>> -> memref<4x8x128xf32, #tpu.memory_space<vmem>>
      %dma_start3A_619 = arith.constant 0 : i32
      %dma_start3A_620 = arith.constant 0 : i32
      %dma_start3A_621 = tpu.memref_slice %arg4[%dma_start3A_619, %dma_start3A_620, %mul3A_607] : memref<4x8x1000000xf32, #tpu.memory_space<hbm>> -> memref<4x8x128xf32, #tpu.memory_space<hbm>>
      %dma_start3A_622 = arith.constant 0 : i32
      %dma_start3A_623 = arith.constant 0 : i32
      %dma_start3A_624 = arith.constant 0 : i32
      %dma_start3A_625 = tpu.memref_slice %arg10[%dma_start3A_612, %dma_start3A_613, %dma_start3A_622, %dma_start3A_623, %dma_start3A_624] : memref<2x4x4x8x128xf32, #tpu.memory_space<vmem>> -> memref<1x1x4x8x128xf32, #tpu.memory_space<vmem>>
      %dma_start3A_626 = tpu.memref_squeeze %dma_start3A_625 : memref<1x1x4x8x128xf32, #tpu.memory_space<vmem>> -> memref<4x8x128xf32, #tpu.memory_space<vmem>>
      %dma_start3A_627 = arith.constant 0 : i32
      %dma_start3A_628 = arith.constant 0 : i32
      %dma_start3A_629 = tpu.memref_slice %arg4[%dma_start3A_627, %dma_start3A_628, %mul3A_607] : memref<4x8x1000000xf32, #tpu.memory_space<hbm>> -> memref<4x8x128xf32, #tpu.memory_space<hbm>>
      tpu.enqueue_dma source(%dma_start3A_629 : memref<4x8x128xf32, #tpu.memory_space<hbm>>) target(%dma_start3A_626 : memref<4x8x128xf32, #tpu.memory_space<vmem>>) target_semaphore(%arg16 : memref<!tpu.dma_semaphore, #tpu.memory_space<semaphore_mem>>)
      %dma_start3A_630 = arith.constant 1 : i32
      %dma_start3A_631 = arith.constant 0 : i32
      %dma_start3A_632 = arith.constant 0 : i32
      %dma_start3A_633 = arith.constant 0 : i32
      %dma_start3A_634 = arith.constant 0 : i32
      %dma_start3A_635 = tpu.memref_slice %arg11[%dma_start3A_630, %dma_start3A_631, %dma_start3A_632, %dma_start3A_633, %dma_start3A_634] : memref<2x4x4x8x128xf32, #tpu.memory_space<vmem>> -> memref<1x1x4x8x128xf32, #tpu.memory_space<vmem>>
      %dma_start3A_636 = tpu.memref_squeeze %dma_start3A_635 : memref<1x1x4x8x128xf32, #tpu.memory_space<vmem>> -> memref<4x8x128xf32, #tpu.memory_space<vmem>>
      %dma_start3A_637 = arith.constant 0 : i32
      %dma_start3A_638 = arith.constant 0 : i32
      %dma_start3A_639 = tpu.memref_slice %arg5[%dma_start3A_637, %dma_start3A_638, %mul3A_611] : memref<4x8x1000000xf32, #tpu.memory_space<hbm>> -> memref<4x8x128xf32, #tpu.memory_space<hbm>>
      %dma_start3A_640 = arith.constant 0 : i32
      %dma_start3A_641 = arith.constant 0 : i32
      %dma_start3A_642 = arith.constant 0 : i32
      %dma_start3A_643 = tpu.memref_slice %arg11[%dma_start3A_630, %dma_start3A_631, %dma_start3A_640, %dma_start3A_641, %dma_start3A_642] : memref<2x4x4x8x128xf32, #tpu.memory_space<vmem>> -> memref<1x1x4x8x128xf32, #tpu.memory_space<vmem>>
      %dma_start3A_644 = tpu.memref_squeeze %dma_start3A_643 : memref<1x1x4x8x128xf32, #tpu.memory_space<vmem>> -> memref<4x8x128xf32, #tpu.memory_space<vmem>>
      %dma_start3A_645 = arith.constant 0 : i32
      %dma_start3A_646 = arith.constant 0 : i32
      %dma_start3A_647 = tpu.memref_slice %arg5[%dma_start3A_645, %dma_start3A_646, %mul3A_611] : memref<4x8x1000000xf32, #tpu.memory_space<hbm>> -> memref<4x8x128xf32, #tpu.memory_space<hbm>>
      tpu.enqueue_dma source(%dma_start3A_647 : memref<4x8x128xf32, #tpu.memory_space<hbm>>) target(%dma_start3A_644 : memref<4x8x128xf32, #tpu.memory_space<vmem>>) target_semaphore(%arg16 : memref<!tpu.dma_semaphore, #tpu.memory_space<semaphore_mem>>)
      %slice3A_648 = vector.extract_strided_slice %get3A_376 {offsets = [5], sizes = [1], strides = [1]} : vector<16xi32> to vector<1xi32>
      %squeeze3A_649 = vector.extract %slice3A_648[0] : i32 from vector<1xi32>
      %slice3A_650 = vector.extract_strided_slice %get3A_380 {offsets = [5], sizes = [1], strides = [1]} : vector<16xi32> to vector<1xi32>
      %squeeze3A_651 = vector.extract %slice3A_650[0] : i32 from vector<1xi32>
      %shift_right_arithmetic3A_652 = arith.constant 7 : i32
      %shift_right_arithmetic3A_653 = arith.shrsi %squeeze3A_649, %shift_right_arithmetic3A_652 : i32
      %mul3A_654 = arith.constant 128 : i32
      %mul3A_655 = arith.muli %shift_right_arithmetic3A_653, %mul3A_654 : i32
      %shift_right_arithmetic3A_656 = arith.constant 7 : i32
      %shift_right_arithmetic3A_657 = arith.shrsi %squeeze3A_651, %shift_right_arithmetic3A_656 : i32
      %mul3A_658 = arith.constant 128 : i32
      %mul3A_659 = arith.muli %shift_right_arithmetic3A_657, %mul3A_658 : i32
      %dma_start3A_660 = arith.constant 1 : i32
      %dma_start3A_661 = arith.constant 1 : i32
      %dma_start3A_662 = arith.constant 0 : i32
      %dma_start3A_663 = arith.constant 0 : i32
      %dma_start3A_664 = arith.constant 0 : i32
      %dma_start3A_665 = tpu.memref_slice %arg10[%dma_start3A_660, %dma_start3A_661, %dma_start3A_662, %dma_start3A_663, %dma_start3A_664] : memref<2x4x4x8x128xf32, #tpu.memory_space<vmem>> -> memref<1x1x4x8x128xf32, #tpu.memory_space<vmem>>
      %dma_start3A_666 = tpu.memref_squeeze %dma_start3A_665 : memref<1x1x4x8x128xf32, #tpu.memory_space<vmem>> -> memref<4x8x128xf32, #tpu.memory_space<vmem>>
      %dma_start3A_667 = arith.constant 0 : i32
      %dma_start3A_668 = arith.constant 0 : i32
      %dma_start3A_669 = tpu.memref_slice %arg4[%dma_start3A_667, %dma_start3A_668, %mul3A_655] : memref<4x8x1000000xf32, #tpu.memory_space<hbm>> -> memref<4x8x128xf32, #tpu.memory_space<hbm>>
      %dma_start3A_670 = arith.constant 0 : i32
      %dma_start3A_671 = arith.constant 0 : i32
      %dma_start3A_672 = arith.constant 0 : i32
      %dma_start3A_673 = tpu.memref_slice %arg10[%dma_start3A_660, %dma_start3A_661, %dma_start3A_670, %dma_start3A_671, %dma_start3A_672] : memref<2x4x4x8x128xf32, #tpu.memory_space<vmem>> -> memref<1x1x4x8x128xf32, #tpu.memory_space<vmem>>
      %dma_start3A_674 = tpu.memref_squeeze %dma_start3A_673 : memref<1x1x4x8x128xf32, #tpu.memory_space<vmem>> -> memref<4x8x128xf32, #tpu.memory_space<vmem>>
      %dma_start3A_675 = arith.constant 0 : i32
      %dma_start3A_676 = arith.constant 0 : i32
      %dma_start3A_677 = tpu.memref_slice %arg4[%dma_start3A_675, %dma_start3A_676, %mul3A_655] : memref<4x8x1000000xf32, #tpu.memory_space<hbm>> -> memref<4x8x128xf32, #tpu.memory_space<hbm>>
      tpu.enqueue_dma source(%dma_start3A_677 : memref<4x8x128xf32, #tpu.memory_space<hbm>>) target(%dma_start3A_674 : memref<4x8x128xf32, #tpu.memory_space<vmem>>) target_semaphore(%arg16 : memref<!tpu.dma_semaphore, #tpu.memory_space<semaphore_mem>>)
      %dma_start3A_678 = arith.constant 1 : i32
      %dma_start3A_679 = arith.constant 1 : i32
      %dma_start3A_680 = arith.constant 0 : i32
      %dma_start3A_681 = arith.constant 0 : i32
      %dma_start3A_682 = arith.constant 0 : i32
      %dma_start3A_683 = tpu.memref_slice %arg11[%dma_start3A_678, %dma_start3A_679, %dma_start3A_680, %dma_start3A_681, %dma_start3A_682] : memref<2x4x4x8x128xf32, #tpu.memory_space<vmem>> -> memref<1x1x4x8x128xf32, #tpu.memory_space<vmem>>
      %dma_start3A_684 = tpu.memref_squeeze %dma_start3A_683 : memref<1x1x4x8x128xf32, #tpu.memory_space<vmem>> -> memref<4x8x128xf32, #tpu.memory_space<vmem>>
      %dma_start3A_685 = arith.constant 0 : i32
      %dma_start3A_686 = arith.constant 0 : i32
      %dma_start3A_687 = tpu.memref_slice %arg5[%dma_start3A_685, %dma_start3A_686, %mul3A_659] : memref<4x8x1000000xf32, #tpu.memory_space<hbm>> -> memref<4x8x128xf32, #tpu.memory_space<hbm>>
      %dma_start3A_688 = arith.constant 0 : i32
      %dma_start3A_689 = arith.constant 0 : i32
      %dma_start3A_690 = arith.constant 0 : i32
      %dma_start3A_691 = tpu.memref_slice %arg11[%dma_start3A_678, %dma_start3A_679, %dma_start3A_688, %dma_start3A_689, %dma_start3A_690] : memref<2x4x4x8x128xf32, #tpu.memory_space<vmem>> -> memref<1x1x4x8x128xf32, #tpu.memory_space<vmem>>
      %dma_start3A_692 = tpu.memref_squeeze %dma_start3A_691 : memref<1x1x4x8x128xf32, #tpu.memory_space<vmem>> -> memref<4x8x128xf32, #tpu.memory_space<vmem>>
      %dma_start3A_693 = arith.constant 0 : i32
      %dma_start3A_694 = arith.constant 0 : i32
      %dma_start3A_695 = tpu.memref_slice %arg5[%dma_start3A_693, %dma_start3A_694, %mul3A_659] : memref<4x8x1000000xf32, #tpu.memory_space<hbm>> -> memref<4x8x128xf32, #tpu.memory_space<hbm>>
      tpu.enqueue_dma source(%dma_start3A_695 : memref<4x8x128xf32, #tpu.memory_space<hbm>>) target(%dma_start3A_692 : memref<4x8x128xf32, #tpu.memory_space<vmem>>) target_semaphore(%arg16 : memref<!tpu.dma_semaphore, #tpu.memory_space<semaphore_mem>>)
      %slice3A_696 = vector.extract_strided_slice %get3A_376 {offsets = [6], sizes = [1], strides = [1]} : vector<16xi32> to vector<1xi32>
      %squeeze3A_697 = vector.extract %slice3A_696[0] : i32 from vector<1xi32>
      %slice3A_698 = vector.extract_strided_slice %get3A_380 {offsets = [6], sizes = [1], strides = [1]} : vector<16xi32> to vector<1xi32>
      %squeeze3A_699 = vector.extract %slice3A_698[0] : i32 from vector<1xi32>
      %shift_right_arithmetic3A_700 = arith.constant 7 : i32
      %shift_right_arithmetic3A_701 = arith.shrsi %squeeze3A_697, %shift_right_arithmetic3A_700 : i32
      %mul3A_702 = arith.constant 128 : i32
      %mul3A_703 = arith.muli %shift_right_arithmetic3A_701, %mul3A_702 : i32
      %shift_right_arithmetic3A_704 = arith.constant 7 : i32
      %shift_right_arithmetic3A_705 = arith.shrsi %squeeze3A_699, %shift_right_arithmetic3A_704 : i32
      %mul3A_706 = arith.constant 128 : i32
      %mul3A_707 = arith.muli %shift_right_arithmetic3A_705, %mul3A_706 : i32
      %dma_start3A_708 = arith.constant 1 : i32
      %dma_start3A_709 = arith.constant 2 : i32
      %dma_start3A_710 = arith.constant 0 : i32
      %dma_start3A_711 = arith.constant 0 : i32
      %dma_start3A_712 = arith.constant 0 : i32
      %dma_start3A_713 = tpu.memref_slice %arg10[%dma_start3A_708, %dma_start3A_709, %dma_start3A_710, %dma_start3A_711, %dma_start3A_712] : memref<2x4x4x8x128xf32, #tpu.memory_space<vmem>> -> memref<1x1x4x8x128xf32, #tpu.memory_space<vmem>>
      %dma_start3A_714 = tpu.memref_squeeze %dma_start3A_713 : memref<1x1x4x8x128xf32, #tpu.memory_space<vmem>> -> memref<4x8x128xf32, #tpu.memory_space<vmem>>
      %dma_start3A_715 = arith.constant 0 : i32
      %dma_start3A_716 = arith.constant 0 : i32
      %dma_start3A_717 = tpu.memref_slice %arg4[%dma_start3A_715, %dma_start3A_716, %mul3A_703] : memref<4x8x1000000xf32, #tpu.memory_space<hbm>> -> memref<4x8x128xf32, #tpu.memory_space<hbm>>
      %dma_start3A_718 = arith.constant 0 : i32
      %dma_start3A_719 = arith.constant 0 : i32
      %dma_start3A_720 = arith.constant 0 : i32
      %dma_start3A_721 = tpu.memref_slice %arg10[%dma_start3A_708, %dma_start3A_709, %dma_start3A_718, %dma_start3A_719, %dma_start3A_720] : memref<2x4x4x8x128xf32, #tpu.memory_space<vmem>> -> memref<1x1x4x8x128xf32, #tpu.memory_space<vmem>>
      %dma_start3A_722 = tpu.memref_squeeze %dma_start3A_721 : memref<1x1x4x8x128xf32, #tpu.memory_space<vmem>> -> memref<4x8x128xf32, #tpu.memory_space<vmem>>
      %dma_start3A_723 = arith.constant 0 : i32
      %dma_start3A_724 = arith.constant 0 : i32
      %dma_start3A_725 = tpu.memref_slice %arg4[%dma_start3A_723, %dma_start3A_724, %mul3A_703] : memref<4x8x1000000xf32, #tpu.memory_space<hbm>> -> memref<4x8x128xf32, #tpu.memory_space<hbm>>
      tpu.enqueue_dma source(%dma_start3A_725 : memref<4x8x128xf32, #tpu.memory_space<hbm>>) target(%dma_start3A_722 : memref<4x8x128xf32, #tpu.memory_space<vmem>>) target_semaphore(%arg16 : memref<!tpu.dma_semaphore, #tpu.memory_space<semaphore_mem>>)
      %dma_start3A_726 = arith.constant 1 : i32
      %dma_start3A_727 = arith.constant 2 : i32
      %dma_start3A_728 = arith.constant 0 : i32
      %dma_start3A_729 = arith.constant 0 : i32
      %dma_start3A_730 = arith.constant 0 : i32
      %dma_start3A_731 = tpu.memref_slice %arg11[%dma_start3A_726, %dma_start3A_727, %dma_start3A_728, %dma_start3A_729, %dma_start3A_730] : memref<2x4x4x8x128xf32, #tpu.memory_space<vmem>> -> memref<1x1x4x8x128xf32, #tpu.memory_space<vmem>>
      %dma_start3A_732 = tpu.memref_squeeze %dma_start3A_731 : memref<1x1x4x8x128xf32, #tpu.memory_space<vmem>> -> memref<4x8x128xf32, #tpu.memory_space<vmem>>
      %dma_start3A_733 = arith.constant 0 : i32
      %dma_start3A_734 = arith.constant 0 : i32
      %dma_start3A_735 = tpu.memref_slice %arg5[%dma_start3A_733, %dma_start3A_734, %mul3A_707] : memref<4x8x1000000xf32, #tpu.memory_space<hbm>> -> memref<4x8x128xf32, #tpu.memory_space<hbm>>
      %dma_start3A_736 = arith.constant 0 : i32
      %dma_start3A_737 = arith.constant 0 : i32
      %dma_start3A_738 = arith.constant 0 : i32
      %dma_start3A_739 = tpu.memref_slice %arg11[%dma_start3A_726, %dma_start3A_727, %dma_start3A_736, %dma_start3A_737, %dma_start3A_738] : memref<2x4x4x8x128xf32, #tpu.memory_space<vmem>> -> memref<1x1x4x8x128xf32, #tpu.memory_space<vmem>>
      %dma_start3A_740 = tpu.memref_squeeze %dma_start3A_739 : memref<1x1x4x8x128xf32, #tpu.memory_space<vmem>> -> memref<4x8x128xf32, #tpu.memory_space<vmem>>
      %dma_start3A_741 = arith.constant 0 : i32
      %dma_start3A_742 = arith.constant 0 : i32
      %dma_start3A_743 = tpu.memref_slice %arg5[%dma_start3A_741, %dma_start3A_742, %mul3A_707] : memref<4x8x1000000xf32, #tpu.memory_space<hbm>> -> memref<4x8x128xf32, #tpu.memory_space<hbm>>
      tpu.enqueue_dma source(%dma_start3A_743 : memref<4x8x128xf32, #tpu.memory_space<hbm>>) target(%dma_start3A_740 : memref<4x8x128xf32, #tpu.memory_space<vmem>>) target_semaphore(%arg16 : memref<!tpu.dma_semaphore, #tpu.memory_space<semaphore_mem>>)
      %slice3A_744 = vector.extract_strided_slice %get3A_376 {offsets = [7], sizes = [1], strides = [1]} : vector<16xi32> to vector<1xi32>
      %squeeze3A_745 = vector.extract %slice3A_744[0] : i32 from vector<1xi32>
      %slice3A_746 = vector.extract_strided_slice %get3A_380 {offsets = [7], sizes = [1], strides = [1]} : vector<16xi32> to vector<1xi32>
      %squeeze3A_747 = vector.extract %slice3A_746[0] : i32 from vector<1xi32>
      %shift_right_arithmetic3A_748 = arith.constant 7 : i32
      %shift_right_arithmetic3A_749 = arith.shrsi %squeeze3A_745, %shift_right_arithmetic3A_748 : i32
      %mul3A_750 = arith.constant 128 : i32
      %mul3A_751 = arith.muli %shift_right_arithmetic3A_749, %mul3A_750 : i32
      %shift_right_arithmetic3A_752 = arith.constant 7 : i32
      %shift_right_arithmetic3A_753 = arith.shrsi %squeeze3A_747, %shift_right_arithmetic3A_752 : i32
      %mul3A_754 = arith.constant 128 : i32
      %mul3A_755 = arith.muli %shift_right_arithmetic3A_753, %mul3A_754 : i32
      %dma_start3A_756 = arith.constant 1 : i32
      %dma_start3A_757 = arith.constant 3 : i32
      %dma_start3A_758 = arith.constant 0 : i32
      %dma_start3A_759 = arith.constant 0 : i32
      %dma_start3A_760 = arith.constant 0 : i32
      %dma_start3A_761 = tpu.memref_slice %arg10[%dma_start3A_756, %dma_start3A_757, %dma_start3A_758, %dma_start3A_759, %dma_start3A_760] : memref<2x4x4x8x128xf32, #tpu.memory_space<vmem>> -> memref<1x1x4x8x128xf32, #tpu.memory_space<vmem>>
      %dma_start3A_762 = tpu.memref_squeeze %dma_start3A_761 : memref<1x1x4x8x128xf32, #tpu.memory_space<vmem>> -> memref<4x8x128xf32, #tpu.memory_space<vmem>>
      %dma_start3A_763 = arith.constant 0 : i32
      %dma_start3A_764 = arith.constant 0 : i32
      %dma_start3A_765 = tpu.memref_slice %arg4[%dma_start3A_763, %dma_start3A_764, %mul3A_751] : memref<4x8x1000000xf32, #tpu.memory_space<hbm>> -> memref<4x8x128xf32, #tpu.memory_space<hbm>>
      %dma_start3A_766 = arith.constant 0 : i32
      %dma_start3A_767 = arith.constant 0 : i32
      %dma_start3A_768 = arith.constant 0 : i32
      %dma_start3A_769 = tpu.memref_slice %arg10[%dma_start3A_756, %dma_start3A_757, %dma_start3A_766, %dma_start3A_767, %dma_start3A_768] : memref<2x4x4x8x128xf32, #tpu.memory_space<vmem>> -> memref<1x1x4x8x128xf32, #tpu.memory_space<vmem>>
      %dma_start3A_770 = tpu.memref_squeeze %dma_start3A_769 : memref<1x1x4x8x128xf32, #tpu.memory_space<vmem>> -> memref<4x8x128xf32, #tpu.memory_space<vmem>>
      %dma_start3A_771 = arith.constant 0 : i32
      %dma_start3A_772 = arith.constant 0 : i32
      %dma_start3A_773 = tpu.memref_slice %arg4[%dma_start3A_771, %dma_start3A_772, %mul3A_751] : memref<4x8x1000000xf32, #tpu.memory_space<hbm>> -> memref<4x8x128xf32, #tpu.memory_space<hbm>>
      tpu.enqueue_dma source(%dma_start3A_773 : memref<4x8x128xf32, #tpu.memory_space<hbm>>) target(%dma_start3A_770 : memref<4x8x128xf32, #tpu.memory_space<vmem>>) target_semaphore(%arg16 : memref<!tpu.dma_semaphore, #tpu.memory_space<semaphore_mem>>)
      %dma_start3A_774 = arith.constant 1 : i32
      %dma_start3A_775 = arith.constant 3 : i32
      %dma_start3A_776 = arith.constant 0 : i32
      %dma_start3A_777 = arith.constant 0 : i32
      %dma_start3A_778 = arith.constant 0 : i32
      %dma_start3A_779 = tpu.memref_slice %arg11[%dma_start3A_774, %dma_start3A_775, %dma_start3A_776, %dma_start3A_777, %dma_start3A_778] : memref<2x4x4x8x128xf32, #tpu.memory_space<vmem>> -> memref<1x1x4x8x128xf32, #tpu.memory_space<vmem>>
      %dma_start3A_780 = tpu.memref_squeeze %dma_start3A_779 : memref<1x1x4x8x128xf32, #tpu.memory_space<vmem>> -> memref<4x8x128xf32, #tpu.memory_space<vmem>>
      %dma_start3A_781 = arith.constant 0 : i32
      %dma_start3A_782 = arith.constant 0 : i32
      %dma_start3A_783 = tpu.memref_slice %arg5[%dma_start3A_781, %dma_start3A_782, %mul3A_755] : memref<4x8x1000000xf32, #tpu.memory_space<hbm>> -> memref<4x8x128xf32, #tpu.memory_space<hbm>>
      %dma_start3A_784 = arith.constant 0 : i32
      %dma_start3A_785 = arith.constant 0 : i32
      %dma_start3A_786 = arith.constant 0 : i32
      %dma_start3A_787 = tpu.memref_slice %arg11[%dma_start3A_774, %dma_start3A_775, %dma_start3A_784, %dma_start3A_785, %dma_start3A_786] : memref<2x4x4x8x128xf32, #tpu.memory_space<vmem>> -> memref<1x1x4x8x128xf32, #tpu.memory_space<vmem>>
      %dma_start3A_788 = tpu.memref_squeeze %dma_start3A_787 : memref<1x1x4x8x128xf32, #tpu.memory_space<vmem>> -> memref<4x8x128xf32, #tpu.memory_space<vmem>>
      %dma_start3A_789 = arith.constant 0 : i32
      %dma_start3A_790 = arith.constant 0 : i32
      %dma_start3A_791 = tpu.memref_slice %arg5[%dma_start3A_789, %dma_start3A_790, %mul3A_755] : memref<4x8x1000000xf32, #tpu.memory_space<hbm>> -> memref<4x8x128xf32, #tpu.memory_space<hbm>>
      tpu.enqueue_dma source(%dma_start3A_791 : memref<4x8x128xf32, #tpu.memory_space<hbm>>) target(%dma_start3A_788 : memref<4x8x128xf32, #tpu.memory_space<vmem>>) target_semaphore(%arg16 : memref<!tpu.dma_semaphore, #tpu.memory_space<semaphore_mem>>)
      %slice3A_792 = vector.extract_strided_slice %get3A_376 {offsets = [0], sizes = [1], strides = [1]} : vector<16xi32> to vector<1xi32>
      %squeeze3A_793 = vector.extract %slice3A_792[0] : i32 from vector<1xi32>
      %slice3A_794 = vector.extract_strided_slice %get3A_380 {offsets = [0], sizes = [1], strides = [1]} : vector<16xi32> to vector<1xi32>
      %squeeze3A_795 = vector.extract %slice3A_794[0] : i32 from vector<1xi32>
      %and3A_796 = arith.constant 127 : i32
      %and3A_797 = arith.andi %squeeze3A_793, %and3A_796 : i32
      %broadcast_in_dim3A = vector.broadcast %and3A_797 : i32 to vector<16xi32>
      %and3A_798 = arith.constant 127 : i32
      %and3A_799 = arith.andi %squeeze3A_795, %and3A_798 : i32
      %broadcast_in_dim3A_800 = vector.broadcast %and3A_799 : i32 to vector<16xi32>
      %broadcast_in_dim3A_801 = arith.constant 0 : i32
      %broadcast_in_dim3A_802 = vector.broadcast %broadcast_in_dim3A_801 : i32 to vector<16xi32>
      %broadcast_in_dim3A_803 = arith.constant 0 : i32
      %broadcast_in_dim3A_804 = vector.broadcast %broadcast_in_dim3A_803 : i32 to vector<16xi32>
      %gather3A = tpu.vector_load_idx %arg10[%broadcast_in_dim3A_802, %broadcast_in_dim3A_804, %shift_right_arithmetic3A_9, %and3A_14, %broadcast_in_dim3A] : memref<2x4x4x8x128xf32, #tpu.memory_space<vmem>>[vector<16xi32>, vector<16xi32>, vector<16xi32>, vector<16xi32>, vector<16xi32>], vector<16xf32>,
      %gather3A_805 = tpu.vector_load_idx %arg10[%broadcast_in_dim3A_802, %broadcast_in_dim3A_804, %add3A_12, %and3A_14, %broadcast_in_dim3A] : memref<2x4x4x8x128xf32, #tpu.memory_space<vmem>>[vector<16xi32>, vector<16xi32>, vector<16xi32>, vector<16xi32>, vector<16xi32>], vector<16xf32>,
      %gather3A_806 = tpu.vector_load_idx %arg11[%broadcast_in_dim3A_802, %broadcast_in_dim3A_804, %shift_right_arithmetic3A_9, %and3A_14, %broadcast_in_dim3A_800] : memref<2x4x4x8x128xf32, #tpu.memory_space<vmem>>[vector<16xi32>, vector<16xi32>, vector<16xi32>, vector<16xi32>, vector<16xi32>], vector<16xf32>,
      %gather3A_807 = tpu.vector_load_idx %arg11[%broadcast_in_dim3A_802, %broadcast_in_dim3A_804, %add3A_12, %and3A_14, %broadcast_in_dim3A_800] : memref<2x4x4x8x128xf32, #tpu.memory_space<vmem>>[vector<16xi32>, vector<16xi32>, vector<16xi32>, vector<16xi32>, vector<16xi32>], vector<16xf32>,
      %mul3A_808 = arith.mulf %gather3A, %gather3A_806 : vector<16xf32>
      %mul3A_809 = arith.mulf %mul3A_808, %get3A_3 : vector<16xf32>
      %mul3A_810 = arith.mulf %gather3A_805, %gather3A_807 : vector<16xf32>
      %mul3A_811 = arith.mulf %mul3A_810, %get3A_5 : vector<16xf32>
      %add3A_812 = arith.addf %mul3A_809, %mul3A_811 : vector<16xf32>
      %swap3A = arith.constant 0 : index
      %swap3A_813 = tpu.vector_load %arg12[%swap3A] {strides = array<i32>} : memref<256xf32, #tpu.memory_space<vmem>>, vector<16xf32>,
      tpu.vector_store %arg12[%swap3A], %add3A_812 {strides = array<i32>} : memref<256xf32, #tpu.memory_space<vmem>>, vector<16xf32>,
      %slice3A_814 = vector.extract_strided_slice %get3A_376 {offsets = [1], sizes = [1], strides = [1]} : vector<16xi32> to vector<1xi32>
      %squeeze3A_815 = vector.extract %slice3A_814[0] : i32 from vector<1xi32>
      %slice3A_816 = vector.extract_strided_slice %get3A_380 {offsets = [1], sizes = [1], strides = [1]} : vector<16xi32> to vector<1xi32>
      %squeeze3A_817 = vector.extract %slice3A_816[0] : i32 from vector<1xi32>
      %and3A_818 = arith.constant 127 : i32
      %and3A_819 = arith.andi %squeeze3A_815, %and3A_818 : i32
      %broadcast_in_dim3A_820 = vector.broadcast %and3A_819 : i32 to vector<16xi32>
      %and3A_821 = arith.constant 127 : i32
      %and3A_822 = arith.andi %squeeze3A_817, %and3A_821 : i32
      %broadcast_in_dim3A_823 = vector.broadcast %and3A_822 : i32 to vector<16xi32>
      %broadcast_in_dim3A_824 = arith.constant 0 : i32
      %broadcast_in_dim3A_825 = vector.broadcast %broadcast_in_dim3A_824 : i32 to vector<16xi32>
      %broadcast_in_dim3A_826 = arith.constant 1 : i32
      %broadcast_in_dim3A_827 = vector.broadcast %broadcast_in_dim3A_826 : i32 to vector<16xi32>
      %gather3A_828 = tpu.vector_load_idx %arg10[%broadcast_in_dim3A_825, %broadcast_in_dim3A_827, %shift_right_arithmetic3A_9, %and3A_14, %broadcast_in_dim3A_820] : memref<2x4x4x8x128xf32, #tpu.memory_space<vmem>>[vector<16xi32>, vector<16xi32>, vector<16xi32>, vector<16xi32>, vector<16xi32>], vector<16xf32>,
      %gather3A_829 = tpu.vector_load_idx %arg10[%broadcast_in_dim3A_825, %broadcast_in_dim3A_827, %add3A_12, %and3A_14, %broadcast_in_dim3A_820] : memref<2x4x4x8x128xf32, #tpu.memory_space<vmem>>[vector<16xi32>, vector<16xi32>, vector<16xi32>, vector<16xi32>, vector<16xi32>], vector<16xf32>,
      %gather3A_830 = tpu.vector_load_idx %arg11[%broadcast_in_dim3A_825, %broadcast_in_dim3A_827, %shift_right_arithmetic3A_9, %and3A_14, %broadcast_in_dim3A_823] : memref<2x4x4x8x128xf32, #tpu.memory_space<vmem>>[vector<16xi32>, vector<16xi32>, vector<16xi32>, vector<16xi32>, vector<16xi32>], vector<16xf32>,
      %gather3A_831 = tpu.vector_load_idx %arg11[%broadcast_in_dim3A_825, %broadcast_in_dim3A_827, %add3A_12, %and3A_14, %broadcast_in_dim3A_823] : memref<2x4x4x8x128xf32, #tpu.memory_space<vmem>>[vector<16xi32>, vector<16xi32>, vector<16xi32>, vector<16xi32>, vector<16xi32>], vector<16xf32>,
      %mul3A_832 = arith.mulf %gather3A_828, %gather3A_830 : vector<16xf32>
      %mul3A_833 = arith.mulf %mul3A_832, %get3A_3 : vector<16xf32>
      %mul3A_834 = arith.mulf %gather3A_829, %gather3A_831 : vector<16xf32>
      %mul3A_835 = arith.mulf %mul3A_834, %get3A_5 : vector<16xf32>
      %add3A_836 = arith.addf %mul3A_833, %mul3A_835 : vector<16xf32>
      %swap3A_837 = arith.constant 16 : index
      %swap3A_838 = tpu.vector_load %arg12[%swap3A_837] {strides = array<i32>} : memref<256xf32, #tpu.memory_space<vmem>>, vector<16xf32>,
      tpu.vector_store %arg12[%swap3A_837], %add3A_836 {strides = array<i32>} : memref<256xf32, #tpu.memory_space<vmem>>, vector<16xf32>,
      %slice3A_839 = vector.extract_strided_slice %get3A_376 {offsets = [2], sizes = [1], strides = [1]} : vector<16xi32> to vector<1xi32>
      %squeeze3A_840 = vector.extract %slice3A_839[0] : i32 from vector<1xi32>
      %slice3A_841 = vector.extract_strided_slice %get3A_380 {offsets = [2], sizes = [1], strides = [1]} : vector<16xi32> to vector<1xi32>
      %squeeze3A_842 = vector.extract %slice3A_841[0] : i32 from vector<1xi32>
      %and3A_843 = arith.constant 127 : i32
      %and3A_844 = arith.andi %squeeze3A_840, %and3A_843 : i32
      %broadcast_in_dim3A_845 = vector.broadcast %and3A_844 : i32 to vector<16xi32>
      %and3A_846 = arith.constant 127 : i32
      %and3A_847 = arith.andi %squeeze3A_842, %and3A_846 : i32
      %broadcast_in_dim3A_848 = vector.broadcast %and3A_847 : i32 to vector<16xi32>
      %broadcast_in_dim3A_849 = arith.constant 0 : i32
      %broadcast_in_dim3A_850 = vector.broadcast %broadcast_in_dim3A_849 : i32 to vector<16xi32>
      %broadcast_in_dim3A_851 = arith.constant 2 : i32
      %broadcast_in_dim3A_852 = vector.broadcast %broadcast_in_dim3A_851 : i32 to vector<16xi32>
      %gather3A_853 = tpu.vector_load_idx %arg10[%broadcast_in_dim3A_850, %broadcast_in_dim3A_852, %shift_right_arithmetic3A_9, %and3A_14, %broadcast_in_dim3A_845] : memref<2x4x4x8x128xf32, #tpu.memory_space<vmem>>[vector<16xi32>, vector<16xi32>, vector<16xi32>, vector<16xi32>, vector<16xi32>], vector<16xf32>,
      %gather3A_854 = tpu.vector_load_idx %arg10[%broadcast_in_dim3A_850, %broadcast_in_dim3A_852, %add3A_12, %and3A_14, %broadcast_in_dim3A_845] : memref<2x4x4x8x128xf32, #tpu.memory_space<vmem>>[vector<16xi32>, vector<16xi32>, vector<16xi32>, vector<16xi32>, vector<16xi32>], vector<16xf32>,
      %gather3A_855 = tpu.vector_load_idx %arg11[%broadcast_in_dim3A_850, %broadcast_in_dim3A_852, %shift_right_arithmetic3A_9, %and3A_14, %broadcast_in_dim3A_848] : memref<2x4x4x8x128xf32, #tpu.memory_space<vmem>>[vector<16xi32>, vector<16xi32>, vector<16xi32>, vector<16xi32>, vector<16xi32>], vector<16xf32>,
      %gather3A_856 = tpu.vector_load_idx %arg11[%broadcast_in_dim3A_850, %broadcast_in_dim3A_852, %add3A_12, %and3A_14, %broadcast_in_dim3A_848] : memref<2x4x4x8x128xf32, #tpu.memory_space<vmem>>[vector<16xi32>, vector<16xi32>, vector<16xi32>, vector<16xi32>, vector<16xi32>], vector<16xf32>,
      %mul3A_857 = arith.mulf %gather3A_853, %gather3A_855 : vector<16xf32>
      %mul3A_858 = arith.mulf %mul3A_857, %get3A_3 : vector<16xf32>
      %mul3A_859 = arith.mulf %gather3A_854, %gather3A_856 : vector<16xf32>
      %mul3A_860 = arith.mulf %mul3A_859, %get3A_5 : vector<16xf32>
      %add3A_861 = arith.addf %mul3A_858, %mul3A_860 : vector<16xf32>
      %swap3A_862 = arith.constant 32 : index
      %swap3A_863 = tpu.vector_load %arg12[%swap3A_862] {strides = array<i32>} : memref<256xf32, #tpu.memory_space<vmem>>, vector<16xf32>,
      tpu.vector_store %arg12[%swap3A_862], %add3A_861 {strides = array<i32>} : memref<256xf32, #tpu.memory_space<vmem>>, vector<16xf32>,
      %slice3A_864 = vector.extract_strided_slice %get3A_376 {offsets = [3], sizes = [1], strides = [1]} : vector<16xi32> to vector<1xi32>
      %squeeze3A_865 = vector.extract %slice3A_864[0] : i32 from vector<1xi32>
      %slice3A_866 = vector.extract_strided_slice %get3A_380 {offsets = [3], sizes = [1], strides = [1]} : vector<16xi32> to vector<1xi32>
      %squeeze3A_867 = vector.extract %slice3A_866[0] : i32 from vector<1xi32>
      %and3A_868 = arith.constant 127 : i32
      %and3A_869 = arith.andi %squeeze3A_865, %and3A_868 : i32
      %broadcast_in_dim3A_870 = vector.broadcast %and3A_869 : i32 to vector<16xi32>
      %and3A_871 = arith.constant 127 : i32
      %and3A_872 = arith.andi %squeeze3A_867, %and3A_871 : i32
      %broadcast_in_dim3A_873 = vector.broadcast %and3A_872 : i32 to vector<16xi32>
      %broadcast_in_dim3A_874 = arith.constant 0 : i32
      %broadcast_in_dim3A_875 = vector.broadcast %broadcast_in_dim3A_874 : i32 to vector<16xi32>
      %broadcast_in_dim3A_876 = arith.constant 3 : i32
      %broadcast_in_dim3A_877 = vector.broadcast %broadcast_in_dim3A_876 : i32 to vector<16xi32>
      %gather3A_878 = tpu.vector_load_idx %arg10[%broadcast_in_dim3A_875, %broadcast_in_dim3A_877, %shift_right_arithmetic3A_9, %and3A_14, %broadcast_in_dim3A_870] : memref<2x4x4x8x128xf32, #tpu.memory_space<vmem>>[vector<16xi32>, vector<16xi32>, vector<16xi32>, vector<16xi32>, vector<16xi32>], vector<16xf32>,
      %gather3A_879 = tpu.vector_load_idx %arg10[%broadcast_in_dim3A_875, %broadcast_in_dim3A_877, %add3A_12, %and3A_14, %broadcast_in_dim3A_870] : memref<2x4x4x8x128xf32, #tpu.memory_space<vmem>>[vector<16xi32>, vector<16xi32>, vector<16xi32>, vector<16xi32>, vector<16xi32>], vector<16xf32>,
      %gather3A_880 = tpu.vector_load_idx %arg11[%broadcast_in_dim3A_875, %broadcast_in_dim3A_877, %shift_right_arithmetic3A_9, %and3A_14, %broadcast_in_dim3A_873] : memref<2x4x4x8x128xf32, #tpu.memory_space<vmem>>[vector<16xi32>, vector<16xi32>, vector<16xi32>, vector<16xi32>, vector<16xi32>], vector<16xf32>,
      %gather3A_881 = tpu.vector_load_idx %arg11[%broadcast_in_dim3A_875, %broadcast_in_dim3A_877, %add3A_12, %and3A_14, %broadcast_in_dim3A_873] : memref<2x4x4x8x128xf32, #tpu.memory_space<vmem>>[vector<16xi32>, vector<16xi32>, vector<16xi32>, vector<16xi32>, vector<16xi32>], vector<16xf32>,
      %mul3A_882 = arith.mulf %gather3A_878, %gather3A_880 : vector<16xf32>
      %mul3A_883 = arith.mulf %mul3A_882, %get3A_3 : vector<16xf32>
      %mul3A_884 = arith.mulf %gather3A_879, %gather3A_881 : vector<16xf32>
      %mul3A_885 = arith.mulf %mul3A_884, %get3A_5 : vector<16xf32>
      %add3A_886 = arith.addf %mul3A_883, %mul3A_885 : vector<16xf32>
      %swap3A_887 = arith.constant 48 : index
      %swap3A_888 = tpu.vector_load %arg12[%swap3A_887] {strides = array<i32>} : memref<256xf32, #tpu.memory_space<vmem>>, vector<16xf32>,
      tpu.vector_store %arg12[%swap3A_887], %add3A_886 {strides = array<i32>} : memref<256xf32, #tpu.memory_space<vmem>>, vector<16xf32>,
      %dma_wait3A_889 = arith.constant 1 : i32
      %dma_wait3A_890 = arith.constant 0 : i32
      %dma_wait3A_891 = arith.constant 0 : i32
      %dma_wait3A_892 = arith.constant 0 : i32
      %dma_wait3A_893 = arith.constant 0 : i32
      %dma_wait3A_894 = tpu.memref_slice %arg10[%dma_wait3A_889, %dma_wait3A_890, %dma_wait3A_891, %dma_wait3A_892, %dma_wait3A_893] : memref<2x4x4x8x128xf32, #tpu.memory_space<vmem>> -> memref<1x1x4x8x128xf32, #tpu.memory_space<vmem>>
      %dma_wait3A_895 = tpu.memref_squeeze %dma_wait3A_894 : memref<1x1x4x8x128xf32, #tpu.memory_space<vmem>> -> memref<4x8x128xf32, #tpu.memory_space<vmem>>
      %dma_wait3A_896 = arith.constant 0 : i32
      %dma_wait3A_897 = arith.constant 0 : i32
      %dma_wait3A_898 = arith.constant 0 : i32
      %dma_wait3A_899 = tpu.memref_slice %arg4[%dma_wait3A_896, %dma_wait3A_897, %dma_wait3A_898] : memref<4x8x1000000xf32, #tpu.memory_space<hbm>> -> memref<4x8x128xf32, #tpu.memory_space<hbm>>
      %dma_wait3A_900 = arith.constant 0 : i32
      %dma_wait3A_901 = arith.constant 0 : i32
      %dma_wait3A_902 = arith.constant 0 : i32
      %dma_wait3A_903 = tpu.memref_slice %arg10[%dma_wait3A_889, %dma_wait3A_890, %dma_wait3A_900, %dma_wait3A_901, %dma_wait3A_902] : memref<2x4x4x8x128xf32, #tpu.memory_space<vmem>> -> memref<1x1x4x8x128xf32, #tpu.memory_space<vmem>>
      %dma_wait3A_904 = tpu.memref_squeeze %dma_wait3A_903 : memref<1x1x4x8x128xf32, #tpu.memory_space<vmem>> -> memref<4x8x128xf32, #tpu.memory_space<vmem>>
      %dma_wait3A_905 = arith.constant 0 : i32
      %dma_wait3A_906 = arith.constant 0 : i32
      %dma_wait3A_907 = arith.constant 0 : i32
      %dma_wait3A_908 = tpu.memref_slice %arg4[%dma_wait3A_905, %dma_wait3A_906, %dma_wait3A_907] : memref<4x8x1000000xf32, #tpu.memory_space<hbm>> -> memref<4x8x128xf32, #tpu.memory_space<hbm>>
      tpu.wait_dma2 semaphore(%arg16 : memref<!tpu.dma_semaphore, #tpu.memory_space<semaphore_mem>>) src(%dma_wait3A_908 : memref<4x8x128xf32, #tpu.memory_space<hbm>>) dst(%dma_wait3A_904 : memref<4x8x128xf32, #tpu.memory_space<vmem>>)
      %dma_wait3A_909 = arith.constant 1 : i32
      %dma_wait3A_910 = arith.constant 0 : i32
      %dma_wait3A_911 = arith.constant 0 : i32
      %dma_wait3A_912 = arith.constant 0 : i32
      %dma_wait3A_913 = arith.constant 0 : i32
      %dma_wait3A_914 = tpu.memref_slice %arg11[%dma_wait3A_909, %dma_wait3A_910, %dma_wait3A_911, %dma_wait3A_912, %dma_wait3A_913] : memref<2x4x4x8x128xf32, #tpu.memory_space<vmem>> -> memref<1x1x4x8x128xf32, #tpu.memory_space<vmem>>
      %dma_wait3A_915 = tpu.memref_squeeze %dma_wait3A_914 : memref<1x1x4x8x128xf32, #tpu.memory_space<vmem>> -> memref<4x8x128xf32, #tpu.memory_space<vmem>>
      %dma_wait3A_916 = arith.constant 0 : i32
      %dma_wait3A_917 = arith.constant 0 : i32
      %dma_wait3A_918 = arith.constant 0 : i32
      %dma_wait3A_919 = tpu.memref_slice %arg5[%dma_wait3A_916, %dma_wait3A_917, %dma_wait3A_918] : memref<4x8x1000000xf32, #tpu.memory_space<hbm>> -> memref<4x8x128xf32, #tpu.memory_space<hbm>>
      %dma_wait3A_920 = arith.constant 0 : i32
      %dma_wait3A_921 = arith.constant 0 : i32
      %dma_wait3A_922 = arith.constant 0 : i32
      %dma_wait3A_923 = tpu.memref_slice %arg11[%dma_wait3A_909, %dma_wait3A_910, %dma_wait3A_920, %dma_wait3A_921, %dma_wait3A_922] : memref<2x4x4x8x128xf32, #tpu.memory_space<vmem>> -> memref<1x1x4x8x128xf32, #tpu.memory_space<vmem>>
      %dma_wait3A_924 = tpu.memref_squeeze %dma_wait3A_923 : memref<1x1x4x8x128xf32, #tpu.memory_space<vmem>> -> memref<4x8x128xf32, #tpu.memory_space<vmem>>
      %dma_wait3A_925 = arith.constant 0 : i32
      %dma_wait3A_926 = arith.constant 0 : i32
      %dma_wait3A_927 = arith.constant 0 : i32
      %dma_wait3A_928 = tpu.memref_slice %arg5[%dma_wait3A_925, %dma_wait3A_926, %dma_wait3A_927] : memref<4x8x1000000xf32, #tpu.memory_space<hbm>> -> memref<4x8x128xf32, #tpu.memory_space<hbm>>
      tpu.wait_dma2 semaphore(%arg16 : memref<!tpu.dma_semaphore, #tpu.memory_space<semaphore_mem>>) src(%dma_wait3A_928 : memref<4x8x128xf32, #tpu.memory_space<hbm>>) dst(%dma_wait3A_924 : memref<4x8x128xf32, #tpu.memory_space<vmem>>)
      %dma_wait3A_929 = arith.constant 1 : i32
      %dma_wait3A_930 = arith.constant 1 : i32
      %dma_wait3A_931 = arith.constant 0 : i32
      %dma_wait3A_932 = arith.constant 0 : i32
      %dma_wait3A_933 = arith.constant 0 : i32
      %dma_wait3A_934 = tpu.memref_slice %arg10[%dma_wait3A_929, %dma_wait3A_930, %dma_wait3A_931, %dma_wait3A_932, %dma_wait3A_933] : memref<2x4x4x8x128xf32, #tpu.memory_space<vmem>> -> memref<1x1x4x8x128xf32, #tpu.memory_space<vmem>>
      %dma_wait3A_935 = tpu.memref_squeeze %dma_wait3A_934 : memref<1x1x4x8x128xf32, #tpu.memory_space<vmem>> -> memref<4x8x128xf32, #tpu.memory_space<vmem>>
      %dma_wait3A_936 = arith.constant 0 : i32
      %dma_wait3A_937 = arith.constant 0 : i32
      %dma_wait3A_938 = arith.constant 0 : i32
      %dma_wait3A_939 = tpu.memref_slice %arg4[%dma_wait3A_936, %dma_wait3A_937, %dma_wait3A_938] : memref<4x8x1000000xf32, #tpu.memory_space<hbm>> -> memref<4x8x128xf32, #tpu.memory_space<hbm>>
      %dma_wait3A_940 = arith.constant 0 : i32
      %dma_wait3A_941 = arith.constant 0 : i32
      %dma_wait3A_942 = arith.constant 0 : i32
      %dma_wait3A_943 = tpu.memref_slice %arg10[%dma_wait3A_929, %dma_wait3A_930, %dma_wait3A_940, %dma_wait3A_941, %dma_wait3A_942] : memref<2x4x4x8x128xf32, #tpu.memory_space<vmem>> -> memref<1x1x4x8x128xf32, #tpu.memory_space<vmem>>
      %dma_wait3A_944 = tpu.memref_squeeze %dma_wait3A_943 : memref<1x1x4x8x128xf32, #tpu.memory_space<vmem>> -> memref<4x8x128xf32, #tpu.memory_space<vmem>>
      %dma_wait3A_945 = arith.constant 0 : i32
      %dma_wait3A_946 = arith.constant 0 : i32
      %dma_wait3A_947 = arith.constant 0 : i32
      %dma_wait3A_948 = tpu.memref_slice %arg4[%dma_wait3A_945, %dma_wait3A_946, %dma_wait3A_947] : memref<4x8x1000000xf32, #tpu.memory_space<hbm>> -> memref<4x8x128xf32, #tpu.memory_space<hbm>>
      tpu.wait_dma2 semaphore(%arg16 : memref<!tpu.dma_semaphore, #tpu.memory_space<semaphore_mem>>) src(%dma_wait3A_948 : memref<4x8x128xf32, #tpu.memory_space<hbm>>) dst(%dma_wait3A_944 : memref<4x8x128xf32, #tpu.memory_space<vmem>>)
      %dma_wait3A_949 = arith.constant 1 : i32
      %dma_wait3A_950 = arith.constant 1 : i32
      %dma_wait3A_951 = arith.constant 0 : i32
      %dma_wait3A_952 = arith.constant 0 : i32
      %dma_wait3A_953 = arith.constant 0 : i32
      %dma_wait3A_954 = tpu.memref_slice %arg11[%dma_wait3A_949, %dma_wait3A_950, %dma_wait3A_951, %dma_wait3A_952, %dma_wait3A_953] : memref<2x4x4x8x128xf32, #tpu.memory_space<vmem>> -> memref<1x1x4x8x128xf32, #tpu.memory_space<vmem>>
      %dma_wait3A_955 = tpu.memref_squeeze %dma_wait3A_954 : memref<1x1x4x8x128xf32, #tpu.memory_space<vmem>> -> memref<4x8x128xf32, #tpu.memory_space<vmem>>
      %dma_wait3A_956 = arith.constant 0 : i32
      %dma_wait3A_957 = arith.constant 0 : i32
      %dma_wait3A_958 = arith.constant 0 : i32
      %dma_wait3A_959 = tpu.memref_slice %arg5[%dma_wait3A_956, %dma_wait3A_957, %dma_wait3A_958] : memref<4x8x1000000xf32, #tpu.memory_space<hbm>> -> memref<4x8x128xf32, #tpu.memory_space<hbm>>
      %dma_wait3A_960 = arith.constant 0 : i32
      %dma_wait3A_961 = arith.constant 0 : i32
      %dma_wait3A_962 = arith.constant 0 : i32
      %dma_wait3A_963 = tpu.memref_slice %arg11[%dma_wait3A_949, %dma_wait3A_950, %dma_wait3A_960, %dma_wait3A_961, %dma_wait3A_962] : memref<2x4x4x8x128xf32, #tpu.memory_space<vmem>> -> memref<1x1x4x8x128xf32, #tpu.memory_space<vmem>>
      %dma_wait3A_964 = tpu.memref_squeeze %dma_wait3A_963 : memref<1x1x4x8x128xf32, #tpu.memory_space<vmem>> -> memref<4x8x128xf32, #tpu.memory_space<vmem>>
      %dma_wait3A_965 = arith.constant 0 : i32
      %dma_wait3A_966 = arith.constant 0 : i32
      %dma_wait3A_967 = arith.constant 0 : i32
      %dma_wait3A_968 = tpu.memref_slice %arg5[%dma_wait3A_965, %dma_wait3A_966, %dma_wait3A_967] : memref<4x8x1000000xf32, #tpu.memory_space<hbm>> -> memref<4x8x128xf32, #tpu.memory_space<hbm>>
      tpu.wait_dma2 semaphore(%arg16 : memref<!tpu.dma_semaphore, #tpu.memory_space<semaphore_mem>>) src(%dma_wait3A_968 : memref<4x8x128xf32, #tpu.memory_space<hbm>>) dst(%dma_wait3A_964 : memref<4x8x128xf32, #tpu.memory_space<vmem>>)
      %dma_wait3A_969 = arith.constant 1 : i32
      %dma_wait3A_970 = arith.constant 2 : i32
      %dma_wait3A_971 = arith.constant 0 : i32
      %dma_wait3A_972 = arith.constant 0 : i32
      %dma_wait3A_973 = arith.constant 0 : i32
      %dma_wait3A_974 = tpu.memref_slice %arg10[%dma_wait3A_969, %dma_wait3A_970, %dma_wait3A_971, %dma_wait3A_972, %dma_wait3A_973] : memref<2x4x4x8x128xf32, #tpu.memory_space<vmem>> -> memref<1x1x4x8x128xf32, #tpu.memory_space<vmem>>
      %dma_wait3A_975 = tpu.memref_squeeze %dma_wait3A_974 : memref<1x1x4x8x128xf32, #tpu.memory_space<vmem>> -> memref<4x8x128xf32, #tpu.memory_space<vmem>>
      %dma_wait3A_976 = arith.constant 0 : i32
      %dma_wait3A_977 = arith.constant 0 : i32
      %dma_wait3A_978 = arith.constant 0 : i32
      %dma_wait3A_979 = tpu.memref_slice %arg4[%dma_wait3A_976, %dma_wait3A_977, %dma_wait3A_978] : memref<4x8x1000000xf32, #tpu.memory_space<hbm>> -> memref<4x8x128xf32, #tpu.memory_space<hbm>>
      %dma_wait3A_980 = arith.constant 0 : i32
      %dma_wait3A_981 = arith.constant 0 : i32
      %dma_wait3A_982 = arith.constant 0 : i32
      %dma_wait3A_983 = tpu.memref_slice %arg10[%dma_wait3A_969, %dma_wait3A_970, %dma_wait3A_980, %dma_wait3A_981, %dma_wait3A_982] : memref<2x4x4x8x128xf32, #tpu.memory_space<vmem>> -> memref<1x1x4x8x128xf32, #tpu.memory_space<vmem>>
      %dma_wait3A_984 = tpu.memref_squeeze %dma_wait3A_983 : memref<1x1x4x8x128xf32, #tpu.memory_space<vmem>> -> memref<4x8x128xf32, #tpu.memory_space<vmem>>
      %dma_wait3A_985 = arith.constant 0 : i32
      %dma_wait3A_986 = arith.constant 0 : i32
      %dma_wait3A_987 = arith.constant 0 : i32
      %dma_wait3A_988 = tpu.memref_slice %arg4[%dma_wait3A_985, %dma_wait3A_986, %dma_wait3A_987] : memref<4x8x1000000xf32, #tpu.memory_space<hbm>> -> memref<4x8x128xf32, #tpu.memory_space<hbm>>
      tpu.wait_dma2 semaphore(%arg16 : memref<!tpu.dma_semaphore, #tpu.memory_space<semaphore_mem>>) src(%dma_wait3A_988 : memref<4x8x128xf32, #tpu.memory_space<hbm>>) dst(%dma_wait3A_984 : memref<4x8x128xf32, #tpu.memory_space<vmem>>)
      %dma_wait3A_989 = arith.constant 1 : i32
      %dma_wait3A_990 = arith.constant 2 : i32
      %dma_wait3A_991 = arith.constant 0 : i32
      %dma_wait3A_992 = arith.constant 0 : i32
      %dma_wait3A_993 = arith.constant 0 : i32
      %dma_wait3A_994 = tpu.memref_slice %arg11[%dma_wait3A_989, %dma_wait3A_990, %dma_wait3A_991, %dma_wait3A_992, %dma_wait3A_993] : memref<2x4x4x8x128xf32, #tpu.memory_space<vmem>> -> memref<1x1x4x8x128xf32, #tpu.memory_space<vmem>>
      %dma_wait3A_995 = tpu.memref_squeeze %dma_wait3A_994 : memref<1x1x4x8x128xf32, #tpu.memory_space<vmem>> -> memref<4x8x128xf32, #tpu.memory_space<vmem>>
      %dma_wait3A_996 = arith.constant 0 : i32
      %dma_wait3A_997 = arith.constant 0 : i32
      %dma_wait3A_998 = arith.constant 0 : i32
      %dma_wait3A_999 = tpu.memref_slice %arg5[%dma_wait3A_996, %dma_wait3A_997, %dma_wait3A_998] : memref<4x8x1000000xf32, #tpu.memory_space<hbm>> -> memref<4x8x128xf32, #tpu.memory_space<hbm>>
      %dma_wait3A_1000 = arith.constant 0 : i32
      %dma_wait3A_1001 = arith.constant 0 : i32
      %dma_wait3A_1002 = arith.constant 0 : i32
      %dma_wait3A_1003 = tpu.memref_slice %arg11[%dma_wait3A_989, %dma_wait3A_990, %dma_wait3A_1000, %dma_wait3A_1001, %dma_wait3A_1002] : memref<2x4x4x8x128xf32, #tpu.memory_space<vmem>> -> memref<1x1x4x8x128xf32, #tpu.memory_space<vmem>>
      %dma_wait3A_1004 = tpu.memref_squeeze %dma_wait3A_1003 : memref<1x1x4x8x128xf32, #tpu.memory_space<vmem>> -> memref<4x8x128xf32, #tpu.memory_space<vmem>>
      %dma_wait3A_1005 = arith.constant 0 : i32
      %dma_wait3A_1006 = arith.constant 0 : i32
      %dma_wait3A_1007 = arith.constant 0 : i32
      %dma_wait3A_1008 = tpu.memref_slice %arg5[%dma_wait3A_1005, %dma_wait3A_1006, %dma_wait3A_1007] : memref<4x8x1000000xf32, #tpu.memory_space<hbm>> -> memref<4x8x128xf32, #tpu.memory_space<hbm>>
      tpu.wait_dma2 semaphore(%arg16 : memref<!tpu.dma_semaphore, #tpu.memory_space<semaphore_mem>>) src(%dma_wait3A_1008 : memref<4x8x128xf32, #tpu.memory_space<hbm>>) dst(%dma_wait3A_1004 : memref<4x8x128xf32, #tpu.memory_space<vmem>>)
      %dma_wait3A_1009 = arith.constant 1 : i32
      %dma_wait3A_1010 = arith.constant 3 : i32
      %dma_wait3A_1011 = arith.constant 0 : i32
      %dma_wait3A_1012 = arith.constant 0 : i32
      %dma_wait3A_1013 = arith.constant 0 : i32
      %dma_wait3A_1014 = tpu.memref_slice %arg10[%dma_wait3A_1009, %dma_wait3A_1010, %dma_wait3A_1011, %dma_wait3A_1012, %dma_wait3A_1013] : memref<2x4x4x8x128xf32, #tpu.memory_space<vmem>> -> memref<1x1x4x8x128xf32, #tpu.memory_space<vmem>>
      %dma_wait3A_1015 = tpu.memref_squeeze %dma_wait3A_1014 : memref<1x1x4x8x128xf32, #tpu.memory_space<vmem>> -> memref<4x8x128xf32, #tpu.memory_space<vmem>>
      %dma_wait3A_1016 = arith.constant 0 : i32
      %dma_wait3A_1017 = arith.constant 0 : i32
      %dma_wait3A_1018 = arith.constant 0 : i32
      %dma_wait3A_1019 = tpu.memref_slice %arg4[%dma_wait3A_1016, %dma_wait3A_1017, %dma_wait3A_1018] : memref<4x8x1000000xf32, #tpu.memory_space<hbm>> -> memref<4x8x128xf32, #tpu.memory_space<hbm>>
      %dma_wait3A_1020 = arith.constant 0 : i32
      %dma_wait3A_1021 = arith.constant 0 : i32
      %dma_wait3A_1022 = arith.constant 0 : i32
      %dma_wait3A_1023 = tpu.memref_slice %arg10[%dma_wait3A_1009, %dma_wait3A_1010, %dma_wait3A_1020, %dma_wait3A_1021, %dma_wait3A_1022] : memref<2x4x4x8x128xf32, #tpu.memory_space<vmem>> -> memref<1x1x4x8x128xf32, #tpu.memory_space<vmem>>
      %dma_wait3A_1024 = tpu.memref_squeeze %dma_wait3A_1023 : memref<1x1x4x8x128xf32, #tpu.memory_space<vmem>> -> memref<4x8x128xf32, #tpu.memory_space<vmem>>
      %dma_wait3A_1025 = arith.constant 0 : i32
      %dma_wait3A_1026 = arith.constant 0 : i32
      %dma_wait3A_1027 = arith.constant 0 : i32
      %dma_wait3A_1028 = tpu.memref_slice %arg4[%dma_wait3A_1025, %dma_wait3A_1026, %dma_wait3A_1027] : memref<4x8x1000000xf32, #tpu.memory_space<hbm>> -> memref<4x8x128xf32, #tpu.memory_space<hbm>>
      tpu.wait_dma2 semaphore(%arg16 : memref<!tpu.dma_semaphore, #tpu.memory_space<semaphore_mem>>) src(%dma_wait3A_1028 : memref<4x8x128xf32, #tpu.memory_space<hbm>>) dst(%dma_wait3A_1024 : memref<4x8x128xf32, #tpu.memory_space<vmem>>)
      %dma_wait3A_1029 = arith.constant 1 : i32
      %dma_wait3A_1030 = arith.constant 3 : i32
      %dma_wait3A_1031 = arith.constant 0 : i32
      %dma_wait3A_1032 = arith.constant 0 : i32
      %dma_wait3A_1033 = arith.constant 0 : i32
      %dma_wait3A_1034 = tpu.memref_slice %arg11[%dma_wait3A_1029, %dma_wait3A_1030, %dma_wait3A_1031, %dma_wait3A_1032, %dma_wait3A_1033] : memref<2x4x4x8x128xf32, #tpu.memory_space<vmem>> -> memref<1x1x4x8x128xf32, #tpu.memory_space<vmem>>
      %dma_wait3A_1035 = tpu.memref_squeeze %dma_wait3A_1034 : memref<1x1x4x8x128xf32, #tpu.memory_space<vmem>> -> memref<4x8x128xf32, #tpu.memory_space<vmem>>
      %dma_wait3A_1036 = arith.constant 0 : i32
      %dma_wait3A_1037 = arith.constant 0 : i32
      %dma_wait3A_1038 = arith.constant 0 : i32
      %dma_wait3A_1039 = tpu.memref_slice %arg5[%dma_wait3A_1036, %dma_wait3A_1037, %dma_wait3A_1038] : memref<4x8x1000000xf32, #tpu.memory_space<hbm>> -> memref<4x8x128xf32, #tpu.memory_space<hbm>>
      %dma_wait3A_1040 = arith.constant 0 : i32
      %dma_wait3A_1041 = arith.constant 0 : i32
      %dma_wait3A_1042 = arith.constant 0 : i32
      %dma_wait3A_1043 = tpu.memref_slice %arg11[%dma_wait3A_1029, %dma_wait3A_1030, %dma_wait3A_1040, %dma_wait3A_1041, %dma_wait3A_1042] : memref<2x4x4x8x128xf32, #tpu.memory_space<vmem>> -> memref<1x1x4x8x128xf32, #tpu.memory_space<vmem>>
      %dma_wait3A_1044 = tpu.memref_squeeze %dma_wait3A_1043 : memref<1x1x4x8x128xf32, #tpu.memory_space<vmem>> -> memref<4x8x128xf32, #tpu.memory_space<vmem>>
      %dma_wait3A_1045 = arith.constant 0 : i32
      %dma_wait3A_1046 = arith.constant 0 : i32
      %dma_wait3A_1047 = arith.constant 0 : i32
      %dma_wait3A_1048 = tpu.memref_slice %arg5[%dma_wait3A_1045, %dma_wait3A_1046, %dma_wait3A_1047] : memref<4x8x1000000xf32, #tpu.memory_space<hbm>> -> memref<4x8x128xf32, #tpu.memory_space<hbm>>
      tpu.wait_dma2 semaphore(%arg16 : memref<!tpu.dma_semaphore, #tpu.memory_space<semaphore_mem>>) src(%dma_wait3A_1048 : memref<4x8x128xf32, #tpu.memory_space<hbm>>) dst(%dma_wait3A_1044 : memref<4x8x128xf32, #tpu.memory_space<vmem>>)
      %slice3A_1049 = vector.extract_strided_slice %get3A_376 {offsets = [8], sizes = [1], strides = [1]} : vector<16xi32> to vector<1xi32>
      %squeeze3A_1050 = vector.extract %slice3A_1049[0] : i32 from vector<1xi32>
      %slice3A_1051 = vector.extract_strided_slice %get3A_380 {offsets = [8], sizes = [1], strides = [1]} : vector<16xi32> to vector<1xi32>
      %squeeze3A_1052 = vector.extract %slice3A_1051[0] : i32 from vector<1xi32>
      %shift_right_arithmetic3A_1053 = arith.constant 7 : i32
      %shift_right_arithmetic3A_1054 = arith.shrsi %squeeze3A_1050, %shift_right_arithmetic3A_1053 : i32
      %mul3A_1055 = arith.constant 128 : i32
      %mul3A_1056 = arith.muli %shift_right_arithmetic3A_1054, %mul3A_1055 : i32
      %shift_right_arithmetic3A_1057 = arith.constant 7 : i32
      %shift_right_arithmetic3A_1058 = arith.shrsi %squeeze3A_1052, %shift_right_arithmetic3A_1057 : i32
      %mul3A_1059 = arith.constant 128 : i32
      %mul3A_1060 = arith.muli %shift_right_arithmetic3A_1058, %mul3A_1059 : i32
      %dma_start3A_1061 = arith.constant 0 : i32
      %dma_start3A_1062 = arith.constant 0 : i32
      %dma_start3A_1063 = arith.constant 0 : i32
      %dma_start3A_1064 = arith.constant 0 : i32
      %dma_start3A_1065 = arith.constant 0 : i32
      %dma_start3A_1066 = tpu.memref_slice %arg10[%dma_start3A_1061, %dma_start3A_1062, %dma_start3A_1063, %dma_start3A_1064, %dma_start3A_1065] : memref<2x4x4x8x128xf32, #tpu.memory_space<vmem>> -> memref<1x1x4x8x128xf32, #tpu.memory_space<vmem>>
      %dma_start3A_1067 = tpu.memref_squeeze %dma_start3A_1066 : memref<1x1x4x8x128xf32, #tpu.memory_space<vmem>> -> memref<4x8x128xf32, #tpu.memory_space<vmem>>
      %dma_start3A_1068 = arith.constant 0 : i32
      %dma_start3A_1069 = arith.constant 0 : i32
      %dma_start3A_1070 = tpu.memref_slice %arg4[%dma_start3A_1068, %dma_start3A_1069, %mul3A_1056] : memref<4x8x1000000xf32, #tpu.memory_space<hbm>> -> memref<4x8x128xf32, #tpu.memory_space<hbm>>
      %dma_start3A_1071 = arith.constant 0 : i32
      %dma_start3A_1072 = arith.constant 0 : i32
      %dma_start3A_1073 = arith.constant 0 : i32
      %dma_start3A_1074 = tpu.memref_slice %arg10[%dma_start3A_1061, %dma_start3A_1062, %dma_start3A_1071, %dma_start3A_1072, %dma_start3A_1073] : memref<2x4x4x8x128xf32, #tpu.memory_space<vmem>> -> memref<1x1x4x8x128xf32, #tpu.memory_space<vmem>>
      %dma_start3A_1075 = tpu.memref_squeeze %dma_start3A_1074 : memref<1x1x4x8x128xf32, #tpu.memory_space<vmem>> -> memref<4x8x128xf32, #tpu.memory_space<vmem>>
      %dma_start3A_1076 = arith.constant 0 : i32
      %dma_start3A_1077 = arith.constant 0 : i32
      %dma_start3A_1078 = tpu.memref_slice %arg4[%dma_start3A_1076, %dma_start3A_1077, %mul3A_1056] : memref<4x8x1000000xf32, #tpu.memory_space<hbm>> -> memref<4x8x128xf32, #tpu.memory_space<hbm>>
      tpu.enqueue_dma source(%dma_start3A_1078 : memref<4x8x128xf32, #tpu.memory_space<hbm>>) target(%dma_start3A_1075 : memref<4x8x128xf32, #tpu.memory_space<vmem>>) target_semaphore(%arg15 : memref<!tpu.dma_semaphore, #tpu.memory_space<semaphore_mem>>)
      %dma_start3A_1079 = arith.constant 0 : i32
      %dma_start3A_1080 = arith.constant 0 : i32
      %dma_start3A_1081 = arith.constant 0 : i32
      %dma_start3A_1082 = arith.constant 0 : i32
      %dma_start3A_1083 = arith.constant 0 : i32
      %dma_start3A_1084 = tpu.memref_slice %arg11[%dma_start3A_1079, %dma_start3A_1080, %dma_start3A_1081, %dma_start3A_1082, %dma_start3A_1083] : memref<2x4x4x8x128xf32, #tpu.memory_space<vmem>> -> memref<1x1x4x8x128xf32, #tpu.memory_space<vmem>>
      %dma_start3A_1085 = tpu.memref_squeeze %dma_start3A_1084 : memref<1x1x4x8x128xf32, #tpu.memory_space<vmem>> -> memref<4x8x128xf32, #tpu.memory_space<vmem>>
      %dma_start3A_1086 = arith.constant 0 : i32
      %dma_start3A_1087 = arith.constant 0 : i32
      %dma_start3A_1088 = tpu.memref_slice %arg5[%dma_start3A_1086, %dma_start3A_1087, %mul3A_1060] : memref<4x8x1000000xf32, #tpu.memory_space<hbm>> -> memref<4x8x128xf32, #tpu.memory_space<hbm>>
      %dma_start3A_1089 = arith.constant 0 : i32
      %dma_start3A_1090 = arith.constant 0 : i32
      %dma_start3A_1091 = arith.constant 0 : i32
      %dma_start3A_1092 = tpu.memref_slice %arg11[%dma_start3A_1079, %dma_start3A_1080, %dma_start3A_1089, %dma_start3A_1090, %dma_start3A_1091] : memref<2x4x4x8x128xf32, #tpu.memory_space<vmem>> -> memref<1x1x4x8x128xf32, #tpu.memory_space<vmem>>
      %dma_start3A_1093 = tpu.memref_squeeze %dma_start3A_1092 : memref<1x1x4x8x128xf32, #tpu.memory_space<vmem>> -> memref<4x8x128xf32, #tpu.memory_space<vmem>>
      %dma_start3A_1094 = arith.constant 0 : i32
      %dma_start3A_1095 = arith.constant 0 : i32
      %dma_start3A_1096 = tpu.memref_slice %arg5[%dma_start3A_1094, %dma_start3A_1095, %mul3A_1060] : memref<4x8x1000000xf32, #tpu.memory_space<hbm>> -> memref<4x8x128xf32, #tpu.memory_space<hbm>>
      tpu.enqueue_dma source(%dma_start3A_1096 : memref<4x8x128xf32, #tpu.memory_space<hbm>>) target(%dma_start3A_1093 : memref<4x8x128xf32, #tpu.memory_space<vmem>>) target_semaphore(%arg15 : memref<!tpu.dma_semaphore, #tpu.memory_space<semaphore_mem>>)
      %slice3A_1097 = vector.extract_strided_slice %get3A_376 {offsets = [9], sizes = [1], strides = [1]} : vector<16xi32> to vector<1xi32>
      %squeeze3A_1098 = vector.extract %slice3A_1097[0] : i32 from vector<1xi32>
      %slice3A_1099 = vector.extract_strided_slice %get3A_380 {offsets = [9], sizes = [1], strides = [1]} : vector<16xi32> to vector<1xi32>
      %squeeze3A_1100 = vector.extract %slice3A_1099[0] : i32 from vector<1xi32>
      %shift_right_arithmetic3A_1101 = arith.constant 7 : i32
      %shift_right_arithmetic3A_1102 = arith.shrsi %squeeze3A_1098, %shift_right_arithmetic3A_1101 : i32
      %mul3A_1103 = arith.constant 128 : i32
      %mul3A_1104 = arith.muli %shift_right_arithmetic3A_1102, %mul3A_1103 : i32
      %shift_right_arithmetic3A_1105 = arith.constant 7 : i32
      %shift_right_arithmetic3A_1106 = arith.shrsi %squeeze3A_1100, %shift_right_arithmetic3A_1105 : i32
      %mul3A_1107 = arith.constant 128 : i32
      %mul3A_1108 = arith.muli %shift_right_arithmetic3A_1106, %mul3A_1107 : i32
      %dma_start3A_1109 = arith.constant 0 : i32
      %dma_start3A_1110 = arith.constant 1 : i32
      %dma_start3A_1111 = arith.constant 0 : i32
      %dma_start3A_1112 = arith.constant 0 : i32
      %dma_start3A_1113 = arith.constant 0 : i32
      %dma_start3A_1114 = tpu.memref_slice %arg10[%dma_start3A_1109, %dma_start3A_1110, %dma_start3A_1111, %dma_start3A_1112, %dma_start3A_1113] : memref<2x4x4x8x128xf32, #tpu.memory_space<vmem>> -> memref<1x1x4x8x128xf32, #tpu.memory_space<vmem>>
      %dma_start3A_1115 = tpu.memref_squeeze %dma_start3A_1114 : memref<1x1x4x8x128xf32, #tpu.memory_space<vmem>> -> memref<4x8x128xf32, #tpu.memory_space<vmem>>
      %dma_start3A_1116 = arith.constant 0 : i32
      %dma_start3A_1117 = arith.constant 0 : i32
      %dma_start3A_1118 = tpu.memref_slice %arg4[%dma_start3A_1116, %dma_start3A_1117, %mul3A_1104] : memref<4x8x1000000xf32, #tpu.memory_space<hbm>> -> memref<4x8x128xf32, #tpu.memory_space<hbm>>
      %dma_start3A_1119 = arith.constant 0 : i32
      %dma_start3A_1120 = arith.constant 0 : i32
      %dma_start3A_1121 = arith.constant 0 : i32
      %dma_start3A_1122 = tpu.memref_slice %arg10[%dma_start3A_1109, %dma_start3A_1110, %dma_start3A_1119, %dma_start3A_1120, %dma_start3A_1121] : memref<2x4x4x8x128xf32, #tpu.memory_space<vmem>> -> memref<1x1x4x8x128xf32, #tpu.memory_space<vmem>>
      %dma_start3A_1123 = tpu.memref_squeeze %dma_start3A_1122 : memref<1x1x4x8x128xf32, #tpu.memory_space<vmem>> -> memref<4x8x128xf32, #tpu.memory_space<vmem>>
      %dma_start3A_1124 = arith.constant 0 : i32
      %dma_start3A_1125 = arith.constant 0 : i32
      %dma_start3A_1126 = tpu.memref_slice %arg4[%dma_start3A_1124, %dma_start3A_1125, %mul3A_1104] : memref<4x8x1000000xf32, #tpu.memory_space<hbm>> -> memref<4x8x128xf32, #tpu.memory_space<hbm>>
      tpu.enqueue_dma source(%dma_start3A_1126 : memref<4x8x128xf32, #tpu.memory_space<hbm>>) target(%dma_start3A_1123 : memref<4x8x128xf32, #tpu.memory_space<vmem>>) target_semaphore(%arg15 : memref<!tpu.dma_semaphore, #tpu.memory_space<semaphore_mem>>)
      %dma_start3A_1127 = arith.constant 0 : i32
      %dma_start3A_1128 = arith.constant 1 : i32
      %dma_start3A_1129 = arith.constant 0 : i32
      %dma_start3A_1130 = arith.constant 0 : i32
      %dma_start3A_1131 = arith.constant 0 : i32
      %dma_start3A_1132 = tpu.memref_slice %arg11[%dma_start3A_1127, %dma_start3A_1128, %dma_start3A_1129, %dma_start3A_1130, %dma_start3A_1131] : memref<2x4x4x8x128xf32, #tpu.memory_space<vmem>> -> memref<1x1x4x8x128xf32, #tpu.memory_space<vmem>>
      %dma_start3A_1133 = tpu.memref_squeeze %dma_start3A_1132 : memref<1x1x4x8x128xf32, #tpu.memory_space<vmem>> -> memref<4x8x128xf32, #tpu.memory_space<vmem>>
      %dma_start3A_1134 = arith.constant 0 : i32
      %dma_start3A_1135 = arith.constant 0 : i32
      %dma_start3A_1136 = tpu.memref_slice %arg5[%dma_start3A_1134, %dma_start3A_1135, %mul3A_1108] : memref<4x8x1000000xf32, #tpu.memory_space<hbm>> -> memref<4x8x128xf32, #tpu.memory_space<hbm>>
      %dma_start3A_1137 = arith.constant 0 : i32
      %dma_start3A_1138 = arith.constant 0 : i32
      %dma_start3A_1139 = arith.constant 0 : i32
      %dma_start3A_1140 = tpu.memref_slice %arg11[%dma_start3A_1127, %dma_start3A_1128, %dma_start3A_1137, %dma_start3A_1138, %dma_start3A_1139] : memref<2x4x4x8x128xf32, #tpu.memory_space<vmem>> -> memref<1x1x4x8x128xf32, #tpu.memory_space<vmem>>
      %dma_start3A_1141 = tpu.memref_squeeze %dma_start3A_1140 : memref<1x1x4x8x128xf32, #tpu.memory_space<vmem>> -> memref<4x8x128xf32, #tpu.memory_space<vmem>>
      %dma_start3A_1142 = arith.constant 0 : i32
      %dma_start3A_1143 = arith.constant 0 : i32
      %dma_start3A_1144 = tpu.memref_slice %arg5[%dma_start3A_1142, %dma_start3A_1143, %mul3A_1108] : memref<4x8x1000000xf32, #tpu.memory_space<hbm>> -> memref<4x8x128xf32, #tpu.memory_space<hbm>>
      tpu.enqueue_dma source(%dma_start3A_1144 : memref<4x8x128xf32, #tpu.memory_space<hbm>>) target(%dma_start3A_1141 : memref<4x8x128xf32, #tpu.memory_space<vmem>>) target_semaphore(%arg15 : memref<!tpu.dma_semaphore, #tpu.memory_space<semaphore_mem>>)
      %slice3A_1145 = vector.extract_strided_slice %get3A_376 {offsets = [10], sizes = [1], strides = [1]} : vector<16xi32> to vector<1xi32>
      %squeeze3A_1146 = vector.extract %slice3A_1145[0] : i32 from vector<1xi32>
      %slice3A_1147 = vector.extract_strided_slice %get3A_380 {offsets = [10], sizes = [1], strides = [1]} : vector<16xi32> to vector<1xi32>
      %squeeze3A_1148 = vector.extract %slice3A_1147[0] : i32 from vector<1xi32>
      %shift_right_arithmetic3A_1149 = arith.constant 7 : i32
      %shift_right_arithmetic3A_1150 = arith.shrsi %squeeze3A_1146, %shift_right_arithmetic3A_1149 : i32
      %mul3A_1151 = arith.constant 128 : i32
      %mul3A_1152 = arith.muli %shift_right_arithmetic3A_1150, %mul3A_1151 : i32
      %shift_right_arithmetic3A_1153 = arith.constant 7 : i32
      %shift_right_arithmetic3A_1154 = arith.shrsi %squeeze3A_1148, %shift_right_arithmetic3A_1153 : i32
      %mul3A_1155 = arith.constant 128 : i32
      %mul3A_1156 = arith.muli %shift_right_arithmetic3A_1154, %mul3A_1155 : i32
      %dma_start3A_1157 = arith.constant 0 : i32
      %dma_start3A_1158 = arith.constant 2 : i32
      %dma_start3A_1159 = arith.constant 0 : i32
      %dma_start3A_1160 = arith.constant 0 : i32
      %dma_start3A_1161 = arith.constant 0 : i32
      %dma_start3A_1162 = tpu.memref_slice %arg10[%dma_start3A_1157, %dma_start3A_1158, %dma_start3A_1159, %dma_start3A_1160, %dma_start3A_1161] : memref<2x4x4x8x128xf32, #tpu.memory_space<vmem>> -> memref<1x1x4x8x128xf32, #tpu.memory_space<vmem>>
      %dma_start3A_1163 = tpu.memref_squeeze %dma_start3A_1162 : memref<1x1x4x8x128xf32, #tpu.memory_space<vmem>> -> memref<4x8x128xf32, #tpu.memory_space<vmem>>
      %dma_start3A_1164 = arith.constant 0 : i32
      %dma_start3A_1165 = arith.constant 0 : i32
      %dma_start3A_1166 = tpu.memref_slice %arg4[%dma_start3A_1164, %dma_start3A_1165, %mul3A_1152] : memref<4x8x1000000xf32, #tpu.memory_space<hbm>> -> memref<4x8x128xf32, #tpu.memory_space<hbm>>
      %dma_start3A_1167 = arith.constant 0 : i32
      %dma_start3A_1168 = arith.constant 0 : i32
      %dma_start3A_1169 = arith.constant 0 : i32
      %dma_start3A_1170 = tpu.memref_slice %arg10[%dma_start3A_1157, %dma_start3A_1158, %dma_start3A_1167, %dma_start3A_1168, %dma_start3A_1169] : memref<2x4x4x8x128xf32, #tpu.memory_space<vmem>> -> memref<1x1x4x8x128xf32, #tpu.memory_space<vmem>>
      %dma_start3A_1171 = tpu.memref_squeeze %dma_start3A_1170 : memref<1x1x4x8x128xf32, #tpu.memory_space<vmem>> -> memref<4x8x128xf32, #tpu.memory_space<vmem>>
      %dma_start3A_1172 = arith.constant 0 : i32
      %dma_start3A_1173 = arith.constant 0 : i32
      %dma_start3A_1174 = tpu.memref_slice %arg4[%dma_start3A_1172, %dma_start3A_1173, %mul3A_1152] : memref<4x8x1000000xf32, #tpu.memory_space<hbm>> -> memref<4x8x128xf32, #tpu.memory_space<hbm>>
      tpu.enqueue_dma source(%dma_start3A_1174 : memref<4x8x128xf32, #tpu.memory_space<hbm>>) target(%dma_start3A_1171 : memref<4x8x128xf32, #tpu.memory_space<vmem>>) target_semaphore(%arg15 : memref<!tpu.dma_semaphore, #tpu.memory_space<semaphore_mem>>)
      %dma_start3A_1175 = arith.constant 0 : i32
      %dma_start3A_1176 = arith.constant 2 : i32
      %dma_start3A_1177 = arith.constant 0 : i32
      %dma_start3A_1178 = arith.constant 0 : i32
      %dma_start3A_1179 = arith.constant 0 : i32
      %dma_start3A_1180 = tpu.memref_slice %arg11[%dma_start3A_1175, %dma_start3A_1176, %dma_start3A_1177, %dma_start3A_1178, %dma_start3A_1179] : memref<2x4x4x8x128xf32, #tpu.memory_space<vmem>> -> memref<1x1x4x8x128xf32, #tpu.memory_space<vmem>>
      %dma_start3A_1181 = tpu.memref_squeeze %dma_start3A_1180 : memref<1x1x4x8x128xf32, #tpu.memory_space<vmem>> -> memref<4x8x128xf32, #tpu.memory_space<vmem>>
      %dma_start3A_1182 = arith.constant 0 : i32
      %dma_start3A_1183 = arith.constant 0 : i32
      %dma_start3A_1184 = tpu.memref_slice %arg5[%dma_start3A_1182, %dma_start3A_1183, %mul3A_1156] : memref<4x8x1000000xf32, #tpu.memory_space<hbm>> -> memref<4x8x128xf32, #tpu.memory_space<hbm>>
      %dma_start3A_1185 = arith.constant 0 : i32
      %dma_start3A_1186 = arith.constant 0 : i32
      %dma_start3A_1187 = arith.constant 0 : i32
      %dma_start3A_1188 = tpu.memref_slice %arg11[%dma_start3A_1175, %dma_start3A_1176, %dma_start3A_1185, %dma_start3A_1186, %dma_start3A_1187] : memref<2x4x4x8x128xf32, #tpu.memory_space<vmem>> -> memref<1x1x4x8x128xf32, #tpu.memory_space<vmem>>
      %dma_start3A_1189 = tpu.memref_squeeze %dma_start3A_1188 : memref<1x1x4x8x128xf32, #tpu.memory_space<vmem>> -> memref<4x8x128xf32, #tpu.memory_space<vmem>>
      %dma_start3A_1190 = arith.constant 0 : i32
      %dma_start3A_1191 = arith.constant 0 : i32
      %dma_start3A_1192 = tpu.memref_slice %arg5[%dma_start3A_1190, %dma_start3A_1191, %mul3A_1156] : memref<4x8x1000000xf32, #tpu.memory_space<hbm>> -> memref<4x8x128xf32, #tpu.memory_space<hbm>>
      tpu.enqueue_dma source(%dma_start3A_1192 : memref<4x8x128xf32, #tpu.memory_space<hbm>>) target(%dma_start3A_1189 : memref<4x8x128xf32, #tpu.memory_space<vmem>>) target_semaphore(%arg15 : memref<!tpu.dma_semaphore, #tpu.memory_space<semaphore_mem>>)
      %slice3A_1193 = vector.extract_strided_slice %get3A_376 {offsets = [11], sizes = [1], strides = [1]} : vector<16xi32> to vector<1xi32>
      %squeeze3A_1194 = vector.extract %slice3A_1193[0] : i32 from vector<1xi32>
      %slice3A_1195 = vector.extract_strided_slice %get3A_380 {offsets = [11], sizes = [1], strides = [1]} : vector<16xi32> to vector<1xi32>
      %squeeze3A_1196 = vector.extract %slice3A_1195[0] : i32 from vector<1xi32>
      %shift_right_arithmetic3A_1197 = arith.constant 7 : i32
      %shift_right_arithmetic3A_1198 = arith.shrsi %squeeze3A_1194, %shift_right_arithmetic3A_1197 : i32
      %mul3A_1199 = arith.constant 128 : i32
      %mul3A_1200 = arith.muli %shift_right_arithmetic3A_1198, %mul3A_1199 : i32
      %shift_right_arithmetic3A_1201 = arith.constant 7 : i32
      %shift_right_arithmetic3A_1202 = arith.shrsi %squeeze3A_1196, %shift_right_arithmetic3A_1201 : i32
      %mul3A_1203 = arith.constant 128 : i32
      %mul3A_1204 = arith.muli %shift_right_arithmetic3A_1202, %mul3A_1203 : i32
      %dma_start3A_1205 = arith.constant 0 : i32
      %dma_start3A_1206 = arith.constant 3 : i32
      %dma_start3A_1207 = arith.constant 0 : i32
      %dma_start3A_1208 = arith.constant 0 : i32
      %dma_start3A_1209 = arith.constant 0 : i32
      %dma_start3A_1210 = tpu.memref_slice %arg10[%dma_start3A_1205, %dma_start3A_1206, %dma_start3A_1207, %dma_start3A_1208, %dma_start3A_1209] : memref<2x4x4x8x128xf32, #tpu.memory_space<vmem>> -> memref<1x1x4x8x128xf32, #tpu.memory_space<vmem>>
      %dma_start3A_1211 = tpu.memref_squeeze %dma_start3A_1210 : memref<1x1x4x8x128xf32, #tpu.memory_space<vmem>> -> memref<4x8x128xf32, #tpu.memory_space<vmem>>
      %dma_start3A_1212 = arith.constant 0 : i32
      %dma_start3A_1213 = arith.constant 0 : i32
      %dma_start3A_1214 = tpu.memref_slice %arg4[%dma_start3A_1212, %dma_start3A_1213, %mul3A_1200] : memref<4x8x1000000xf32, #tpu.memory_space<hbm>> -> memref<4x8x128xf32, #tpu.memory_space<hbm>>
      %dma_start3A_1215 = arith.constant 0 : i32
      %dma_start3A_1216 = arith.constant 0 : i32
      %dma_start3A_1217 = arith.constant 0 : i32
      %dma_start3A_1218 = tpu.memref_slice %arg10[%dma_start3A_1205, %dma_start3A_1206, %dma_start3A_1215, %dma_start3A_1216, %dma_start3A_1217] : memref<2x4x4x8x128xf32, #tpu.memory_space<vmem>> -> memref<1x1x4x8x128xf32, #tpu.memory_space<vmem>>
      %dma_start3A_1219 = tpu.memref_squeeze %dma_start3A_1218 : memref<1x1x4x8x128xf32, #tpu.memory_space<vmem>> -> memref<4x8x128xf32, #tpu.memory_space<vmem>>
      %dma_start3A_1220 = arith.constant 0 : i32
      %dma_start3A_1221 = arith.constant 0 : i32
      %dma_start3A_1222 = tpu.memref_slice %arg4[%dma_start3A_1220, %dma_start3A_1221, %mul3A_1200] : memref<4x8x1000000xf32, #tpu.memory_space<hbm>> -> memref<4x8x128xf32, #tpu.memory_space<hbm>>
      tpu.enqueue_dma source(%dma_start3A_1222 : memref<4x8x128xf32, #tpu.memory_space<hbm>>) target(%dma_start3A_1219 : memref<4x8x128xf32, #tpu.memory_space<vmem>>) target_semaphore(%arg15 : memref<!tpu.dma_semaphore, #tpu.memory_space<semaphore_mem>>)
      %dma_start3A_1223 = arith.constant 0 : i32
      %dma_start3A_1224 = arith.constant 3 : i32
      %dma_start3A_1225 = arith.constant 0 : i32
      %dma_start3A_1226 = arith.constant 0 : i32
      %dma_start3A_1227 = arith.constant 0 : i32
      %dma_start3A_1228 = tpu.memref_slice %arg11[%dma_start3A_1223, %dma_start3A_1224, %dma_start3A_1225, %dma_start3A_1226, %dma_start3A_1227] : memref<2x4x4x8x128xf32, #tpu.memory_space<vmem>> -> memref<1x1x4x8x128xf32, #tpu.memory_space<vmem>>
      %dma_start3A_1229 = tpu.memref_squeeze %dma_start3A_1228 : memref<1x1x4x8x128xf32, #tpu.memory_space<vmem>> -> memref<4x8x128xf32, #tpu.memory_space<vmem>>
      %dma_start3A_1230 = arith.constant 0 : i32
      %dma_start3A_1231 = arith.constant 0 : i32
      %dma_start3A_1232 = tpu.memref_slice %arg5[%dma_start3A_1230, %dma_start3A_1231, %mul3A_1204] : memref<4x8x1000000xf32, #tpu.memory_space<hbm>> -> memref<4x8x128xf32, #tpu.memory_space<hbm>>
      %dma_start3A_1233 = arith.constant 0 : i32
      %dma_start3A_1234 = arith.constant 0 : i32
      %dma_start3A_1235 = arith.constant 0 : i32
      %dma_start3A_1236 = tpu.memref_slice %arg11[%dma_start3A_1223, %dma_start3A_1224, %dma_start3A_1233, %dma_start3A_1234, %dma_start3A_1235] : memref<2x4x4x8x128xf32, #tpu.memory_space<vmem>> -> memref<1x1x4x8x128xf32, #tpu.memory_space<vmem>>
      %dma_start3A_1237 = tpu.memref_squeeze %dma_start3A_1236 : memref<1x1x4x8x128xf32, #tpu.memory_space<vmem>> -> memref<4x8x128xf32, #tpu.memory_space<vmem>>
      %dma_start3A_1238 = arith.constant 0 : i32
      %dma_start3A_1239 = arith.constant 0 : i32
      %dma_start3A_1240 = tpu.memref_slice %arg5[%dma_start3A_1238, %dma_start3A_1239, %mul3A_1204] : memref<4x8x1000000xf32, #tpu.memory_space<hbm>> -> memref<4x8x128xf32, #tpu.memory_space<hbm>>
      tpu.enqueue_dma source(%dma_start3A_1240 : memref<4x8x128xf32, #tpu.memory_space<hbm>>) target(%dma_start3A_1237 : memref<4x8x128xf32, #tpu.memory_space<vmem>>) target_semaphore(%arg15 : memref<!tpu.dma_semaphore, #tpu.memory_space<semaphore_mem>>)
      %slice3A_1241 = vector.extract_strided_slice %get3A_376 {offsets = [4], sizes = [1], strides = [1]} : vector<16xi32> to vector<1xi32>
      %squeeze3A_1242 = vector.extract %slice3A_1241[0] : i32 from vector<1xi32>
      %slice3A_1243 = vector.extract_strided_slice %get3A_380 {offsets = [4], sizes = [1], strides = [1]} : vector<16xi32> to vector<1xi32>
      %squeeze3A_1244 = vector.extract %slice3A_1243[0] : i32 from vector<1xi32>
      %and3A_1245 = arith.constant 127 : i32
      %and3A_1246 = arith.andi %squeeze3A_1242, %and3A_1245 : i32
      %broadcast_in_dim3A_1247 = vector.broadcast %and3A_1246 : i32 to vector<16xi32>
      %and3A_1248 = arith.constant 127 : i32
      %and3A_1249 = arith.andi %squeeze3A_1244, %and3A_1248 : i32
      %broadcast_in_dim3A_1250 = vector.broadcast %and3A_1249 : i32 to vector<16xi32>
      %broadcast_in_dim3A_1251 = arith.constant 1 : i32
      %broadcast_in_dim3A_1252 = vector.broadcast %broadcast_in_dim3A_1251 : i32 to vector<16xi32>
      %broadcast_in_dim3A_1253 = arith.constant 0 : i32
      %broadcast_in_dim3A_1254 = vector.broadcast %broadcast_in_dim3A_1253 : i32 to vector<16xi32>
      %gather3A_1255 = tpu.vector_load_idx %arg10[%broadcast_in_dim3A_1252, %broadcast_in_dim3A_1254, %shift_right_arithmetic3A_9, %and3A_14, %broadcast_in_dim3A_1247] : memref<2x4x4x8x128xf32, #tpu.memory_space<vmem>>[vector<16xi32>, vector<16xi32>, vector<16xi32>, vector<16xi32>, vector<16xi32>], vector<16xf32>,
      %gather3A_1256 = tpu.vector_load_idx %arg10[%broadcast_in_dim3A_1252, %broadcast_in_dim3A_1254, %add3A_12, %and3A_14, %broadcast_in_dim3A_1247] : memref<2x4x4x8x128xf32, #tpu.memory_space<vmem>>[vector<16xi32>, vector<16xi32>, vector<16xi32>, vector<16xi32>, vector<16xi32>], vector<16xf32>,
      %gather3A_1257 = tpu.vector_load_idx %arg11[%broadcast_in_dim3A_1252, %broadcast_in_dim3A_1254, %shift_right_arithmetic3A_9, %and3A_14, %broadcast_in_dim3A_1250] : memref<2x4x4x8x128xf32, #tpu.memory_space<vmem>>[vector<16xi32>, vector<16xi32>, vector<16xi32>, vector<16xi32>, vector<16xi32>], vector<16xf32>,
      %gather3A_1258 = tpu.vector_load_idx %arg11[%broadcast_in_dim3A_1252, %broadcast_in_dim3A_1254, %add3A_12, %and3A_14, %broadcast_in_dim3A_1250] : memref<2x4x4x8x128xf32, #tpu.memory_space<vmem>>[vector<16xi32>, vector<16xi32>, vector<16xi32>, vector<16xi32>, vector<16xi32>], vector<16xf32>,
      %mul3A_1259 = arith.mulf %gather3A_1255, %gather3A_1257 : vector<16xf32>
      %mul3A_1260 = arith.mulf %mul3A_1259, %get3A_3 : vector<16xf32>
      %mul3A_1261 = arith.mulf %gather3A_1256, %gather3A_1258 : vector<16xf32>
      %mul3A_1262 = arith.mulf %mul3A_1261, %get3A_5 : vector<16xf32>
      %add3A_1263 = arith.addf %mul3A_1260, %mul3A_1262 : vector<16xf32>
      %swap3A_1264 = arith.constant 64 : index
      %swap3A_1265 = tpu.vector_load %arg12[%swap3A_1264] {strides = array<i32>} : memref<256xf32, #tpu.memory_space<vmem>>, vector<16xf32>,
      tpu.vector_store %arg12[%swap3A_1264], %add3A_1263 {strides = array<i32>} : memref<256xf32, #tpu.memory_space<vmem>>, vector<16xf32>,
      %slice3A_1266 = vector.extract_strided_slice %get3A_376 {offsets = [5], sizes = [1], strides = [1]} : vector<16xi32> to vector<1xi32>
      %squeeze3A_1267 = vector.extract %slice3A_1266[0] : i32 from vector<1xi32>
      %slice3A_1268 = vector.extract_strided_slice %get3A_380 {offsets = [5], sizes = [1], strides = [1]} : vector<16xi32> to vector<1xi32>
      %squeeze3A_1269 = vector.extract %slice3A_1268[0] : i32 from vector<1xi32>
      %and3A_1270 = arith.constant 127 : i32
      %and3A_1271 = arith.andi %squeeze3A_1267, %and3A_1270 : i32
      %broadcast_in_dim3A_1272 = vector.broadcast %and3A_1271 : i32 to vector<16xi32>
      %and3A_1273 = arith.constant 127 : i32
      %and3A_1274 = arith.andi %squeeze3A_1269, %and3A_1273 : i32
      %broadcast_in_dim3A_1275 = vector.broadcast %and3A_1274 : i32 to vector<16xi32>
      %broadcast_in_dim3A_1276 = arith.constant 1 : i32
      %broadcast_in_dim3A_1277 = vector.broadcast %broadcast_in_dim3A_1276 : i32 to vector<16xi32>
      %broadcast_in_dim3A_1278 = arith.constant 1 : i32
      %broadcast_in_dim3A_1279 = vector.broadcast %broadcast_in_dim3A_1278 : i32 to vector<16xi32>
      %gather3A_1280 = tpu.vector_load_idx %arg10[%broadcast_in_dim3A_1277, %broadcast_in_dim3A_1279, %shift_right_arithmetic3A_9, %and3A_14, %broadcast_in_dim3A_1272] : memref<2x4x4x8x128xf32, #tpu.memory_space<vmem>>[vector<16xi32>, vector<16xi32>, vector<16xi32>, vector<16xi32>, vector<16xi32>], vector<16xf32>,
      %gather3A_1281 = tpu.vector_load_idx %arg10[%broadcast_in_dim3A_1277, %broadcast_in_dim3A_1279, %add3A_12, %and3A_14, %broadcast_in_dim3A_1272] : memref<2x4x4x8x128xf32, #tpu.memory_space<vmem>>[vector<16xi32>, vector<16xi32>, vector<16xi32>, vector<16xi32>, vector<16xi32>], vector<16xf32>,
      %gather3A_1282 = tpu.vector_load_idx %arg11[%broadcast_in_dim3A_1277, %broadcast_in_dim3A_1279, %shift_right_arithmetic3A_9, %and3A_14, %broadcast_in_dim3A_1275] : memref<2x4x4x8x128xf32, #tpu.memory_space<vmem>>[vector<16xi32>, vector<16xi32>, vector<16xi32>, vector<16xi32>, vector<16xi32>], vector<16xf32>,
      %gather3A_1283 = tpu.vector_load_idx %arg11[%broadcast_in_dim3A_1277, %broadcast_in_dim3A_1279, %add3A_12, %and3A_14, %broadcast_in_dim3A_1275] : memref<2x4x4x8x128xf32, #tpu.memory_space<vmem>>[vector<16xi32>, vector<16xi32>, vector<16xi32>, vector<16xi32>, vector<16xi32>], vector<16xf32>,
      %mul3A_1284 = arith.mulf %gather3A_1280, %gather3A_1282 : vector<16xf32>
      %mul3A_1285 = arith.mulf %mul3A_1284, %get3A_3 : vector<16xf32>
      %mul3A_1286 = arith.mulf %gather3A_1281, %gather3A_1283 : vector<16xf32>
      %mul3A_1287 = arith.mulf %mul3A_1286, %get3A_5 : vector<16xf32>
      %add3A_1288 = arith.addf %mul3A_1285, %mul3A_1287 : vector<16xf32>
      %swap3A_1289 = arith.constant 80 : index
      %swap3A_1290 = tpu.vector_load %arg12[%swap3A_1289] {strides = array<i32>} : memref<256xf32, #tpu.memory_space<vmem>>, vector<16xf32>,
      tpu.vector_store %arg12[%swap3A_1289], %add3A_1288 {strides = array<i32>} : memref<256xf32, #tpu.memory_space<vmem>>, vector<16xf32>,
      %slice3A_1291 = vector.extract_strided_slice %get3A_376 {offsets = [6], sizes = [1], strides = [1]} : vector<16xi32> to vector<1xi32>
      %squeeze3A_1292 = vector.extract %slice3A_1291[0] : i32 from vector<1xi32>
      %slice3A_1293 = vector.extract_strided_slice %get3A_380 {offsets = [6], sizes = [1], strides = [1]} : vector<16xi32> to vector<1xi32>
      %squeeze3A_1294 = vector.extract %slice3A_1293[0] : i32 from vector<1xi32>
      %and3A_1295 = arith.constant 127 : i32
      %and3A_1296 = arith.andi %squeeze3A_1292, %and3A_1295 : i32
      %broadcast_in_dim3A_1297 = vector.broadcast %and3A_1296 : i32 to vector<16xi32>
      %and3A_1298 = arith.constant 127 : i32
      %and3A_1299 = arith.andi %squeeze3A_1294, %and3A_1298 : i32
      %broadcast_in_dim3A_1300 = vector.broadcast %and3A_1299 : i32 to vector<16xi32>
      %broadcast_in_dim3A_1301 = arith.constant 1 : i32
      %broadcast_in_dim3A_1302 = vector.broadcast %broadcast_in_dim3A_1301 : i32 to vector<16xi32>
      %broadcast_in_dim3A_1303 = arith.constant 2 : i32
      %broadcast_in_dim3A_1304 = vector.broadcast %broadcast_in_dim3A_1303 : i32 to vector<16xi32>
      %gather3A_1305 = tpu.vector_load_idx %arg10[%broadcast_in_dim3A_1302, %broadcast_in_dim3A_1304, %shift_right_arithmetic3A_9, %and3A_14, %broadcast_in_dim3A_1297] : memref<2x4x4x8x128xf32, #tpu.memory_space<vmem>>[vector<16xi32>, vector<16xi32>, vector<16xi32>, vector<16xi32>, vector<16xi32>], vector<16xf32>,
      %gather3A_1306 = tpu.vector_load_idx %arg10[%broadcast_in_dim3A_1302, %broadcast_in_dim3A_1304, %add3A_12, %and3A_14, %broadcast_in_dim3A_1297] : memref<2x4x4x8x128xf32, #tpu.memory_space<vmem>>[vector<16xi32>, vector<16xi32>, vector<16xi32>, vector<16xi32>, vector<16xi32>], vector<16xf32>,
      %gather3A_1307 = tpu.vector_load_idx %arg11[%broadcast_in_dim3A_1302, %broadcast_in_dim3A_1304, %shift_right_arithmetic3A_9, %and3A_14, %broadcast_in_dim3A_1300] : memref<2x4x4x8x128xf32, #tpu.memory_space<vmem>>[vector<16xi32>, vector<16xi32>, vector<16xi32>, vector<16xi32>, vector<16xi32>], vector<16xf32>,
      %gather3A_1308 = tpu.vector_load_idx %arg11[%broadcast_in_dim3A_1302, %broadcast_in_dim3A_1304, %add3A_12, %and3A_14, %broadcast_in_dim3A_1300] : memref<2x4x4x8x128xf32, #tpu.memory_space<vmem>>[vector<16xi32>, vector<16xi32>, vector<16xi32>, vector<16xi32>, vector<16xi32>], vector<16xf32>,
      %mul3A_1309 = arith.mulf %gather3A_1305, %gather3A_1307 : vector<16xf32>
      %mul3A_1310 = arith.mulf %mul3A_1309, %get3A_3 : vector<16xf32>
      %mul3A_1311 = arith.mulf %gather3A_1306, %gather3A_1308 : vector<16xf32>
      %mul3A_1312 = arith.mulf %mul3A_1311, %get3A_5 : vector<16xf32>
      %add3A_1313 = arith.addf %mul3A_1310, %mul3A_1312 : vector<16xf32>
      %swap3A_1314 = arith.constant 96 : index
      %swap3A_1315 = tpu.vector_load %arg12[%swap3A_1314] {strides = array<i32>} : memref<256xf32, #tpu.memory_space<vmem>>, vector<16xf32>,
      tpu.vector_store %arg12[%swap3A_1314], %add3A_1313 {strides = array<i32>} : memref<256xf32, #tpu.memory_space<vmem>>, vector<16xf32>,
      %slice3A_1316 = vector.extract_strided_slice %get3A_376 {offsets = [7], sizes = [1], strides = [1]} : vector<16xi32> to vector<1xi32>
      %squeeze3A_1317 = vector.extract %slice3A_1316[0] : i32 from vector<1xi32>
      %slice3A_1318 = vector.extract_strided_slice %get3A_380 {offsets = [7], sizes = [1], strides = [1]} : vector<16xi32> to vector<1xi32>
      %squeeze3A_1319 = vector.extract %slice3A_1318[0] : i32 from vector<1xi32>
      %and3A_1320 = arith.constant 127 : i32
      %and3A_1321 = arith.andi %squeeze3A_1317, %and3A_1320 : i32
      %broadcast_in_dim3A_1322 = vector.broadcast %and3A_1321 : i32 to vector<16xi32>
      %and3A_1323 = arith.constant 127 : i32
      %and3A_1324 = arith.andi %squeeze3A_1319, %and3A_1323 : i32
      %broadcast_in_dim3A_1325 = vector.broadcast %and3A_1324 : i32 to vector<16xi32>
      %broadcast_in_dim3A_1326 = arith.constant 1 : i32
      %broadcast_in_dim3A_1327 = vector.broadcast %broadcast_in_dim3A_1326 : i32 to vector<16xi32>
      %broadcast_in_dim3A_1328 = arith.constant 3 : i32
      %broadcast_in_dim3A_1329 = vector.broadcast %broadcast_in_dim3A_1328 : i32 to vector<16xi32>
      %gather3A_1330 = tpu.vector_load_idx %arg10[%broadcast_in_dim3A_1327, %broadcast_in_dim3A_1329, %shift_right_arithmetic3A_9, %and3A_14, %broadcast_in_dim3A_1322] : memref<2x4x4x8x128xf32, #tpu.memory_space<vmem>>[vector<16xi32>, vector<16xi32>, vector<16xi32>, vector<16xi32>, vector<16xi32>], vector<16xf32>,
      %gather3A_1331 = tpu.vector_load_idx %arg10[%broadcast_in_dim3A_1327, %broadcast_in_dim3A_1329, %add3A_12, %and3A_14, %broadcast_in_dim3A_1322] : memref<2x4x4x8x128xf32, #tpu.memory_space<vmem>>[vector<16xi32>, vector<16xi32>, vector<16xi32>, vector<16xi32>, vector<16xi32>], vector<16xf32>,
      %gather3A_1332 = tpu.vector_load_idx %arg11[%broadcast_in_dim3A_1327, %broadcast_in_dim3A_1329, %shift_right_arithmetic3A_9, %and3A_14, %broadcast_in_dim3A_1325] : memref<2x4x4x8x128xf32, #tpu.memory_space<vmem>>[vector<16xi32>, vector<16xi32>, vector<16xi32>, vector<16xi32>, vector<16xi32>], vector<16xf32>,
      %gather3A_1333 = tpu.vector_load_idx %arg11[%broadcast_in_dim3A_1327, %broadcast_in_dim3A_1329, %add3A_12, %and3A_14, %broadcast_in_dim3A_1325] : memref<2x4x4x8x128xf32, #tpu.memory_space<vmem>>[vector<16xi32>, vector<16xi32>, vector<16xi32>, vector<16xi32>, vector<16xi32>], vector<16xf32>,
      %mul3A_1334 = arith.mulf %gather3A_1330, %gather3A_1332 : vector<16xf32>
      %mul3A_1335 = arith.mulf %mul3A_1334, %get3A_3 : vector<16xf32>
      %mul3A_1336 = arith.mulf %gather3A_1331, %gather3A_1333 : vector<16xf32>
      %mul3A_1337 = arith.mulf %mul3A_1336, %get3A_5 : vector<16xf32>
      %add3A_1338 = arith.addf %mul3A_1335, %mul3A_1337 : vector<16xf32>
      %swap3A_1339 = arith.constant 112 : index
      %swap3A_1340 = tpu.vector_load %arg12[%swap3A_1339] {strides = array<i32>} : memref<256xf32, #tpu.memory_space<vmem>>, vector<16xf32>,
      tpu.vector_store %arg12[%swap3A_1339], %add3A_1338 {strides = array<i32>} : memref<256xf32, #tpu.memory_space<vmem>>, vector<16xf32>,
      %dma_wait3A_1341 = arith.constant 0 : i32
      %dma_wait3A_1342 = arith.constant 0 : i32
      %dma_wait3A_1343 = arith.constant 0 : i32
      %dma_wait3A_1344 = arith.constant 0 : i32
      %dma_wait3A_1345 = arith.constant 0 : i32
      %dma_wait3A_1346 = tpu.memref_slice %arg10[%dma_wait3A_1341, %dma_wait3A_1342, %dma_wait3A_1343, %dma_wait3A_1344, %dma_wait3A_1345] : memref<2x4x4x8x128xf32, #tpu.memory_space<vmem>> -> memref<1x1x4x8x128xf32, #tpu.memory_space<vmem>>
      %dma_wait3A_1347 = tpu.memref_squeeze %dma_wait3A_1346 : memref<1x1x4x8x128xf32, #tpu.memory_space<vmem>> -> memref<4x8x128xf32, #tpu.memory_space<vmem>>
      %dma_wait3A_1348 = arith.constant 0 : i32
      %dma_wait3A_1349 = arith.constant 0 : i32
      %dma_wait3A_1350 = arith.constant 0 : i32
      %dma_wait3A_1351 = tpu.memref_slice %arg4[%dma_wait3A_1348, %dma_wait3A_1349, %dma_wait3A_1350] : memref<4x8x1000000xf32, #tpu.memory_space<hbm>> -> memref<4x8x128xf32, #tpu.memory_space<hbm>>
      %dma_wait3A_1352 = arith.constant 0 : i32
      %dma_wait3A_1353 = arith.constant 0 : i32
      %dma_wait3A_1354 = arith.constant 0 : i32
      %dma_wait3A_1355 = tpu.memref_slice %arg10[%dma_wait3A_1341, %dma_wait3A_1342, %dma_wait3A_1352, %dma_wait3A_1353, %dma_wait3A_1354] : memref<2x4x4x8x128xf32, #tpu.memory_space<vmem>> -> memref<1x1x4x8x128xf32, #tpu.memory_space<vmem>>
      %dma_wait3A_1356 = tpu.memref_squeeze %dma_wait3A_1355 : memref<1x1x4x8x128xf32, #tpu.memory_space<vmem>> -> memref<4x8x128xf32, #tpu.memory_space<vmem>>
      %dma_wait3A_1357 = arith.constant 0 : i32
      %dma_wait3A_1358 = arith.constant 0 : i32
      %dma_wait3A_1359 = arith.constant 0 : i32
      %dma_wait3A_1360 = tpu.memref_slice %arg4[%dma_wait3A_1357, %dma_wait3A_1358, %dma_wait3A_1359] : memref<4x8x1000000xf32, #tpu.memory_space<hbm>> -> memref<4x8x128xf32, #tpu.memory_space<hbm>>
      tpu.wait_dma2 semaphore(%arg15 : memref<!tpu.dma_semaphore, #tpu.memory_space<semaphore_mem>>) src(%dma_wait3A_1360 : memref<4x8x128xf32, #tpu.memory_space<hbm>>) dst(%dma_wait3A_1356 : memref<4x8x128xf32, #tpu.memory_space<vmem>>)
      %dma_wait3A_1361 = arith.constant 0 : i32
      %dma_wait3A_1362 = arith.constant 0 : i32
      %dma_wait3A_1363 = arith.constant 0 : i32
      %dma_wait3A_1364 = arith.constant 0 : i32
      %dma_wait3A_1365 = arith.constant 0 : i32
      %dma_wait3A_1366 = tpu.memref_slice %arg11[%dma_wait3A_1361, %dma_wait3A_1362, %dma_wait3A_1363, %dma_wait3A_1364, %dma_wait3A_1365] : memref<2x4x4x8x128xf32, #tpu.memory_space<vmem>> -> memref<1x1x4x8x128xf32, #tpu.memory_space<vmem>>
      %dma_wait3A_1367 = tpu.memref_squeeze %dma_wait3A_1366 : memref<1x1x4x8x128xf32, #tpu.memory_space<vmem>> -> memref<4x8x128xf32, #tpu.memory_space<vmem>>
      %dma_wait3A_1368 = arith.constant 0 : i32
      %dma_wait3A_1369 = arith.constant 0 : i32
      %dma_wait3A_1370 = arith.constant 0 : i32
      %dma_wait3A_1371 = tpu.memref_slice %arg5[%dma_wait3A_1368, %dma_wait3A_1369, %dma_wait3A_1370] : memref<4x8x1000000xf32, #tpu.memory_space<hbm>> -> memref<4x8x128xf32, #tpu.memory_space<hbm>>
      %dma_wait3A_1372 = arith.constant 0 : i32
      %dma_wait3A_1373 = arith.constant 0 : i32
      %dma_wait3A_1374 = arith.constant 0 : i32
      %dma_wait3A_1375 = tpu.memref_slice %arg11[%dma_wait3A_1361, %dma_wait3A_1362, %dma_wait3A_1372, %dma_wait3A_1373, %dma_wait3A_1374] : memref<2x4x4x8x128xf32, #tpu.memory_space<vmem>> -> memref<1x1x4x8x128xf32, #tpu.memory_space<vmem>>
      %dma_wait3A_1376 = tpu.memref_squeeze %dma_wait3A_1375 : memref<1x1x4x8x128xf32, #tpu.memory_space<vmem>> -> memref<4x8x128xf32, #tpu.memory_space<vmem>>
      %dma_wait3A_1377 = arith.constant 0 : i32
      %dma_wait3A_1378 = arith.constant 0 : i32
      %dma_wait3A_1379 = arith.constant 0 : i32
      %dma_wait3A_1380 = tpu.memref_slice %arg5[%dma_wait3A_1377, %dma_wait3A_1378, %dma_wait3A_1379] : memref<4x8x1000000xf32, #tpu.memory_space<hbm>> -> memref<4x8x128xf32, #tpu.memory_space<hbm>>
      tpu.wait_dma2 semaphore(%arg15 : memref<!tpu.dma_semaphore, #tpu.memory_space<semaphore_mem>>) src(%dma_wait3A_1380 : memref<4x8x128xf32, #tpu.memory_space<hbm>>) dst(%dma_wait3A_1376 : memref<4x8x128xf32, #tpu.memory_space<vmem>>)
      %dma_wait3A_1381 = arith.constant 0 : i32
      %dma_wait3A_1382 = arith.constant 1 : i32
      %dma_wait3A_1383 = arith.constant 0 : i32
      %dma_wait3A_1384 = arith.constant 0 : i32
      %dma_wait3A_1385 = arith.constant 0 : i32
      %dma_wait3A_1386 = tpu.memref_slice %arg10[%dma_wait3A_1381, %dma_wait3A_1382, %dma_wait3A_1383, %dma_wait3A_1384, %dma_wait3A_1385] : memref<2x4x4x8x128xf32, #tpu.memory_space<vmem>> -> memref<1x1x4x8x128xf32, #tpu.memory_space<vmem>>
      %dma_wait3A_1387 = tpu.memref_squeeze %dma_wait3A_1386 : memref<1x1x4x8x128xf32, #tpu.memory_space<vmem>> -> memref<4x8x128xf32, #tpu.memory_space<vmem>>
      %dma_wait3A_1388 = arith.constant 0 : i32
      %dma_wait3A_1389 = arith.constant 0 : i32
      %dma_wait3A_1390 = arith.constant 0 : i32
      %dma_wait3A_1391 = tpu.memref_slice %arg4[%dma_wait3A_1388, %dma_wait3A_1389, %dma_wait3A_1390] : memref<4x8x1000000xf32, #tpu.memory_space<hbm>> -> memref<4x8x128xf32, #tpu.memory_space<hbm>>
      %dma_wait3A_1392 = arith.constant 0 : i32
      %dma_wait3A_1393 = arith.constant 0 : i32
      %dma_wait3A_1394 = arith.constant 0 : i32
      %dma_wait3A_1395 = tpu.memref_slice %arg10[%dma_wait3A_1381, %dma_wait3A_1382, %dma_wait3A_1392, %dma_wait3A_1393, %dma_wait3A_1394] : memref<2x4x4x8x128xf32, #tpu.memory_space<vmem>> -> memref<1x1x4x8x128xf32, #tpu.memory_space<vmem>>
      %dma_wait3A_1396 = tpu.memref_squeeze %dma_wait3A_1395 : memref<1x1x4x8x128xf32, #tpu.memory_space<vmem>> -> memref<4x8x128xf32, #tpu.memory_space<vmem>>
      %dma_wait3A_1397 = arith.constant 0 : i32
      %dma_wait3A_1398 = arith.constant 0 : i32
      %dma_wait3A_1399 = arith.constant 0 : i32
      %dma_wait3A_1400 = tpu.memref_slice %arg4[%dma_wait3A_1397, %dma_wait3A_1398, %dma_wait3A_1399] : memref<4x8x1000000xf32, #tpu.memory_space<hbm>> -> memref<4x8x128xf32, #tpu.memory_space<hbm>>
      tpu.wait_dma2 semaphore(%arg15 : memref<!tpu.dma_semaphore, #tpu.memory_space<semaphore_mem>>) src(%dma_wait3A_1400 : memref<4x8x128xf32, #tpu.memory_space<hbm>>) dst(%dma_wait3A_1396 : memref<4x8x128xf32, #tpu.memory_space<vmem>>)
      %dma_wait3A_1401 = arith.constant 0 : i32
      %dma_wait3A_1402 = arith.constant 1 : i32
      %dma_wait3A_1403 = arith.constant 0 : i32
      %dma_wait3A_1404 = arith.constant 0 : i32
      %dma_wait3A_1405 = arith.constant 0 : i32
      %dma_wait3A_1406 = tpu.memref_slice %arg11[%dma_wait3A_1401, %dma_wait3A_1402, %dma_wait3A_1403, %dma_wait3A_1404, %dma_wait3A_1405] : memref<2x4x4x8x128xf32, #tpu.memory_space<vmem>> -> memref<1x1x4x8x128xf32, #tpu.memory_space<vmem>>
      %dma_wait3A_1407 = tpu.memref_squeeze %dma_wait3A_1406 : memref<1x1x4x8x128xf32, #tpu.memory_space<vmem>> -> memref<4x8x128xf32, #tpu.memory_space<vmem>>
      %dma_wait3A_1408 = arith.constant 0 : i32
      %dma_wait3A_1409 = arith.constant 0 : i32
      %dma_wait3A_1410 = arith.constant 0 : i32
      %dma_wait3A_1411 = tpu.memref_slice %arg5[%dma_wait3A_1408, %dma_wait3A_1409, %dma_wait3A_1410] : memref<4x8x1000000xf32, #tpu.memory_space<hbm>> -> memref<4x8x128xf32, #tpu.memory_space<hbm>>
      %dma_wait3A_1412 = arith.constant 0 : i32
      %dma_wait3A_1413 = arith.constant 0 : i32
      %dma_wait3A_1414 = arith.constant 0 : i32
      %dma_wait3A_1415 = tpu.memref_slice %arg11[%dma_wait3A_1401, %dma_wait3A_1402, %dma_wait3A_1412, %dma_wait3A_1413, %dma_wait3A_1414] : memref<2x4x4x8x128xf32, #tpu.memory_space<vmem>> -> memref<1x1x4x8x128xf32, #tpu.memory_space<vmem>>
      %dma_wait3A_1416 = tpu.memref_squeeze %dma_wait3A_1415 : memref<1x1x4x8x128xf32, #tpu.memory_space<vmem>> -> memref<4x8x128xf32, #tpu.memory_space<vmem>>
      %dma_wait3A_1417 = arith.constant 0 : i32
      %dma_wait3A_1418 = arith.constant 0 : i32
      %dma_wait3A_1419 = arith.constant 0 : i32
      %dma_wait3A_1420 = tpu.memref_slice %arg5[%dma_wait3A_1417, %dma_wait3A_1418, %dma_wait3A_1419] : memref<4x8x1000000xf32, #tpu.memory_space<hbm>> -> memref<4x8x128xf32, #tpu.memory_space<hbm>>
      tpu.wait_dma2 semaphore(%arg15 : memref<!tpu.dma_semaphore, #tpu.memory_space<semaphore_mem>>) src(%dma_wait3A_1420 : memref<4x8x128xf32, #tpu.memory_space<hbm>>) dst(%dma_wait3A_1416 : memref<4x8x128xf32, #tpu.memory_space<vmem>>)
      %dma_wait3A_1421 = arith.constant 0 : i32
      %dma_wait3A_1422 = arith.constant 2 : i32
      %dma_wait3A_1423 = arith.constant 0 : i32
      %dma_wait3A_1424 = arith.constant 0 : i32
      %dma_wait3A_1425 = arith.constant 0 : i32
      %dma_wait3A_1426 = tpu.memref_slice %arg10[%dma_wait3A_1421, %dma_wait3A_1422, %dma_wait3A_1423, %dma_wait3A_1424, %dma_wait3A_1425] : memref<2x4x4x8x128xf32, #tpu.memory_space<vmem>> -> memref<1x1x4x8x128xf32, #tpu.memory_space<vmem>>
      %dma_wait3A_1427 = tpu.memref_squeeze %dma_wait3A_1426 : memref<1x1x4x8x128xf32, #tpu.memory_space<vmem>> -> memref<4x8x128xf32, #tpu.memory_space<vmem>>
      %dma_wait3A_1428 = arith.constant 0 : i32
      %dma_wait3A_1429 = arith.constant 0 : i32
      %dma_wait3A_1430 = arith.constant 0 : i32
      %dma_wait3A_1431 = tpu.memref_slice %arg4[%dma_wait3A_1428, %dma_wait3A_1429, %dma_wait3A_1430] : memref<4x8x1000000xf32, #tpu.memory_space<hbm>> -> memref<4x8x128xf32, #tpu.memory_space<hbm>>
      %dma_wait3A_1432 = arith.constant 0 : i32
      %dma_wait3A_1433 = arith.constant 0 : i32
      %dma_wait3A_1434 = arith.constant 0 : i32
      %dma_wait3A_1435 = tpu.memref_slice %arg10[%dma_wait3A_1421, %dma_wait3A_1422, %dma_wait3A_1432, %dma_wait3A_1433, %dma_wait3A_1434] : memref<2x4x4x8x128xf32, #tpu.memory_space<vmem>> -> memref<1x1x4x8x128xf32, #tpu.memory_space<vmem>>
      %dma_wait3A_1436 = tpu.memref_squeeze %dma_wait3A_1435 : memref<1x1x4x8x128xf32, #tpu.memory_space<vmem>> -> memref<4x8x128xf32, #tpu.memory_space<vmem>>
      %dma_wait3A_1437 = arith.constant 0 : i32
      %dma_wait3A_1438 = arith.constant 0 : i32
      %dma_wait3A_1439 = arith.constant 0 : i32
      %dma_wait3A_1440 = tpu.memref_slice %arg4[%dma_wait3A_1437, %dma_wait3A_1438, %dma_wait3A_1439] : memref<4x8x1000000xf32, #tpu.memory_space<hbm>> -> memref<4x8x128xf32, #tpu.memory_space<hbm>>
      tpu.wait_dma2 semaphore(%arg15 : memref<!tpu.dma_semaphore, #tpu.memory_space<semaphore_mem>>) src(%dma_wait3A_1440 : memref<4x8x128xf32, #tpu.memory_space<hbm>>) dst(%dma_wait3A_1436 : memref<4x8x128xf32, #tpu.memory_space<vmem>>)
      %dma_wait3A_1441 = arith.constant 0 : i32
      %dma_wait3A_1442 = arith.constant 2 : i32
      %dma_wait3A_1443 = arith.constant 0 : i32
      %dma_wait3A_1444 = arith.constant 0 : i32
      %dma_wait3A_1445 = arith.constant 0 : i32
      %dma_wait3A_1446 = tpu.memref_slice %arg11[%dma_wait3A_1441, %dma_wait3A_1442, %dma_wait3A_1443, %dma_wait3A_1444, %dma_wait3A_1445] : memref<2x4x4x8x128xf32, #tpu.memory_space<vmem>> -> memref<1x1x4x8x128xf32, #tpu.memory_space<vmem>>
      %dma_wait3A_1447 = tpu.memref_squeeze %dma_wait3A_1446 : memref<1x1x4x8x128xf32, #tpu.memory_space<vmem>> -> memref<4x8x128xf32, #tpu.memory_space<vmem>>
      %dma_wait3A_1448 = arith.constant 0 : i32
      %dma_wait3A_1449 = arith.constant 0 : i32
      %dma_wait3A_1450 = arith.constant 0 : i32
      %dma_wait3A_1451 = tpu.memref_slice %arg5[%dma_wait3A_1448, %dma_wait3A_1449, %dma_wait3A_1450] : memref<4x8x1000000xf32, #tpu.memory_space<hbm>> -> memref<4x8x128xf32, #tpu.memory_space<hbm>>
      %dma_wait3A_1452 = arith.constant 0 : i32
      %dma_wait3A_1453 = arith.constant 0 : i32
      %dma_wait3A_1454 = arith.constant 0 : i32
      %dma_wait3A_1455 = tpu.memref_slice %arg11[%dma_wait3A_1441, %dma_wait3A_1442, %dma_wait3A_1452, %dma_wait3A_1453, %dma_wait3A_1454] : memref<2x4x4x8x128xf32, #tpu.memory_space<vmem>> -> memref<1x1x4x8x128xf32, #tpu.memory_space<vmem>>
      %dma_wait3A_1456 = tpu.memref_squeeze %dma_wait3A_1455 : memref<1x1x4x8x128xf32, #tpu.memory_space<vmem>> -> memref<4x8x128xf32, #tpu.memory_space<vmem>>
      %dma_wait3A_1457 = arith.constant 0 : i32
      %dma_wait3A_1458 = arith.constant 0 : i32
      %dma_wait3A_1459 = arith.constant 0 : i32
      %dma_wait3A_1460 = tpu.memref_slice %arg5[%dma_wait3A_1457, %dma_wait3A_1458, %dma_wait3A_1459] : memref<4x8x1000000xf32, #tpu.memory_space<hbm>> -> memref<4x8x128xf32, #tpu.memory_space<hbm>>
      tpu.wait_dma2 semaphore(%arg15 : memref<!tpu.dma_semaphore, #tpu.memory_space<semaphore_mem>>) src(%dma_wait3A_1460 : memref<4x8x128xf32, #tpu.memory_space<hbm>>) dst(%dma_wait3A_1456 : memref<4x8x128xf32, #tpu.memory_space<vmem>>)
      %dma_wait3A_1461 = arith.constant 0 : i32
      %dma_wait3A_1462 = arith.constant 3 : i32
      %dma_wait3A_1463 = arith.constant 0 : i32
      %dma_wait3A_1464 = arith.constant 0 : i32
      %dma_wait3A_1465 = arith.constant 0 : i32
      %dma_wait3A_1466 = tpu.memref_slice %arg10[%dma_wait3A_1461, %dma_wait3A_1462, %dma_wait3A_1463, %dma_wait3A_1464, %dma_wait3A_1465] : memref<2x4x4x8x128xf32, #tpu.memory_space<vmem>> -> memref<1x1x4x8x128xf32, #tpu.memory_space<vmem>>
      %dma_wait3A_1467 = tpu.memref_squeeze %dma_wait3A_1466 : memref<1x1x4x8x128xf32, #tpu.memory_space<vmem>> -> memref<4x8x128xf32, #tpu.memory_space<vmem>>
      %dma_wait3A_1468 = arith.constant 0 : i32
      %dma_wait3A_1469 = arith.constant 0 : i32
      %dma_wait3A_1470 = arith.constant 0 : i32
      %dma_wait3A_1471 = tpu.memref_slice %arg4[%dma_wait3A_1468, %dma_wait3A_1469, %dma_wait3A_1470] : memref<4x8x1000000xf32, #tpu.memory_space<hbm>> -> memref<4x8x128xf32, #tpu.memory_space<hbm>>
      %dma_wait3A_1472 = arith.constant 0 : i32
      %dma_wait3A_1473 = arith.constant 0 : i32
      %dma_wait3A_1474 = arith.constant 0 : i32
      %dma_wait3A_1475 = tpu.memref_slice %arg10[%dma_wait3A_1461, %dma_wait3A_1462, %dma_wait3A_1472, %dma_wait3A_1473, %dma_wait3A_1474] : memref<2x4x4x8x128xf32, #tpu.memory_space<vmem>> -> memref<1x1x4x8x128xf32, #tpu.memory_space<vmem>>
      %dma_wait3A_1476 = tpu.memref_squeeze %dma_wait3A_1475 : memref<1x1x4x8x128xf32, #tpu.memory_space<vmem>> -> memref<4x8x128xf32, #tpu.memory_space<vmem>>
      %dma_wait3A_1477 = arith.constant 0 : i32
      %dma_wait3A_1478 = arith.constant 0 : i32
      %dma_wait3A_1479 = arith.constant 0 : i32
      %dma_wait3A_1480 = tpu.memref_slice %arg4[%dma_wait3A_1477, %dma_wait3A_1478, %dma_wait3A_1479] : memref<4x8x1000000xf32, #tpu.memory_space<hbm>> -> memref<4x8x128xf32, #tpu.memory_space<hbm>>
      tpu.wait_dma2 semaphore(%arg15 : memref<!tpu.dma_semaphore, #tpu.memory_space<semaphore_mem>>) src(%dma_wait3A_1480 : memref<4x8x128xf32, #tpu.memory_space<hbm>>) dst(%dma_wait3A_1476 : memref<4x8x128xf32, #tpu.memory_space<vmem>>)
      %dma_wait3A_1481 = arith.constant 0 : i32
      %dma_wait3A_1482 = arith.constant 3 : i32
      %dma_wait3A_1483 = arith.constant 0 : i32
      %dma_wait3A_1484 = arith.constant 0 : i32
      %dma_wait3A_1485 = arith.constant 0 : i32
      %dma_wait3A_1486 = tpu.memref_slice %arg11[%dma_wait3A_1481, %dma_wait3A_1482, %dma_wait3A_1483, %dma_wait3A_1484, %dma_wait3A_1485] : memref<2x4x4x8x128xf32, #tpu.memory_space<vmem>> -> memref<1x1x4x8x128xf32, #tpu.memory_space<vmem>>
      %dma_wait3A_1487 = tpu.memref_squeeze %dma_wait3A_1486 : memref<1x1x4x8x128xf32, #tpu.memory_space<vmem>> -> memref<4x8x128xf32, #tpu.memory_space<vmem>>
      %dma_wait3A_1488 = arith.constant 0 : i32
      %dma_wait3A_1489 = arith.constant 0 : i32
      %dma_wait3A_1490 = arith.constant 0 : i32
      %dma_wait3A_1491 = tpu.memref_slice %arg5[%dma_wait3A_1488, %dma_wait3A_1489, %dma_wait3A_1490] : memref<4x8x1000000xf32, #tpu.memory_space<hbm>> -> memref<4x8x128xf32, #tpu.memory_space<hbm>>
      %dma_wait3A_1492 = arith.constant 0 : i32
      %dma_wait3A_1493 = arith.constant 0 : i32
      %dma_wait3A_1494 = arith.constant 0 : i32
      %dma_wait3A_1495 = tpu.memref_slice %arg11[%dma_wait3A_1481, %dma_wait3A_1482, %dma_wait3A_1492, %dma_wait3A_1493, %dma_wait3A_1494] : memref<2x4x4x8x128xf32, #tpu.memory_space<vmem>> -> memref<1x1x4x8x128xf32, #tpu.memory_space<vmem>>
      %dma_wait3A_1496 = tpu.memref_squeeze %dma_wait3A_1495 : memref<1x1x4x8x128xf32, #tpu.memory_space<vmem>> -> memref<4x8x128xf32, #tpu.memory_space<vmem>>
      %dma_wait3A_1497 = arith.constant 0 : i32
      %dma_wait3A_1498 = arith.constant 0 : i32
      %dma_wait3A_1499 = arith.constant 0 : i32
      %dma_wait3A_1500 = tpu.memref_slice %arg5[%dma_wait3A_1497, %dma_wait3A_1498, %dma_wait3A_1499] : memref<4x8x1000000xf32, #tpu.memory_space<hbm>> -> memref<4x8x128xf32, #tpu.memory_space<hbm>>
      tpu.wait_dma2 semaphore(%arg15 : memref<!tpu.dma_semaphore, #tpu.memory_space<semaphore_mem>>) src(%dma_wait3A_1500 : memref<4x8x128xf32, #tpu.memory_space<hbm>>) dst(%dma_wait3A_1496 : memref<4x8x128xf32, #tpu.memory_space<vmem>>)
      %slice3A_1501 = vector.extract_strided_slice %get3A_376 {offsets = [12], sizes = [1], strides = [1]} : vector<16xi32> to vector<1xi32>
      %squeeze3A_1502 = vector.extract %slice3A_1501[0] : i32 from vector<1xi32>
      %slice3A_1503 = vector.extract_strided_slice %get3A_380 {offsets = [12], sizes = [1], strides = [1]} : vector<16xi32> to vector<1xi32>
      %squeeze3A_1504 = vector.extract %slice3A_1503[0] : i32 from vector<1xi32>
      %shift_right_arithmetic3A_1505 = arith.constant 7 : i32
      %shift_right_arithmetic3A_1506 = arith.shrsi %squeeze3A_1502, %shift_right_arithmetic3A_1505 : i32
      %mul3A_1507 = arith.constant 128 : i32
      %mul3A_1508 = arith.muli %shift_right_arithmetic3A_1506, %mul3A_1507 : i32
      %shift_right_arithmetic3A_1509 = arith.constant 7 : i32
      %shift_right_arithmetic3A_1510 = arith.shrsi %squeeze3A_1504, %shift_right_arithmetic3A_1509 : i32
      %mul3A_1511 = arith.constant 128 : i32
      %mul3A_1512 = arith.muli %shift_right_arithmetic3A_1510, %mul3A_1511 : i32
      %dma_start3A_1513 = arith.constant 1 : i32
      %dma_start3A_1514 = arith.constant 0 : i32
      %dma_start3A_1515 = arith.constant 0 : i32
      %dma_start3A_1516 = arith.constant 0 : i32
      %dma_start3A_1517 = arith.constant 0 : i32
      %dma_start3A_1518 = tpu.memref_slice %arg10[%dma_start3A_1513, %dma_start3A_1514, %dma_start3A_1515, %dma_start3A_1516, %dma_start3A_1517] : memref<2x4x4x8x128xf32, #tpu.memory_space<vmem>> -> memref<1x1x4x8x128xf32, #tpu.memory_space<vmem>>
      %dma_start3A_1519 = tpu.memref_squeeze %dma_start3A_1518 : memref<1x1x4x8x128xf32, #tpu.memory_space<vmem>> -> memref<4x8x128xf32, #tpu.memory_space<vmem>>
      %dma_start3A_1520 = arith.constant 0 : i32
      %dma_start3A_1521 = arith.constant 0 : i32
      %dma_start3A_1522 = tpu.memref_slice %arg4[%dma_start3A_1520, %dma_start3A_1521, %mul3A_1508] : memref<4x8x1000000xf32, #tpu.memory_space<hbm>> -> memref<4x8x128xf32, #tpu.memory_space<hbm>>
      %dma_start3A_1523 = arith.constant 0 : i32
      %dma_start3A_1524 = arith.constant 0 : i32
      %dma_start3A_1525 = arith.constant 0 : i32
      %dma_start3A_1526 = tpu.memref_slice %arg10[%dma_start3A_1513, %dma_start3A_1514, %dma_start3A_1523, %dma_start3A_1524, %dma_start3A_1525] : memref<2x4x4x8x128xf32, #tpu.memory_space<vmem>> -> memref<1x1x4x8x128xf32, #tpu.memory_space<vmem>>
      %dma_start3A_1527 = tpu.memref_squeeze %dma_start3A_1526 : memref<1x1x4x8x128xf32, #tpu.memory_space<vmem>> -> memref<4x8x128xf32, #tpu.memory_space<vmem>>
      %dma_start3A_1528 = arith.constant 0 : i32
      %dma_start3A_1529 = arith.constant 0 : i32
      %dma_start3A_1530 = tpu.memref_slice %arg4[%dma_start3A_1528, %dma_start3A_1529, %mul3A_1508] : memref<4x8x1000000xf32, #tpu.memory_space<hbm>> -> memref<4x8x128xf32, #tpu.memory_space<hbm>>
      tpu.enqueue_dma source(%dma_start3A_1530 : memref<4x8x128xf32, #tpu.memory_space<hbm>>) target(%dma_start3A_1527 : memref<4x8x128xf32, #tpu.memory_space<vmem>>) target_semaphore(%arg16 : memref<!tpu.dma_semaphore, #tpu.memory_space<semaphore_mem>>)
      %dma_start3A_1531 = arith.constant 1 : i32
      %dma_start3A_1532 = arith.constant 0 : i32
      %dma_start3A_1533 = arith.constant 0 : i32
      %dma_start3A_1534 = arith.constant 0 : i32
      %dma_start3A_1535 = arith.constant 0 : i32
      %dma_start3A_1536 = tpu.memref_slice %arg11[%dma_start3A_1531, %dma_start3A_1532, %dma_start3A_1533, %dma_start3A_1534, %dma_start3A_1535] : memref<2x4x4x8x128xf32, #tpu.memory_space<vmem>> -> memref<1x1x4x8x128xf32, #tpu.memory_space<vmem>>
      %dma_start3A_1537 = tpu.memref_squeeze %dma_start3A_1536 : memref<1x1x4x8x128xf32, #tpu.memory_space<vmem>> -> memref<4x8x128xf32, #tpu.memory_space<vmem>>
      %dma_start3A_1538 = arith.constant 0 : i32
      %dma_start3A_1539 = arith.constant 0 : i32
      %dma_start3A_1540 = tpu.memref_slice %arg5[%dma_start3A_1538, %dma_start3A_1539, %mul3A_1512] : memref<4x8x1000000xf32, #tpu.memory_space<hbm>> -> memref<4x8x128xf32, #tpu.memory_space<hbm>>
      %dma_start3A_1541 = arith.constant 0 : i32
      %dma_start3A_1542 = arith.constant 0 : i32
      %dma_start3A_1543 = arith.constant 0 : i32
      %dma_start3A_1544 = tpu.memref_slice %arg11[%dma_start3A_1531, %dma_start3A_1532, %dma_start3A_1541, %dma_start3A_1542, %dma_start3A_1543] : memref<2x4x4x8x128xf32, #tpu.memory_space<vmem>> -> memref<1x1x4x8x128xf32, #tpu.memory_space<vmem>>
      %dma_start3A_1545 = tpu.memref_squeeze %dma_start3A_1544 : memref<1x1x4x8x128xf32, #tpu.memory_space<vmem>> -> memref<4x8x128xf32, #tpu.memory_space<vmem>>
      %dma_start3A_1546 = arith.constant 0 : i32
      %dma_start3A_1547 = arith.constant 0 : i32
      %dma_start3A_1548 = tpu.memref_slice %arg5[%dma_start3A_1546, %dma_start3A_1547, %mul3A_1512] : memref<4x8x1000000xf32, #tpu.memory_space<hbm>> -> memref<4x8x128xf32, #tpu.memory_space<hbm>>
      tpu.enqueue_dma source(%dma_start3A_1548 : memref<4x8x128xf32, #tpu.memory_space<hbm>>) target(%dma_start3A_1545 : memref<4x8x128xf32, #tpu.memory_space<vmem>>) target_semaphore(%arg16 : memref<!tpu.dma_semaphore, #tpu.memory_space<semaphore_mem>>)
      %slice3A_1549 = vector.extract_strided_slice %get3A_376 {offsets = [13], sizes = [1], strides = [1]} : vector<16xi32> to vector<1xi32>
      %squeeze3A_1550 = vector.extract %slice3A_1549[0] : i32 from vector<1xi32>
      %slice3A_1551 = vector.extract_strided_slice %get3A_380 {offsets = [13], sizes = [1], strides = [1]} : vector<16xi32> to vector<1xi32>
      %squeeze3A_1552 = vector.extract %slice3A_1551[0] : i32 from vector<1xi32>
      %shift_right_arithmetic3A_1553 = arith.constant 7 : i32
      %shift_right_arithmetic3A_1554 = arith.shrsi %squeeze3A_1550, %shift_right_arithmetic3A_1553 : i32
      %mul3A_1555 = arith.constant 128 : i32
      %mul3A_1556 = arith.muli %shift_right_arithmetic3A_1554, %mul3A_1555 : i32
      %shift_right_arithmetic3A_1557 = arith.constant 7 : i32
      %shift_right_arithmetic3A_1558 = arith.shrsi %squeeze3A_1552, %shift_right_arithmetic3A_1557 : i32
      %mul3A_1559 = arith.constant 128 : i32
      %mul3A_1560 = arith.muli %shift_right_arithmetic3A_1558, %mul3A_1559 : i32
      %dma_start3A_1561 = arith.constant 1 : i32
      %dma_start3A_1562 = arith.constant 1 : i32
      %dma_start3A_1563 = arith.constant 0 : i32
      %dma_start3A_1564 = arith.constant 0 : i32
      %dma_start3A_1565 = arith.constant 0 : i32
      %dma_start3A_1566 = tpu.memref_slice %arg10[%dma_start3A_1561, %dma_start3A_1562, %dma_start3A_1563, %dma_start3A_1564, %dma_start3A_1565] : memref<2x4x4x8x128xf32, #tpu.memory_space<vmem>> -> memref<1x1x4x8x128xf32, #tpu.memory_space<vmem>>
      %dma_start3A_1567 = tpu.memref_squeeze %dma_start3A_1566 : memref<1x1x4x8x128xf32, #tpu.memory_space<vmem>> -> memref<4x8x128xf32, #tpu.memory_space<vmem>>
      %dma_start3A_1568 = arith.constant 0 : i32
      %dma_start3A_1569 = arith.constant 0 : i32
      %dma_start3A_1570 = tpu.memref_slice %arg4[%dma_start3A_1568, %dma_start3A_1569, %mul3A_1556] : memref<4x8x1000000xf32, #tpu.memory_space<hbm>> -> memref<4x8x128xf32, #tpu.memory_space<hbm>>
      %dma_start3A_1571 = arith.constant 0 : i32
      %dma_start3A_1572 = arith.constant 0 : i32
      %dma_start3A_1573 = arith.constant 0 : i32
      %dma_start3A_1574 = tpu.memref_slice %arg10[%dma_start3A_1561, %dma_start3A_1562, %dma_start3A_1571, %dma_start3A_1572, %dma_start3A_1573] : memref<2x4x4x8x128xf32, #tpu.memory_space<vmem>> -> memref<1x1x4x8x128xf32, #tpu.memory_space<vmem>>
      %dma_start3A_1575 = tpu.memref_squeeze %dma_start3A_1574 : memref<1x1x4x8x128xf32, #tpu.memory_space<vmem>> -> memref<4x8x128xf32, #tpu.memory_space<vmem>>
      %dma_start3A_1576 = arith.constant 0 : i32
      %dma_start3A_1577 = arith.constant 0 : i32
      %dma_start3A_1578 = tpu.memref_slice %arg4[%dma_start3A_1576, %dma_start3A_1577, %mul3A_1556] : memref<4x8x1000000xf32, #tpu.memory_space<hbm>> -> memref<4x8x128xf32, #tpu.memory_space<hbm>>
      tpu.enqueue_dma source(%dma_start3A_1578 : memref<4x8x128xf32, #tpu.memory_space<hbm>>) target(%dma_start3A_1575 : memref<4x8x128xf32, #tpu.memory_space<vmem>>) target_semaphore(%arg16 : memref<!tpu.dma_semaphore, #tpu.memory_space<semaphore_mem>>)
      %dma_start3A_1579 = arith.constant 1 : i32
      %dma_start3A_1580 = arith.constant 1 : i32
      %dma_start3A_1581 = arith.constant 0 : i32
      %dma_start3A_1582 = arith.constant 0 : i32
      %dma_start3A_1583 = arith.constant 0 : i32
      %dma_start3A_1584 = tpu.memref_slice %arg11[%dma_start3A_1579, %dma_start3A_1580, %dma_start3A_1581, %dma_start3A_1582, %dma_start3A_1583] : memref<2x4x4x8x128xf32, #tpu.memory_space<vmem>> -> memref<1x1x4x8x128xf32, #tpu.memory_space<vmem>>
      %dma_start3A_1585 = tpu.memref_squeeze %dma_start3A_1584 : memref<1x1x4x8x128xf32, #tpu.memory_space<vmem>> -> memref<4x8x128xf32, #tpu.memory_space<vmem>>
      %dma_start3A_1586 = arith.constant 0 : i32
      %dma_start3A_1587 = arith.constant 0 : i32
      %dma_start3A_1588 = tpu.memref_slice %arg5[%dma_start3A_1586, %dma_start3A_1587, %mul3A_1560] : memref<4x8x1000000xf32, #tpu.memory_space<hbm>> -> memref<4x8x128xf32, #tpu.memory_space<hbm>>
      %dma_start3A_1589 = arith.constant 0 : i32
      %dma_start3A_1590 = arith.constant 0 : i32
      %dma_start3A_1591 = arith.constant 0 : i32
      %dma_start3A_1592 = tpu.memref_slice %arg11[%dma_start3A_1579, %dma_start3A_1580, %dma_start3A_1589, %dma_start3A_1590, %dma_start3A_1591] : memref<2x4x4x8x128xf32, #tpu.memory_space<vmem>> -> memref<1x1x4x8x128xf32, #tpu.memory_space<vmem>>
      %dma_start3A_1593 = tpu.memref_squeeze %dma_start3A_1592 : memref<1x1x4x8x128xf32, #tpu.memory_space<vmem>> -> memref<4x8x128xf32, #tpu.memory_space<vmem>>
      %dma_start3A_1594 = arith.constant 0 : i32
      %dma_start3A_1595 = arith.constant 0 : i32
      %dma_start3A_1596 = tpu.memref_slice %arg5[%dma_start3A_1594, %dma_start3A_1595, %mul3A_1560] : memref<4x8x1000000xf32, #tpu.memory_space<hbm>> -> memref<4x8x128xf32, #tpu.memory_space<hbm>>
      tpu.enqueue_dma source(%dma_start3A_1596 : memref<4x8x128xf32, #tpu.memory_space<hbm>>) target(%dma_start3A_1593 : memref<4x8x128xf32, #tpu.memory_space<vmem>>) target_semaphore(%arg16 : memref<!tpu.dma_semaphore, #tpu.memory_space<semaphore_mem>>)
      %slice3A_1597 = vector.extract_strided_slice %get3A_376 {offsets = [14], sizes = [1], strides = [1]} : vector<16xi32> to vector<1xi32>
      %squeeze3A_1598 = vector.extract %slice3A_1597[0] : i32 from vector<1xi32>
      %slice3A_1599 = vector.extract_strided_slice %get3A_380 {offsets = [14], sizes = [1], strides = [1]} : vector<16xi32> to vector<1xi32>
      %squeeze3A_1600 = vector.extract %slice3A_1599[0] : i32 from vector<1xi32>
      %shift_right_arithmetic3A_1601 = arith.constant 7 : i32
      %shift_right_arithmetic3A_1602 = arith.shrsi %squeeze3A_1598, %shift_right_arithmetic3A_1601 : i32
      %mul3A_1603 = arith.constant 128 : i32
      %mul3A_1604 = arith.muli %shift_right_arithmetic3A_1602, %mul3A_1603 : i32
      %shift_right_arithmetic3A_1605 = arith.constant 7 : i32
      %shift_right_arithmetic3A_1606 = arith.shrsi %squeeze3A_1600, %shift_right_arithmetic3A_1605 : i32
      %mul3A_1607 = arith.constant 128 : i32
      %mul3A_1608 = arith.muli %shift_right_arithmetic3A_1606, %mul3A_1607 : i32
      %dma_start3A_1609 = arith.constant 1 : i32
      %dma_start3A_1610 = arith.constant 2 : i32
      %dma_start3A_1611 = arith.constant 0 : i32
      %dma_start3A_1612 = arith.constant 0 : i32
      %dma_start3A_1613 = arith.constant 0 : i32
      %dma_start3A_1614 = tpu.memref_slice %arg10[%dma_start3A_1609, %dma_start3A_1610, %dma_start3A_1611, %dma_start3A_1612, %dma_start3A_1613] : memref<2x4x4x8x128xf32, #tpu.memory_space<vmem>> -> memref<1x1x4x8x128xf32, #tpu.memory_space<vmem>>
      %dma_start3A_1615 = tpu.memref_squeeze %dma_start3A_1614 : memref<1x1x4x8x128xf32, #tpu.memory_space<vmem>> -> memref<4x8x128xf32, #tpu.memory_space<vmem>>
      %dma_start3A_1616 = arith.constant 0 : i32
      %dma_start3A_1617 = arith.constant 0 : i32
      %dma_start3A_1618 = tpu.memref_slice %arg4[%dma_start3A_1616, %dma_start3A_1617, %mul3A_1604] : memref<4x8x1000000xf32, #tpu.memory_space<hbm>> -> memref<4x8x128xf32, #tpu.memory_space<hbm>>
      %dma_start3A_1619 = arith.constant 0 : i32
      %dma_start3A_1620 = arith.constant 0 : i32
      %dma_start3A_1621 = arith.constant 0 : i32
      %dma_start3A_1622 = tpu.memref_slice %arg10[%dma_start3A_1609, %dma_start3A_1610, %dma_start3A_1619, %dma_start3A_1620, %dma_start3A_1621] : memref<2x4x4x8x128xf32, #tpu.memory_space<vmem>> -> memref<1x1x4x8x128xf32, #tpu.memory_space<vmem>>
      %dma_start3A_1623 = tpu.memref_squeeze %dma_start3A_1622 : memref<1x1x4x8x128xf32, #tpu.memory_space<vmem>> -> memref<4x8x128xf32, #tpu.memory_space<vmem>>
      %dma_start3A_1624 = arith.constant 0 : i32
      %dma_start3A_1625 = arith.constant 0 : i32
      %dma_start3A_1626 = tpu.memref_slice %arg4[%dma_start3A_1624, %dma_start3A_1625, %mul3A_1604] : memref<4x8x1000000xf32, #tpu.memory_space<hbm>> -> memref<4x8x128xf32, #tpu.memory_space<hbm>>
      tpu.enqueue_dma source(%dma_start3A_1626 : memref<4x8x128xf32, #tpu.memory_space<hbm>>) target(%dma_start3A_1623 : memref<4x8x128xf32, #tpu.memory_space<vmem>>) target_semaphore(%arg16 : memref<!tpu.dma_semaphore, #tpu.memory_space<semaphore_mem>>)
      %dma_start3A_1627 = arith.constant 1 : i32
      %dma_start3A_1628 = arith.constant 2 : i32
      %dma_start3A_1629 = arith.constant 0 : i32
      %dma_start3A_1630 = arith.constant 0 : i32
      %dma_start3A_1631 = arith.constant 0 : i32
      %dma_start3A_1632 = tpu.memref_slice %arg11[%dma_start3A_1627, %dma_start3A_1628, %dma_start3A_1629, %dma_start3A_1630, %dma_start3A_1631] : memref<2x4x4x8x128xf32, #tpu.memory_space<vmem>> -> memref<1x1x4x8x128xf32, #tpu.memory_space<vmem>>
      %dma_start3A_1633 = tpu.memref_squeeze %dma_start3A_1632 : memref<1x1x4x8x128xf32, #tpu.memory_space<vmem>> -> memref<4x8x128xf32, #tpu.memory_space<vmem>>
      %dma_start3A_1634 = arith.constant 0 : i32
      %dma_start3A_1635 = arith.constant 0 : i32
      %dma_start3A_1636 = tpu.memref_slice %arg5[%dma_start3A_1634, %dma_start3A_1635, %mul3A_1608] : memref<4x8x1000000xf32, #tpu.memory_space<hbm>> -> memref<4x8x128xf32, #tpu.memory_space<hbm>>
      %dma_start3A_1637 = arith.constant 0 : i32
      %dma_start3A_1638 = arith.constant 0 : i32
      %dma_start3A_1639 = arith.constant 0 : i32
      %dma_start3A_1640 = tpu.memref_slice %arg11[%dma_start3A_1627, %dma_start3A_1628, %dma_start3A_1637, %dma_start3A_1638, %dma_start3A_1639] : memref<2x4x4x8x128xf32, #tpu.memory_space<vmem>> -> memref<1x1x4x8x128xf32, #tpu.memory_space<vmem>>
      %dma_start3A_1641 = tpu.memref_squeeze %dma_start3A_1640 : memref<1x1x4x8x128xf32, #tpu.memory_space<vmem>> -> memref<4x8x128xf32, #tpu.memory_space<vmem>>
      %dma_start3A_1642 = arith.constant 0 : i32
      %dma_start3A_1643 = arith.constant 0 : i32
      %dma_start3A_1644 = tpu.memref_slice %arg5[%dma_start3A_1642, %dma_start3A_1643, %mul3A_1608] : memref<4x8x1000000xf32, #tpu.memory_space<hbm>> -> memref<4x8x128xf32, #tpu.memory_space<hbm>>
      tpu.enqueue_dma source(%dma_start3A_1644 : memref<4x8x128xf32, #tpu.memory_space<hbm>>) target(%dma_start3A_1641 : memref<4x8x128xf32, #tpu.memory_space<vmem>>) target_semaphore(%arg16 : memref<!tpu.dma_semaphore, #tpu.memory_space<semaphore_mem>>)
      %slice3A_1645 = vector.extract_strided_slice %get3A_376 {offsets = [15], sizes = [1], strides = [1]} : vector<16xi32> to vector<1xi32>
      %squeeze3A_1646 = vector.extract %slice3A_1645[0] : i32 from vector<1xi32>
      %slice3A_1647 = vector.extract_strided_slice %get3A_380 {offsets = [15], sizes = [1], strides = [1]} : vector<16xi32> to vector<1xi32>
      %squeeze3A_1648 = vector.extract %slice3A_1647[0] : i32 from vector<1xi32>
      %shift_right_arithmetic3A_1649 = arith.constant 7 : i32
      %shift_right_arithmetic3A_1650 = arith.shrsi %squeeze3A_1646, %shift_right_arithmetic3A_1649 : i32
      %mul3A_1651 = arith.constant 128 : i32
      %mul3A_1652 = arith.muli %shift_right_arithmetic3A_1650, %mul3A_1651 : i32
      %shift_right_arithmetic3A_1653 = arith.constant 7 : i32
      %shift_right_arithmetic3A_1654 = arith.shrsi %squeeze3A_1648, %shift_right_arithmetic3A_1653 : i32
      %mul3A_1655 = arith.constant 128 : i32
      %mul3A_1656 = arith.muli %shift_right_arithmetic3A_1654, %mul3A_1655 : i32
      %dma_start3A_1657 = arith.constant 1 : i32
      %dma_start3A_1658 = arith.constant 3 : i32
      %dma_start3A_1659 = arith.constant 0 : i32
      %dma_start3A_1660 = arith.constant 0 : i32
      %dma_start3A_1661 = arith.constant 0 : i32
      %dma_start3A_1662 = tpu.memref_slice %arg10[%dma_start3A_1657, %dma_start3A_1658, %dma_start3A_1659, %dma_start3A_1660, %dma_start3A_1661] : memref<2x4x4x8x128xf32, #tpu.memory_space<vmem>> -> memref<1x1x4x8x128xf32, #tpu.memory_space<vmem>>
      %dma_start3A_1663 = tpu.memref_squeeze %dma_start3A_1662 : memref<1x1x4x8x128xf32, #tpu.memory_space<vmem>> -> memref<4x8x128xf32, #tpu.memory_space<vmem>>
      %dma_start3A_1664 = arith.constant 0 : i32
      %dma_start3A_1665 = arith.constant 0 : i32
      %dma_start3A_1666 = tpu.memref_slice %arg4[%dma_start3A_1664, %dma_start3A_1665, %mul3A_1652] : memref<4x8x1000000xf32, #tpu.memory_space<hbm>> -> memref<4x8x128xf32, #tpu.memory_space<hbm>>
      %dma_start3A_1667 = arith.constant 0 : i32
      %dma_start3A_1668 = arith.constant 0 : i32
      %dma_start3A_1669 = arith.constant 0 : i32
      %dma_start3A_1670 = tpu.memref_slice %arg10[%dma_start3A_1657, %dma_start3A_1658, %dma_start3A_1667, %dma_start3A_1668, %dma_start3A_1669] : memref<2x4x4x8x128xf32, #tpu.memory_space<vmem>> -> memref<1x1x4x8x128xf32, #tpu.memory_space<vmem>>
      %dma_start3A_1671 = tpu.memref_squeeze %dma_start3A_1670 : memref<1x1x4x8x128xf32, #tpu.memory_space<vmem>> -> memref<4x8x128xf32, #tpu.memory_space<vmem>>
      %dma_start3A_1672 = arith.constant 0 : i32
      %dma_start3A_1673 = arith.constant 0 : i32
      %dma_start3A_1674 = tpu.memref_slice %arg4[%dma_start3A_1672, %dma_start3A_1673, %mul3A_1652] : memref<4x8x1000000xf32, #tpu.memory_space<hbm>> -> memref<4x8x128xf32, #tpu.memory_space<hbm>>
      tpu.enqueue_dma source(%dma_start3A_1674 : memref<4x8x128xf32, #tpu.memory_space<hbm>>) target(%dma_start3A_1671 : memref<4x8x128xf32, #tpu.memory_space<vmem>>) target_semaphore(%arg16 : memref<!tpu.dma_semaphore, #tpu.memory_space<semaphore_mem>>)
      %dma_start3A_1675 = arith.constant 1 : i32
      %dma_start3A_1676 = arith.constant 3 : i32
      %dma_start3A_1677 = arith.constant 0 : i32
      %dma_start3A_1678 = arith.constant 0 : i32
      %dma_start3A_1679 = arith.constant 0 : i32
      %dma_start3A_1680 = tpu.memref_slice %arg11[%dma_start3A_1675, %dma_start3A_1676, %dma_start3A_1677, %dma_start3A_1678, %dma_start3A_1679] : memref<2x4x4x8x128xf32, #tpu.memory_space<vmem>> -> memref<1x1x4x8x128xf32, #tpu.memory_space<vmem>>
      %dma_start3A_1681 = tpu.memref_squeeze %dma_start3A_1680 : memref<1x1x4x8x128xf32, #tpu.memory_space<vmem>> -> memref<4x8x128xf32, #tpu.memory_space<vmem>>
      %dma_start3A_1682 = arith.constant 0 : i32
      %dma_start3A_1683 = arith.constant 0 : i32
      %dma_start3A_1684 = tpu.memref_slice %arg5[%dma_start3A_1682, %dma_start3A_1683, %mul3A_1656] : memref<4x8x1000000xf32, #tpu.memory_space<hbm>> -> memref<4x8x128xf32, #tpu.memory_space<hbm>>
      %dma_start3A_1685 = arith.constant 0 : i32
      %dma_start3A_1686 = arith.constant 0 : i32
      %dma_start3A_1687 = arith.constant 0 : i32
      %dma_start3A_1688 = tpu.memref_slice %arg11[%dma_start3A_1675, %dma_start3A_1676, %dma_start3A_1685, %dma_start3A_1686, %dma_start3A_1687] : memref<2x4x4x8x128xf32, #tpu.memory_space<vmem>> -> memref<1x1x4x8x128xf32, #tpu.memory_space<vmem>>
      %dma_start3A_1689 = tpu.memref_squeeze %dma_start3A_1688 : memref<1x1x4x8x128xf32, #tpu.memory_space<vmem>> -> memref<4x8x128xf32, #tpu.memory_space<vmem>>
      %dma_start3A_1690 = arith.constant 0 : i32
      %dma_start3A_1691 = arith.constant 0 : i32
      %dma_start3A_1692 = tpu.memref_slice %arg5[%dma_start3A_1690, %dma_start3A_1691, %mul3A_1656] : memref<4x8x1000000xf32, #tpu.memory_space<hbm>> -> memref<4x8x128xf32, #tpu.memory_space<hbm>>
      tpu.enqueue_dma source(%dma_start3A_1692 : memref<4x8x128xf32, #tpu.memory_space<hbm>>) target(%dma_start3A_1689 : memref<4x8x128xf32, #tpu.memory_space<vmem>>) target_semaphore(%arg16 : memref<!tpu.dma_semaphore, #tpu.memory_space<semaphore_mem>>)
      %slice3A_1693 = vector.extract_strided_slice %get3A_376 {offsets = [8], sizes = [1], strides = [1]} : vector<16xi32> to vector<1xi32>
      %squeeze3A_1694 = vector.extract %slice3A_1693[0] : i32 from vector<1xi32>
      %slice3A_1695 = vector.extract_strided_slice %get3A_380 {offsets = [8], sizes = [1], strides = [1]} : vector<16xi32> to vector<1xi32>
      %squeeze3A_1696 = vector.extract %slice3A_1695[0] : i32 from vector<1xi32>
      %and3A_1697 = arith.constant 127 : i32
      %and3A_1698 = arith.andi %squeeze3A_1694, %and3A_1697 : i32
      %broadcast_in_dim3A_1699 = vector.broadcast %and3A_1698 : i32 to vector<16xi32>
      %and3A_1700 = arith.constant 127 : i32
      %and3A_1701 = arith.andi %squeeze3A_1696, %and3A_1700 : i32
      %broadcast_in_dim3A_1702 = vector.broadcast %and3A_1701 : i32 to vector<16xi32>
      %broadcast_in_dim3A_1703 = arith.constant 0 : i32
      %broadcast_in_dim3A_1704 = vector.broadcast %broadcast_in_dim3A_1703 : i32 to vector<16xi32>
      %broadcast_in_dim3A_1705 = arith.constant 0 : i32
      %broadcast_in_dim3A_1706 = vector.broadcast %broadcast_in_dim3A_1705 : i32 to vector<16xi32>
      %gather3A_1707 = tpu.vector_load_idx %arg10[%broadcast_in_dim3A_1704, %broadcast_in_dim3A_1706, %shift_right_arithmetic3A_9, %and3A_14, %broadcast_in_dim3A_1699] : memref<2x4x4x8x128xf32, #tpu.memory_space<vmem>>[vector<16xi32>, vector<16xi32>, vector<16xi32>, vector<16xi32>, vector<16xi32>], vector<16xf32>,
      %gather3A_1708 = tpu.vector_load_idx %arg10[%broadcast_in_dim3A_1704, %broadcast_in_dim3A_1706, %add3A_12, %and3A_14, %broadcast_in_dim3A_1699] : memref<2x4x4x8x128xf32, #tpu.memory_space<vmem>>[vector<16xi32>, vector<16xi32>, vector<16xi32>, vector<16xi32>, vector<16xi32>], vector<16xf32>,
      %gather3A_1709 = tpu.vector_load_idx %arg11[%broadcast_in_dim3A_1704, %broadcast_in_dim3A_1706, %shift_right_arithmetic3A_9, %and3A_14, %broadcast_in_dim3A_1702] : memref<2x4x4x8x128xf32, #tpu.memory_space<vmem>>[vector<16xi32>, vector<16xi32>, vector<16xi32>, vector<16xi32>, vector<16xi32>], vector<16xf32>,
      %gather3A_1710 = tpu.vector_load_idx %arg11[%broadcast_in_dim3A_1704, %broadcast_in_dim3A_1706, %add3A_12, %and3A_14, %broadcast_in_dim3A_1702] : memref<2x4x4x8x128xf32, #tpu.memory_space<vmem>>[vector<16xi32>, vector<16xi32>, vector<16xi32>, vector<16xi32>, vector<16xi32>], vector<16xf32>,
      %mul3A_1711 = arith.mulf %gather3A_1707, %gather3A_1709 : vector<16xf32>
      %mul3A_1712 = arith.mulf %mul3A_1711, %get3A_3 : vector<16xf32>
      %mul3A_1713 = arith.mulf %gather3A_1708, %gather3A_1710 : vector<16xf32>
      %mul3A_1714 = arith.mulf %mul3A_1713, %get3A_5 : vector<16xf32>
      %add3A_1715 = arith.addf %mul3A_1712, %mul3A_1714 : vector<16xf32>
      %swap3A_1716 = arith.constant 128 : index
      %swap3A_1717 = tpu.vector_load %arg12[%swap3A_1716] {strides = array<i32>} : memref<256xf32, #tpu.memory_space<vmem>>, vector<16xf32>,
      tpu.vector_store %arg12[%swap3A_1716], %add3A_1715 {strides = array<i32>} : memref<256xf32, #tpu.memory_space<vmem>>, vector<16xf32>,
      %slice3A_1718 = vector.extract_strided_slice %get3A_376 {offsets = [9], sizes = [1], strides = [1]} : vector<16xi32> to vector<1xi32>
      %squeeze3A_1719 = vector.extract %slice3A_1718[0] : i32 from vector<1xi32>
      %slice3A_1720 = vector.extract_strided_slice %get3A_380 {offsets = [9], sizes = [1], strides = [1]} : vector<16xi32> to vector<1xi32>
      %squeeze3A_1721 = vector.extract %slice3A_1720[0] : i32 from vector<1xi32>
      %and3A_1722 = arith.constant 127 : i32
      %and3A_1723 = arith.andi %squeeze3A_1719, %and3A_1722 : i32
      %broadcast_in_dim3A_1724 = vector.broadcast %and3A_1723 : i32 to vector<16xi32>
      %and3A_1725 = arith.constant 127 : i32
      %and3A_1726 = arith.andi %squeeze3A_1721, %and3A_1725 : i32
      %broadcast_in_dim3A_1727 = vector.broadcast %and3A_1726 : i32 to vector<16xi32>
      %broadcast_in_dim3A_1728 = arith.constant 0 : i32
      %broadcast_in_dim3A_1729 = vector.broadcast %broadcast_in_dim3A_1728 : i32 to vector<16xi32>
      %broadcast_in_dim3A_1730 = arith.constant 1 : i32
      %broadcast_in_dim3A_1731 = vector.broadcast %broadcast_in_dim3A_1730 : i32 to vector<16xi32>
      %gather3A_1732 = tpu.vector_load_idx %arg10[%broadcast_in_dim3A_1729, %broadcast_in_dim3A_1731, %shift_right_arithmetic3A_9, %and3A_14, %broadcast_in_dim3A_1724] : memref<2x4x4x8x128xf32, #tpu.memory_space<vmem>>[vector<16xi32>, vector<16xi32>, vector<16xi32>, vector<16xi32>, vector<16xi32>], vector<16xf32>,
      %gather3A_1733 = tpu.vector_load_idx %arg10[%broadcast_in_dim3A_1729, %broadcast_in_dim3A_1731, %add3A_12, %and3A_14, %broadcast_in_dim3A_1724] : memref<2x4x4x8x128xf32, #tpu.memory_space<vmem>>[vector<16xi32>, vector<16xi32>, vector<16xi32>, vector<16xi32>, vector<16xi32>], vector<16xf32>,
      %gather3A_1734 = tpu.vector_load_idx %arg11[%broadcast_in_dim3A_1729, %broadcast_in_dim3A_1731, %shift_right_arithmetic3A_9, %and3A_14, %broadcast_in_dim3A_1727] : memref<2x4x4x8x128xf32, #tpu.memory_space<vmem>>[vector<16xi32>, vector<16xi32>, vector<16xi32>, vector<16xi32>, vector<16xi32>], vector<16xf32>,
      %gather3A_1735 = tpu.vector_load_idx %arg11[%broadcast_in_dim3A_1729, %broadcast_in_dim3A_1731, %add3A_12, %and3A_14, %broadcast_in_dim3A_1727] : memref<2x4x4x8x128xf32, #tpu.memory_space<vmem>>[vector<16xi32>, vector<16xi32>, vector<16xi32>, vector<16xi32>, vector<16xi32>], vector<16xf32>,
      %mul3A_1736 = arith.mulf %gather3A_1732, %gather3A_1734 : vector<16xf32>
      %mul3A_1737 = arith.mulf %mul3A_1736, %get3A_3 : vector<16xf32>
      %mul3A_1738 = arith.mulf %gather3A_1733, %gather3A_1735 : vector<16xf32>
      %mul3A_1739 = arith.mulf %mul3A_1738, %get3A_5 : vector<16xf32>
      %add3A_1740 = arith.addf %mul3A_1737, %mul3A_1739 : vector<16xf32>
      %swap3A_1741 = arith.constant 144 : index
      %swap3A_1742 = tpu.vector_load %arg12[%swap3A_1741] {strides = array<i32>} : memref<256xf32, #tpu.memory_space<vmem>>, vector<16xf32>,
      tpu.vector_store %arg12[%swap3A_1741], %add3A_1740 {strides = array<i32>} : memref<256xf32, #tpu.memory_space<vmem>>, vector<16xf32>,
      %slice3A_1743 = vector.extract_strided_slice %get3A_376 {offsets = [10], sizes = [1], strides = [1]} : vector<16xi32> to vector<1xi32>
      %squeeze3A_1744 = vector.extract %slice3A_1743[0] : i32 from vector<1xi32>
      %slice3A_1745 = vector.extract_strided_slice %get3A_380 {offsets = [10], sizes = [1], strides = [1]} : vector<16xi32> to vector<1xi32>
      %squeeze3A_1746 = vector.extract %slice3A_1745[0] : i32 from vector<1xi32>
      %and3A_1747 = arith.constant 127 : i32
      %and3A_1748 = arith.andi %squeeze3A_1744, %and3A_1747 : i32
      %broadcast_in_dim3A_1749 = vector.broadcast %and3A_1748 : i32 to vector<16xi32>
      %and3A_1750 = arith.constant 127 : i32
      %and3A_1751 = arith.andi %squeeze3A_1746, %and3A_1750 : i32
      %broadcast_in_dim3A_1752 = vector.broadcast %and3A_1751 : i32 to vector<16xi32>
      %broadcast_in_dim3A_1753 = arith.constant 0 : i32
      %broadcast_in_dim3A_1754 = vector.broadcast %broadcast_in_dim3A_1753 : i32 to vector<16xi32>
      %broadcast_in_dim3A_1755 = arith.constant 2 : i32
      %broadcast_in_dim3A_1756 = vector.broadcast %broadcast_in_dim3A_1755 : i32 to vector<16xi32>
      %gather3A_1757 = tpu.vector_load_idx %arg10[%broadcast_in_dim3A_1754, %broadcast_in_dim3A_1756, %shift_right_arithmetic3A_9, %and3A_14, %broadcast_in_dim3A_1749] : memref<2x4x4x8x128xf32, #tpu.memory_space<vmem>>[vector<16xi32>, vector<16xi32>, vector<16xi32>, vector<16xi32>, vector<16xi32>], vector<16xf32>,
      %gather3A_1758 = tpu.vector_load_idx %arg10[%broadcast_in_dim3A_1754, %broadcast_in_dim3A_1756, %add3A_12, %and3A_14, %broadcast_in_dim3A_1749] : memref<2x4x4x8x128xf32, #tpu.memory_space<vmem>>[vector<16xi32>, vector<16xi32>, vector<16xi32>, vector<16xi32>, vector<16xi32>], vector<16xf32>,
      %gather3A_1759 = tpu.vector_load_idx %arg11[%broadcast_in_dim3A_1754, %broadcast_in_dim3A_1756, %shift_right_arithmetic3A_9, %and3A_14, %broadcast_in_dim3A_1752] : memref<2x4x4x8x128xf32, #tpu.memory_space<vmem>>[vector<16xi32>, vector<16xi32>, vector<16xi32>, vector<16xi32>, vector<16xi32>], vector<16xf32>,
      %gather3A_1760 = tpu.vector_load_idx %arg11[%broadcast_in_dim3A_1754, %broadcast_in_dim3A_1756, %add3A_12, %and3A_14, %broadcast_in_dim3A_1752] : memref<2x4x4x8x128xf32, #tpu.memory_space<vmem>>[vector<16xi32>, vector<16xi32>, vector<16xi32>, vector<16xi32>, vector<16xi32>], vector<16xf32>,
      %mul3A_1761 = arith.mulf %gather3A_1757, %gather3A_1759 : vector<16xf32>
      %mul3A_1762 = arith.mulf %mul3A_1761, %get3A_3 : vector<16xf32>
      %mul3A_1763 = arith.mulf %gather3A_1758, %gather3A_1760 : vector<16xf32>
      %mul3A_1764 = arith.mulf %mul3A_1763, %get3A_5 : vector<16xf32>
      %add3A_1765 = arith.addf %mul3A_1762, %mul3A_1764 : vector<16xf32>
      %swap3A_1766 = arith.constant 160 : index
      %swap3A_1767 = tpu.vector_load %arg12[%swap3A_1766] {strides = array<i32>} : memref<256xf32, #tpu.memory_space<vmem>>, vector<16xf32>,
      tpu.vector_store %arg12[%swap3A_1766], %add3A_1765 {strides = array<i32>} : memref<256xf32, #tpu.memory_space<vmem>>, vector<16xf32>,
      %slice3A_1768 = vector.extract_strided_slice %get3A_376 {offsets = [11], sizes = [1], strides = [1]} : vector<16xi32> to vector<1xi32>
      %squeeze3A_1769 = vector.extract %slice3A_1768[0] : i32 from vector<1xi32>
      %slice3A_1770 = vector.extract_strided_slice %get3A_380 {offsets = [11], sizes = [1], strides = [1]} : vector<16xi32> to vector<1xi32>
      %squeeze3A_1771 = vector.extract %slice3A_1770[0] : i32 from vector<1xi32>
      %and3A_1772 = arith.constant 127 : i32
      %and3A_1773 = arith.andi %squeeze3A_1769, %and3A_1772 : i32
      %broadcast_in_dim3A_1774 = vector.broadcast %and3A_1773 : i32 to vector<16xi32>
      %and3A_1775 = arith.constant 127 : i32
      %and3A_1776 = arith.andi %squeeze3A_1771, %and3A_1775 : i32
      %broadcast_in_dim3A_1777 = vector.broadcast %and3A_1776 : i32 to vector<16xi32>
      %broadcast_in_dim3A_1778 = arith.constant 0 : i32
      %broadcast_in_dim3A_1779 = vector.broadcast %broadcast_in_dim3A_1778 : i32 to vector<16xi32>
      %broadcast_in_dim3A_1780 = arith.constant 3 : i32
      %broadcast_in_dim3A_1781 = vector.broadcast %broadcast_in_dim3A_1780 : i32 to vector<16xi32>
      %gather3A_1782 = tpu.vector_load_idx %arg10[%broadcast_in_dim3A_1779, %broadcast_in_dim3A_1781, %shift_right_arithmetic3A_9, %and3A_14, %broadcast_in_dim3A_1774] : memref<2x4x4x8x128xf32, #tpu.memory_space<vmem>>[vector<16xi32>, vector<16xi32>, vector<16xi32>, vector<16xi32>, vector<16xi32>], vector<16xf32>,
      %gather3A_1783 = tpu.vector_load_idx %arg10[%broadcast_in_dim3A_1779, %broadcast_in_dim3A_1781, %add3A_12, %and3A_14, %broadcast_in_dim3A_1774] : memref<2x4x4x8x128xf32, #tpu.memory_space<vmem>>[vector<16xi32>, vector<16xi32>, vector<16xi32>, vector<16xi32>, vector<16xi32>], vector<16xf32>,
      %gather3A_1784 = tpu.vector_load_idx %arg11[%broadcast_in_dim3A_1779, %broadcast_in_dim3A_1781, %shift_right_arithmetic3A_9, %and3A_14, %broadcast_in_dim3A_1777] : memref<2x4x4x8x128xf32, #tpu.memory_space<vmem>>[vector<16xi32>, vector<16xi32>, vector<16xi32>, vector<16xi32>, vector<16xi32>], vector<16xf32>,
      %gather3A_1785 = tpu.vector_load_idx %arg11[%broadcast_in_dim3A_1779, %broadcast_in_dim3A_1781, %add3A_12, %and3A_14, %broadcast_in_dim3A_1777] : memref<2x4x4x8x128xf32, #tpu.memory_space<vmem>>[vector<16xi32>, vector<16xi32>, vector<16xi32>, vector<16xi32>, vector<16xi32>], vector<16xf32>,
      %mul3A_1786 = arith.mulf %gather3A_1782, %gather3A_1784 : vector<16xf32>
      %mul3A_1787 = arith.mulf %mul3A_1786, %get3A_3 : vector<16xf32>
      %mul3A_1788 = arith.mulf %gather3A_1783, %gather3A_1785 : vector<16xf32>
      %mul3A_1789 = arith.mulf %mul3A_1788, %get3A_5 : vector<16xf32>
      %add3A_1790 = arith.addf %mul3A_1787, %mul3A_1789 : vector<16xf32>
      %swap3A_1791 = arith.constant 176 : index
      %swap3A_1792 = tpu.vector_load %arg12[%swap3A_1791] {strides = array<i32>} : memref<256xf32, #tpu.memory_space<vmem>>, vector<16xf32>,
      tpu.vector_store %arg12[%swap3A_1791], %add3A_1790 {strides = array<i32>} : memref<256xf32, #tpu.memory_space<vmem>>, vector<16xf32>,
      %dma_wait3A_1793 = arith.constant 1 : i32
      %dma_wait3A_1794 = arith.constant 0 : i32
      %dma_wait3A_1795 = arith.constant 0 : i32
      %dma_wait3A_1796 = arith.constant 0 : i32
      %dma_wait3A_1797 = arith.constant 0 : i32
      %dma_wait3A_1798 = tpu.memref_slice %arg10[%dma_wait3A_1793, %dma_wait3A_1794, %dma_wait3A_1795, %dma_wait3A_1796, %dma_wait3A_1797] : memref<2x4x4x8x128xf32, #tpu.memory_space<vmem>> -> memref<1x1x4x8x128xf32, #tpu.memory_space<vmem>>
      %dma_wait3A_1799 = tpu.memref_squeeze %dma_wait3A_1798 : memref<1x1x4x8x128xf32, #tpu.memory_space<vmem>> -> memref<4x8x128xf32, #tpu.memory_space<vmem>>
      %dma_wait3A_1800 = arith.constant 0 : i32
      %dma_wait3A_1801 = arith.constant 0 : i32
      %dma_wait3A_1802 = arith.constant 0 : i32
      %dma_wait3A_1803 = tpu.memref_slice %arg4[%dma_wait3A_1800, %dma_wait3A_1801, %dma_wait3A_1802] : memref<4x8x1000000xf32, #tpu.memory_space<hbm>> -> memref<4x8x128xf32, #tpu.memory_space<hbm>>
      %dma_wait3A_1804 = arith.constant 0 : i32
      %dma_wait3A_1805 = arith.constant 0 : i32
      %dma_wait3A_1806 = arith.constant 0 : i32
      %dma_wait3A_1807 = tpu.memref_slice %arg10[%dma_wait3A_1793, %dma_wait3A_1794, %dma_wait3A_1804, %dma_wait3A_1805, %dma_wait3A_1806] : memref<2x4x4x8x128xf32, #tpu.memory_space<vmem>> -> memref<1x1x4x8x128xf32, #tpu.memory_space<vmem>>
      %dma_wait3A_1808 = tpu.memref_squeeze %dma_wait3A_1807 : memref<1x1x4x8x128xf32, #tpu.memory_space<vmem>> -> memref<4x8x128xf32, #tpu.memory_space<vmem>>
      %dma_wait3A_1809 = arith.constant 0 : i32
      %dma_wait3A_1810 = arith.constant 0 : i32
      %dma_wait3A_1811 = arith.constant 0 : i32
      %dma_wait3A_1812 = tpu.memref_slice %arg4[%dma_wait3A_1809, %dma_wait3A_1810, %dma_wait3A_1811] : memref<4x8x1000000xf32, #tpu.memory_space<hbm>> -> memref<4x8x128xf32, #tpu.memory_space<hbm>>
      tpu.wait_dma2 semaphore(%arg16 : memref<!tpu.dma_semaphore, #tpu.memory_space<semaphore_mem>>) src(%dma_wait3A_1812 : memref<4x8x128xf32, #tpu.memory_space<hbm>>) dst(%dma_wait3A_1808 : memref<4x8x128xf32, #tpu.memory_space<vmem>>)
      %dma_wait3A_1813 = arith.constant 1 : i32
      %dma_wait3A_1814 = arith.constant 0 : i32
      %dma_wait3A_1815 = arith.constant 0 : i32
      %dma_wait3A_1816 = arith.constant 0 : i32
      %dma_wait3A_1817 = arith.constant 0 : i32
      %dma_wait3A_1818 = tpu.memref_slice %arg11[%dma_wait3A_1813, %dma_wait3A_1814, %dma_wait3A_1815, %dma_wait3A_1816, %dma_wait3A_1817] : memref<2x4x4x8x128xf32, #tpu.memory_space<vmem>> -> memref<1x1x4x8x128xf32, #tpu.memory_space<vmem>>
      %dma_wait3A_1819 = tpu.memref_squeeze %dma_wait3A_1818 : memref<1x1x4x8x128xf32, #tpu.memory_space<vmem>> -> memref<4x8x128xf32, #tpu.memory_space<vmem>>
      %dma_wait3A_1820 = arith.constant 0 : i32
      %dma_wait3A_1821 = arith.constant 0 : i32
      %dma_wait3A_1822 = arith.constant 0 : i32
      %dma_wait3A_1823 = tpu.memref_slice %arg5[%dma_wait3A_1820, %dma_wait3A_1821, %dma_wait3A_1822] : memref<4x8x1000000xf32, #tpu.memory_space<hbm>> -> memref<4x8x128xf32, #tpu.memory_space<hbm>>
      %dma_wait3A_1824 = arith.constant 0 : i32
      %dma_wait3A_1825 = arith.constant 0 : i32
      %dma_wait3A_1826 = arith.constant 0 : i32
      %dma_wait3A_1827 = tpu.memref_slice %arg11[%dma_wait3A_1813, %dma_wait3A_1814, %dma_wait3A_1824, %dma_wait3A_1825, %dma_wait3A_1826] : memref<2x4x4x8x128xf32, #tpu.memory_space<vmem>> -> memref<1x1x4x8x128xf32, #tpu.memory_space<vmem>>
      %dma_wait3A_1828 = tpu.memref_squeeze %dma_wait3A_1827 : memref<1x1x4x8x128xf32, #tpu.memory_space<vmem>> -> memref<4x8x128xf32, #tpu.memory_space<vmem>>
      %dma_wait3A_1829 = arith.constant 0 : i32
      %dma_wait3A_1830 = arith.constant 0 : i32
      %dma_wait3A_1831 = arith.constant 0 : i32
      %dma_wait3A_1832 = tpu.memref_slice %arg5[%dma_wait3A_1829, %dma_wait3A_1830, %dma_wait3A_1831] : memref<4x8x1000000xf32, #tpu.memory_space<hbm>> -> memref<4x8x128xf32, #tpu.memory_space<hbm>>
      tpu.wait_dma2 semaphore(%arg16 : memref<!tpu.dma_semaphore, #tpu.memory_space<semaphore_mem>>) src(%dma_wait3A_1832 : memref<4x8x128xf32, #tpu.memory_space<hbm>>) dst(%dma_wait3A_1828 : memref<4x8x128xf32, #tpu.memory_space<vmem>>)
      %dma_wait3A_1833 = arith.constant 1 : i32
      %dma_wait3A_1834 = arith.constant 1 : i32
      %dma_wait3A_1835 = arith.constant 0 : i32
      %dma_wait3A_1836 = arith.constant 0 : i32
      %dma_wait3A_1837 = arith.constant 0 : i32
      %dma_wait3A_1838 = tpu.memref_slice %arg10[%dma_wait3A_1833, %dma_wait3A_1834, %dma_wait3A_1835, %dma_wait3A_1836, %dma_wait3A_1837] : memref<2x4x4x8x128xf32, #tpu.memory_space<vmem>> -> memref<1x1x4x8x128xf32, #tpu.memory_space<vmem>>
      %dma_wait3A_1839 = tpu.memref_squeeze %dma_wait3A_1838 : memref<1x1x4x8x128xf32, #tpu.memory_space<vmem>> -> memref<4x8x128xf32, #tpu.memory_space<vmem>>
      %dma_wait3A_1840 = arith.constant 0 : i32
      %dma_wait3A_1841 = arith.constant 0 : i32
      %dma_wait3A_1842 = arith.constant 0 : i32
      %dma_wait3A_1843 = tpu.memref_slice %arg4[%dma_wait3A_1840, %dma_wait3A_1841, %dma_wait3A_1842] : memref<4x8x1000000xf32, #tpu.memory_space<hbm>> -> memref<4x8x128xf32, #tpu.memory_space<hbm>>
      %dma_wait3A_1844 = arith.constant 0 : i32
      %dma_wait3A_1845 = arith.constant 0 : i32
      %dma_wait3A_1846 = arith.constant 0 : i32
      %dma_wait3A_1847 = tpu.memref_slice %arg10[%dma_wait3A_1833, %dma_wait3A_1834, %dma_wait3A_1844, %dma_wait3A_1845, %dma_wait3A_1846] : memref<2x4x4x8x128xf32, #tpu.memory_space<vmem>> -> memref<1x1x4x8x128xf32, #tpu.memory_space<vmem>>
      %dma_wait3A_1848 = tpu.memref_squeeze %dma_wait3A_1847 : memref<1x1x4x8x128xf32, #tpu.memory_space<vmem>> -> memref<4x8x128xf32, #tpu.memory_space<vmem>>
      %dma_wait3A_1849 = arith.constant 0 : i32
      %dma_wait3A_1850 = arith.constant 0 : i32
      %dma_wait3A_1851 = arith.constant 0 : i32
      %dma_wait3A_1852 = tpu.memref_slice %arg4[%dma_wait3A_1849, %dma_wait3A_1850, %dma_wait3A_1851] : memref<4x8x1000000xf32, #tpu.memory_space<hbm>> -> memref<4x8x128xf32, #tpu.memory_space<hbm>>
      tpu.wait_dma2 semaphore(%arg16 : memref<!tpu.dma_semaphore, #tpu.memory_space<semaphore_mem>>) src(%dma_wait3A_1852 : memref<4x8x128xf32, #tpu.memory_space<hbm>>) dst(%dma_wait3A_1848 : memref<4x8x128xf32, #tpu.memory_space<vmem>>)
      %dma_wait3A_1853 = arith.constant 1 : i32
      %dma_wait3A_1854 = arith.constant 1 : i32
      %dma_wait3A_1855 = arith.constant 0 : i32
      %dma_wait3A_1856 = arith.constant 0 : i32
      %dma_wait3A_1857 = arith.constant 0 : i32
      %dma_wait3A_1858 = tpu.memref_slice %arg11[%dma_wait3A_1853, %dma_wait3A_1854, %dma_wait3A_1855, %dma_wait3A_1856, %dma_wait3A_1857] : memref<2x4x4x8x128xf32, #tpu.memory_space<vmem>> -> memref<1x1x4x8x128xf32, #tpu.memory_space<vmem>>
      %dma_wait3A_1859 = tpu.memref_squeeze %dma_wait3A_1858 : memref<1x1x4x8x128xf32, #tpu.memory_space<vmem>> -> memref<4x8x128xf32, #tpu.memory_space<vmem>>
      %dma_wait3A_1860 = arith.constant 0 : i32
      %dma_wait3A_1861 = arith.constant 0 : i32
      %dma_wait3A_1862 = arith.constant 0 : i32
      %dma_wait3A_1863 = tpu.memref_slice %arg5[%dma_wait3A_1860, %dma_wait3A_1861, %dma_wait3A_1862] : memref<4x8x1000000xf32, #tpu.memory_space<hbm>> -> memref<4x8x128xf32, #tpu.memory_space<hbm>>
      %dma_wait3A_1864 = arith.constant 0 : i32
      %dma_wait3A_1865 = arith.constant 0 : i32
      %dma_wait3A_1866 = arith.constant 0 : i32
      %dma_wait3A_1867 = tpu.memref_slice %arg11[%dma_wait3A_1853, %dma_wait3A_1854, %dma_wait3A_1864, %dma_wait3A_1865, %dma_wait3A_1866] : memref<2x4x4x8x128xf32, #tpu.memory_space<vmem>> -> memref<1x1x4x8x128xf32, #tpu.memory_space<vmem>>
      %dma_wait3A_1868 = tpu.memref_squeeze %dma_wait3A_1867 : memref<1x1x4x8x128xf32, #tpu.memory_space<vmem>> -> memref<4x8x128xf32, #tpu.memory_space<vmem>>
      %dma_wait3A_1869 = arith.constant 0 : i32
      %dma_wait3A_1870 = arith.constant 0 : i32
      %dma_wait3A_1871 = arith.constant 0 : i32
      %dma_wait3A_1872 = tpu.memref_slice %arg5[%dma_wait3A_1869, %dma_wait3A_1870, %dma_wait3A_1871] : memref<4x8x1000000xf32, #tpu.memory_space<hbm>> -> memref<4x8x128xf32, #tpu.memory_space<hbm>>
      tpu.wait_dma2 semaphore(%arg16 : memref<!tpu.dma_semaphore, #tpu.memory_space<semaphore_mem>>) src(%dma_wait3A_1872 : memref<4x8x128xf32, #tpu.memory_space<hbm>>) dst(%dma_wait3A_1868 : memref<4x8x128xf32, #tpu.memory_space<vmem>>)
      %dma_wait3A_1873 = arith.constant 1 : i32
      %dma_wait3A_1874 = arith.constant 2 : i32
      %dma_wait3A_1875 = arith.constant 0 : i32
      %dma_wait3A_1876 = arith.constant 0 : i32
      %dma_wait3A_1877 = arith.constant 0 : i32
      %dma_wait3A_1878 = tpu.memref_slice %arg10[%dma_wait3A_1873, %dma_wait3A_1874, %dma_wait3A_1875, %dma_wait3A_1876, %dma_wait3A_1877] : memref<2x4x4x8x128xf32, #tpu.memory_space<vmem>> -> memref<1x1x4x8x128xf32, #tpu.memory_space<vmem>>
      %dma_wait3A_1879 = tpu.memref_squeeze %dma_wait3A_1878 : memref<1x1x4x8x128xf32, #tpu.memory_space<vmem>> -> memref<4x8x128xf32, #tpu.memory_space<vmem>>
      %dma_wait3A_1880 = arith.constant 0 : i32
      %dma_wait3A_1881 = arith.constant 0 : i32
      %dma_wait3A_1882 = arith.constant 0 : i32
      %dma_wait3A_1883 = tpu.memref_slice %arg4[%dma_wait3A_1880, %dma_wait3A_1881, %dma_wait3A_1882] : memref<4x8x1000000xf32, #tpu.memory_space<hbm>> -> memref<4x8x128xf32, #tpu.memory_space<hbm>>
      %dma_wait3A_1884 = arith.constant 0 : i32
      %dma_wait3A_1885 = arith.constant 0 : i32
      %dma_wait3A_1886 = arith.constant 0 : i32
      %dma_wait3A_1887 = tpu.memref_slice %arg10[%dma_wait3A_1873, %dma_wait3A_1874, %dma_wait3A_1884, %dma_wait3A_1885, %dma_wait3A_1886] : memref<2x4x4x8x128xf32, #tpu.memory_space<vmem>> -> memref<1x1x4x8x128xf32, #tpu.memory_space<vmem>>
      %dma_wait3A_1888 = tpu.memref_squeeze %dma_wait3A_1887 : memref<1x1x4x8x128xf32, #tpu.memory_space<vmem>> -> memref<4x8x128xf32, #tpu.memory_space<vmem>>
      %dma_wait3A_1889 = arith.constant 0 : i32
      %dma_wait3A_1890 = arith.constant 0 : i32
      %dma_wait3A_1891 = arith.constant 0 : i32
      %dma_wait3A_1892 = tpu.memref_slice %arg4[%dma_wait3A_1889, %dma_wait3A_1890, %dma_wait3A_1891] : memref<4x8x1000000xf32, #tpu.memory_space<hbm>> -> memref<4x8x128xf32, #tpu.memory_space<hbm>>
      tpu.wait_dma2 semaphore(%arg16 : memref<!tpu.dma_semaphore, #tpu.memory_space<semaphore_mem>>) src(%dma_wait3A_1892 : memref<4x8x128xf32, #tpu.memory_space<hbm>>) dst(%dma_wait3A_1888 : memref<4x8x128xf32, #tpu.memory_space<vmem>>)
      %dma_wait3A_1893 = arith.constant 1 : i32
      %dma_wait3A_1894 = arith.constant 2 : i32
      %dma_wait3A_1895 = arith.constant 0 : i32
      %dma_wait3A_1896 = arith.constant 0 : i32
      %dma_wait3A_1897 = arith.constant 0 : i32
      %dma_wait3A_1898 = tpu.memref_slice %arg11[%dma_wait3A_1893, %dma_wait3A_1894, %dma_wait3A_1895, %dma_wait3A_1896, %dma_wait3A_1897] : memref<2x4x4x8x128xf32, #tpu.memory_space<vmem>> -> memref<1x1x4x8x128xf32, #tpu.memory_space<vmem>>
      %dma_wait3A_1899 = tpu.memref_squeeze %dma_wait3A_1898 : memref<1x1x4x8x128xf32, #tpu.memory_space<vmem>> -> memref<4x8x128xf32, #tpu.memory_space<vmem>>
      %dma_wait3A_1900 = arith.constant 0 : i32
      %dma_wait3A_1901 = arith.constant 0 : i32
      %dma_wait3A_1902 = arith.constant 0 : i32
      %dma_wait3A_1903 = tpu.memref_slice %arg5[%dma_wait3A_1900, %dma_wait3A_1901, %dma_wait3A_1902] : memref<4x8x1000000xf32, #tpu.memory_space<hbm>> -> memref<4x8x128xf32, #tpu.memory_space<hbm>>
      %dma_wait3A_1904 = arith.constant 0 : i32
      %dma_wait3A_1905 = arith.constant 0 : i32
      %dma_wait3A_1906 = arith.constant 0 : i32
      %dma_wait3A_1907 = tpu.memref_slice %arg11[%dma_wait3A_1893, %dma_wait3A_1894, %dma_wait3A_1904, %dma_wait3A_1905, %dma_wait3A_1906] : memref<2x4x4x8x128xf32, #tpu.memory_space<vmem>> -> memref<1x1x4x8x128xf32, #tpu.memory_space<vmem>>
      %dma_wait3A_1908 = tpu.memref_squeeze %dma_wait3A_1907 : memref<1x1x4x8x128xf32, #tpu.memory_space<vmem>> -> memref<4x8x128xf32, #tpu.memory_space<vmem>>
      %dma_wait3A_1909 = arith.constant 0 : i32
      %dma_wait3A_1910 = arith.constant 0 : i32
      %dma_wait3A_1911 = arith.constant 0 : i32
      %dma_wait3A_1912 = tpu.memref_slice %arg5[%dma_wait3A_1909, %dma_wait3A_1910, %dma_wait3A_1911] : memref<4x8x1000000xf32, #tpu.memory_space<hbm>> -> memref<4x8x128xf32, #tpu.memory_space<hbm>>
      tpu.wait_dma2 semaphore(%arg16 : memref<!tpu.dma_semaphore, #tpu.memory_space<semaphore_mem>>) src(%dma_wait3A_1912 : memref<4x8x128xf32, #tpu.memory_space<hbm>>) dst(%dma_wait3A_1908 : memref<4x8x128xf32, #tpu.memory_space<vmem>>)
      %dma_wait3A_1913 = arith.constant 1 : i32
      %dma_wait3A_1914 = arith.constant 3 : i32
      %dma_wait3A_1915 = arith.constant 0 : i32
      %dma_wait3A_1916 = arith.constant 0 : i32
      %dma_wait3A_1917 = arith.constant 0 : i32
      %dma_wait3A_1918 = tpu.memref_slice %arg10[%dma_wait3A_1913, %dma_wait3A_1914, %dma_wait3A_1915, %dma_wait3A_1916, %dma_wait3A_1917] : memref<2x4x4x8x128xf32, #tpu.memory_space<vmem>> -> memref<1x1x4x8x128xf32, #tpu.memory_space<vmem>>
      %dma_wait3A_1919 = tpu.memref_squeeze %dma_wait3A_1918 : memref<1x1x4x8x128xf32, #tpu.memory_space<vmem>> -> memref<4x8x128xf32, #tpu.memory_space<vmem>>
      %dma_wait3A_1920 = arith.constant 0 : i32
      %dma_wait3A_1921 = arith.constant 0 : i32
      %dma_wait3A_1922 = arith.constant 0 : i32
      %dma_wait3A_1923 = tpu.memref_slice %arg4[%dma_wait3A_1920, %dma_wait3A_1921, %dma_wait3A_1922] : memref<4x8x1000000xf32, #tpu.memory_space<hbm>> -> memref<4x8x128xf32, #tpu.memory_space<hbm>>
      %dma_wait3A_1924 = arith.constant 0 : i32
      %dma_wait3A_1925 = arith.constant 0 : i32
      %dma_wait3A_1926 = arith.constant 0 : i32
      %dma_wait3A_1927 = tpu.memref_slice %arg10[%dma_wait3A_1913, %dma_wait3A_1914, %dma_wait3A_1924, %dma_wait3A_1925, %dma_wait3A_1926] : memref<2x4x4x8x128xf32, #tpu.memory_space<vmem>> -> memref<1x1x4x8x128xf32, #tpu.memory_space<vmem>>
      %dma_wait3A_1928 = tpu.memref_squeeze %dma_wait3A_1927 : memref<1x1x4x8x128xf32, #tpu.memory_space<vmem>> -> memref<4x8x128xf32, #tpu.memory_space<vmem>>
      %dma_wait3A_1929 = arith.constant 0 : i32
      %dma_wait3A_1930 = arith.constant 0 : i32
      %dma_wait3A_1931 = arith.constant 0 : i32
      %dma_wait3A_1932 = tpu.memref_slice %arg4[%dma_wait3A_1929, %dma_wait3A_1930, %dma_wait3A_1931] : memref<4x8x1000000xf32, #tpu.memory_space<hbm>> -> memref<4x8x128xf32, #tpu.memory_space<hbm>>
      tpu.wait_dma2 semaphore(%arg16 : memref<!tpu.dma_semaphore, #tpu.memory_space<semaphore_mem>>) src(%dma_wait3A_1932 : memref<4x8x128xf32, #tpu.memory_space<hbm>>) dst(%dma_wait3A_1928 : memref<4x8x128xf32, #tpu.memory_space<vmem>>)
      %dma_wait3A_1933 = arith.constant 1 : i32
      %dma_wait3A_1934 = arith.constant 3 : i32
      %dma_wait3A_1935 = arith.constant 0 : i32
      %dma_wait3A_1936 = arith.constant 0 : i32
      %dma_wait3A_1937 = arith.constant 0 : i32
      %dma_wait3A_1938 = tpu.memref_slice %arg11[%dma_wait3A_1933, %dma_wait3A_1934, %dma_wait3A_1935, %dma_wait3A_1936, %dma_wait3A_1937] : memref<2x4x4x8x128xf32, #tpu.memory_space<vmem>> -> memref<1x1x4x8x128xf32, #tpu.memory_space<vmem>>
      %dma_wait3A_1939 = tpu.memref_squeeze %dma_wait3A_1938 : memref<1x1x4x8x128xf32, #tpu.memory_space<vmem>> -> memref<4x8x128xf32, #tpu.memory_space<vmem>>
      %dma_wait3A_1940 = arith.constant 0 : i32
      %dma_wait3A_1941 = arith.constant 0 : i32
      %dma_wait3A_1942 = arith.constant 0 : i32
      %dma_wait3A_1943 = tpu.memref_slice %arg5[%dma_wait3A_1940, %dma_wait3A_1941, %dma_wait3A_1942] : memref<4x8x1000000xf32, #tpu.memory_space<hbm>> -> memref<4x8x128xf32, #tpu.memory_space<hbm>>
      %dma_wait3A_1944 = arith.constant 0 : i32
      %dma_wait3A_1945 = arith.constant 0 : i32
      %dma_wait3A_1946 = arith.constant 0 : i32
      %dma_wait3A_1947 = tpu.memref_slice %arg11[%dma_wait3A_1933, %dma_wait3A_1934, %dma_wait3A_1944, %dma_wait3A_1945, %dma_wait3A_1946] : memref<2x4x4x8x128xf32, #tpu.memory_space<vmem>> -> memref<1x1x4x8x128xf32, #tpu.memory_space<vmem>>
      %dma_wait3A_1948 = tpu.memref_squeeze %dma_wait3A_1947 : memref<1x1x4x8x128xf32, #tpu.memory_space<vmem>> -> memref<4x8x128xf32, #tpu.memory_space<vmem>>
      %dma_wait3A_1949 = arith.constant 0 : i32
      %dma_wait3A_1950 = arith.constant 0 : i32
      %dma_wait3A_1951 = arith.constant 0 : i32
      %dma_wait3A_1952 = tpu.memref_slice %arg5[%dma_wait3A_1949, %dma_wait3A_1950, %dma_wait3A_1951] : memref<4x8x1000000xf32, #tpu.memory_space<hbm>> -> memref<4x8x128xf32, #tpu.memory_space<hbm>>
      tpu.wait_dma2 semaphore(%arg16 : memref<!tpu.dma_semaphore, #tpu.memory_space<semaphore_mem>>) src(%dma_wait3A_1952 : memref<4x8x128xf32, #tpu.memory_space<hbm>>) dst(%dma_wait3A_1948 : memref<4x8x128xf32, #tpu.memory_space<vmem>>)
      %slice3A_1953 = vector.extract_strided_slice %get3A_406 {offsets = [0], sizes = [1], strides = [1]} : vector<16xi32> to vector<1xi32>
      %squeeze3A_1954 = vector.extract %slice3A_1953[0] : i32 from vector<1xi32>
      %slice3A_1955 = vector.extract_strided_slice %get3A_439 {offsets = [0], sizes = [1], strides = [1]} : vector<16xi32> to vector<1xi32>
      %squeeze3A_1956 = vector.extract %slice3A_1955[0] : i32 from vector<1xi32>
      %shift_right_arithmetic3A_1957 = arith.constant 7 : i32
      %shift_right_arithmetic3A_1958 = arith.shrsi %squeeze3A_1954, %shift_right_arithmetic3A_1957 : i32
      %mul3A_1959 = arith.constant 128 : i32
      %mul3A_1960 = arith.muli %shift_right_arithmetic3A_1958, %mul3A_1959 : i32
      %shift_right_arithmetic3A_1961 = arith.constant 7 : i32
      %shift_right_arithmetic3A_1962 = arith.shrsi %squeeze3A_1956, %shift_right_arithmetic3A_1961 : i32
      %mul3A_1963 = arith.constant 128 : i32
      %mul3A_1964 = arith.muli %shift_right_arithmetic3A_1962, %mul3A_1963 : i32
      %dma_start3A_1965 = arith.constant 0 : i32
      %dma_start3A_1966 = arith.constant 0 : i32
      %dma_start3A_1967 = arith.constant 0 : i32
      %dma_start3A_1968 = arith.constant 0 : i32
      %dma_start3A_1969 = arith.constant 0 : i32
      %dma_start3A_1970 = tpu.memref_slice %arg10[%dma_start3A_1965, %dma_start3A_1966, %dma_start3A_1967, %dma_start3A_1968, %dma_start3A_1969] : memref<2x4x4x8x128xf32, #tpu.memory_space<vmem>> -> memref<1x1x4x8x128xf32, #tpu.memory_space<vmem>>
      %dma_start3A_1971 = tpu.memref_squeeze %dma_start3A_1970 : memref<1x1x4x8x128xf32, #tpu.memory_space<vmem>> -> memref<4x8x128xf32, #tpu.memory_space<vmem>>
      %dma_start3A_1972 = arith.constant 0 : i32
      %dma_start3A_1973 = arith.constant 0 : i32
      %dma_start3A_1974 = tpu.memref_slice %arg4[%dma_start3A_1972, %dma_start3A_1973, %mul3A_1960] : memref<4x8x1000000xf32, #tpu.memory_space<hbm>> -> memref<4x8x128xf32, #tpu.memory_space<hbm>>
      %dma_start3A_1975 = arith.constant 0 : i32
      %dma_start3A_1976 = arith.constant 0 : i32
      %dma_start3A_1977 = arith.constant 0 : i32
      %dma_start3A_1978 = tpu.memref_slice %arg10[%dma_start3A_1965, %dma_start3A_1966, %dma_start3A_1975, %dma_start3A_1976, %dma_start3A_1977] : memref<2x4x4x8x128xf32, #tpu.memory_space<vmem>> -> memref<1x1x4x8x128xf32, #tpu.memory_space<vmem>>
      %dma_start3A_1979 = tpu.memref_squeeze %dma_start3A_1978 : memref<1x1x4x8x128xf32, #tpu.memory_space<vmem>> -> memref<4x8x128xf32, #tpu.memory_space<vmem>>
      %dma_start3A_1980 = arith.constant 0 : i32
      %dma_start3A_1981 = arith.constant 0 : i32
      %dma_start3A_1982 = tpu.memref_slice %arg4[%dma_start3A_1980, %dma_start3A_1981, %mul3A_1960] : memref<4x8x1000000xf32, #tpu.memory_space<hbm>> -> memref<4x8x128xf32, #tpu.memory_space<hbm>>
      tpu.enqueue_dma source(%dma_start3A_1982 : memref<4x8x128xf32, #tpu.memory_space<hbm>>) target(%dma_start3A_1979 : memref<4x8x128xf32, #tpu.memory_space<vmem>>) target_semaphore(%arg15 : memref<!tpu.dma_semaphore, #tpu.memory_space<semaphore_mem>>)
      %dma_start3A_1983 = arith.constant 0 : i32
      %dma_start3A_1984 = arith.constant 0 : i32
      %dma_start3A_1985 = arith.constant 0 : i32
      %dma_start3A_1986 = arith.constant 0 : i32
      %dma_start3A_1987 = arith.constant 0 : i32
      %dma_start3A_1988 = tpu.memref_slice %arg11[%dma_start3A_1983, %dma_start3A_1984, %dma_start3A_1985, %dma_start3A_1986, %dma_start3A_1987] : memref<2x4x4x8x128xf32, #tpu.memory_space<vmem>> -> memref<1x1x4x8x128xf32, #tpu.memory_space<vmem>>
      %dma_start3A_1989 = tpu.memref_squeeze %dma_start3A_1988 : memref<1x1x4x8x128xf32, #tpu.memory_space<vmem>> -> memref<4x8x128xf32, #tpu.memory_space<vmem>>
      %dma_start3A_1990 = arith.constant 0 : i32
      %dma_start3A_1991 = arith.constant 0 : i32
      %dma_start3A_1992 = tpu.memref_slice %arg5[%dma_start3A_1990, %dma_start3A_1991, %mul3A_1964] : memref<4x8x1000000xf32, #tpu.memory_space<hbm>> -> memref<4x8x128xf32, #tpu.memory_space<hbm>>
      %dma_start3A_1993 = arith.constant 0 : i32
      %dma_start3A_1994 = arith.constant 0 : i32
      %dma_start3A_1995 = arith.constant 0 : i32
      %dma_start3A_1996 = tpu.memref_slice %arg11[%dma_start3A_1983, %dma_start3A_1984, %dma_start3A_1993, %dma_start3A_1994, %dma_start3A_1995] : memref<2x4x4x8x128xf32, #tpu.memory_space<vmem>> -> memref<1x1x4x8x128xf32, #tpu.memory_space<vmem>>
      %dma_start3A_1997 = tpu.memref_squeeze %dma_start3A_1996 : memref<1x1x4x8x128xf32, #tpu.memory_space<vmem>> -> memref<4x8x128xf32, #tpu.memory_space<vmem>>
      %dma_start3A_1998 = arith.constant 0 : i32
      %dma_start3A_1999 = arith.constant 0 : i32
      %dma_start3A_2000 = tpu.memref_slice %arg5[%dma_start3A_1998, %dma_start3A_1999, %mul3A_1964] : memref<4x8x1000000xf32, #tpu.memory_space<hbm>> -> memref<4x8x128xf32, #tpu.memory_space<hbm>>
      tpu.enqueue_dma source(%dma_start3A_2000 : memref<4x8x128xf32, #tpu.memory_space<hbm>>) target(%dma_start3A_1997 : memref<4x8x128xf32, #tpu.memory_space<vmem>>) target_semaphore(%arg15 : memref<!tpu.dma_semaphore, #tpu.memory_space<semaphore_mem>>)
      %slice3A_2001 = vector.extract_strided_slice %get3A_406 {offsets = [1], sizes = [1], strides = [1]} : vector<16xi32> to vector<1xi32>
      %squeeze3A_2002 = vector.extract %slice3A_2001[0] : i32 from vector<1xi32>
      %slice3A_2003 = vector.extract_strided_slice %get3A_439 {offsets = [1], sizes = [1], strides = [1]} : vector<16xi32> to vector<1xi32>
      %squeeze3A_2004 = vector.extract %slice3A_2003[0] : i32 from vector<1xi32>
      %shift_right_arithmetic3A_2005 = arith.constant 7 : i32
      %shift_right_arithmetic3A_2006 = arith.shrsi %squeeze3A_2002, %shift_right_arithmetic3A_2005 : i32
      %mul3A_2007 = arith.constant 128 : i32
      %mul3A_2008 = arith.muli %shift_right_arithmetic3A_2006, %mul3A_2007 : i32
      %shift_right_arithmetic3A_2009 = arith.constant 7 : i32
      %shift_right_arithmetic3A_2010 = arith.shrsi %squeeze3A_2004, %shift_right_arithmetic3A_2009 : i32
      %mul3A_2011 = arith.constant 128 : i32
      %mul3A_2012 = arith.muli %shift_right_arithmetic3A_2010, %mul3A_2011 : i32
      %dma_start3A_2013 = arith.constant 0 : i32
      %dma_start3A_2014 = arith.constant 1 : i32
      %dma_start3A_2015 = arith.constant 0 : i32
      %dma_start3A_2016 = arith.constant 0 : i32
      %dma_start3A_2017 = arith.constant 0 : i32
      %dma_start3A_2018 = tpu.memref_slice %arg10[%dma_start3A_2013, %dma_start3A_2014, %dma_start3A_2015, %dma_start3A_2016, %dma_start3A_2017] : memref<2x4x4x8x128xf32, #tpu.memory_space<vmem>> -> memref<1x1x4x8x128xf32, #tpu.memory_space<vmem>>
      %dma_start3A_2019 = tpu.memref_squeeze %dma_start3A_2018 : memref<1x1x4x8x128xf32, #tpu.memory_space<vmem>> -> memref<4x8x128xf32, #tpu.memory_space<vmem>>
      %dma_start3A_2020 = arith.constant 0 : i32
      %dma_start3A_2021 = arith.constant 0 : i32
      %dma_start3A_2022 = tpu.memref_slice %arg4[%dma_start3A_2020, %dma_start3A_2021, %mul3A_2008] : memref<4x8x1000000xf32, #tpu.memory_space<hbm>> -> memref<4x8x128xf32, #tpu.memory_space<hbm>>
      %dma_start3A_2023 = arith.constant 0 : i32
      %dma_start3A_2024 = arith.constant 0 : i32
      %dma_start3A_2025 = arith.constant 0 : i32
      %dma_start3A_2026 = tpu.memref_slice %arg10[%dma_start3A_2013, %dma_start3A_2014, %dma_start3A_2023, %dma_start3A_2024, %dma_start3A_2025] : memref<2x4x4x8x128xf32, #tpu.memory_space<vmem>> -> memref<1x1x4x8x128xf32, #tpu.memory_space<vmem>>
      %dma_start3A_2027 = tpu.memref_squeeze %dma_start3A_2026 : memref<1x1x4x8x128xf32, #tpu.memory_space<vmem>> -> memref<4x8x128xf32, #tpu.memory_space<vmem>>
      %dma_start3A_2028 = arith.constant 0 : i32
      %dma_start3A_2029 = arith.constant 0 : i32
      %dma_start3A_2030 = tpu.memref_slice %arg4[%dma_start3A_2028, %dma_start3A_2029, %mul3A_2008] : memref<4x8x1000000xf32, #tpu.memory_space<hbm>> -> memref<4x8x128xf32, #tpu.memory_space<hbm>>
      tpu.enqueue_dma source(%dma_start3A_2030 : memref<4x8x128xf32, #tpu.memory_space<hbm>>) target(%dma_start3A_2027 : memref<4x8x128xf32, #tpu.memory_space<vmem>>) target_semaphore(%arg15 : memref<!tpu.dma_semaphore, #tpu.memory_space<semaphore_mem>>)
      %dma_start3A_2031 = arith.constant 0 : i32
      %dma_start3A_2032 = arith.constant 1 : i32
      %dma_start3A_2033 = arith.constant 0 : i32
      %dma_start3A_2034 = arith.constant 0 : i32
      %dma_start3A_2035 = arith.constant 0 : i32
      %dma_start3A_2036 = tpu.memref_slice %arg11[%dma_start3A_2031, %dma_start3A_2032, %dma_start3A_2033, %dma_start3A_2034, %dma_start3A_2035] : memref<2x4x4x8x128xf32, #tpu.memory_space<vmem>> -> memref<1x1x4x8x128xf32, #tpu.memory_space<vmem>>
      %dma_start3A_2037 = tpu.memref_squeeze %dma_start3A_2036 : memref<1x1x4x8x128xf32, #tpu.memory_space<vmem>> -> memref<4x8x128xf32, #tpu.memory_space<vmem>>
      %dma_start3A_2038 = arith.constant 0 : i32
      %dma_start3A_2039 = arith.constant 0 : i32
      %dma_start3A_2040 = tpu.memref_slice %arg5[%dma_start3A_2038, %dma_start3A_2039, %mul3A_2012] : memref<4x8x1000000xf32, #tpu.memory_space<hbm>> -> memref<4x8x128xf32, #tpu.memory_space<hbm>>
      %dma_start3A_2041 = arith.constant 0 : i32
      %dma_start3A_2042 = arith.constant 0 : i32
      %dma_start3A_2043 = arith.constant 0 : i32
      %dma_start3A_2044 = tpu.memref_slice %arg11[%dma_start3A_2031, %dma_start3A_2032, %dma_start3A_2041, %dma_start3A_2042, %dma_start3A_2043] : memref<2x4x4x8x128xf32, #tpu.memory_space<vmem>> -> memref<1x1x4x8x128xf32, #tpu.memory_space<vmem>>
      %dma_start3A_2045 = tpu.memref_squeeze %dma_start3A_2044 : memref<1x1x4x8x128xf32, #tpu.memory_space<vmem>> -> memref<4x8x128xf32, #tpu.memory_space<vmem>>
      %dma_start3A_2046 = arith.constant 0 : i32
      %dma_start3A_2047 = arith.constant 0 : i32
      %dma_start3A_2048 = tpu.memref_slice %arg5[%dma_start3A_2046, %dma_start3A_2047, %mul3A_2012] : memref<4x8x1000000xf32, #tpu.memory_space<hbm>> -> memref<4x8x128xf32, #tpu.memory_space<hbm>>
      tpu.enqueue_dma source(%dma_start3A_2048 : memref<4x8x128xf32, #tpu.memory_space<hbm>>) target(%dma_start3A_2045 : memref<4x8x128xf32, #tpu.memory_space<vmem>>) target_semaphore(%arg15 : memref<!tpu.dma_semaphore, #tpu.memory_space<semaphore_mem>>)
      %slice3A_2049 = vector.extract_strided_slice %get3A_406 {offsets = [2], sizes = [1], strides = [1]} : vector<16xi32> to vector<1xi32>
      %squeeze3A_2050 = vector.extract %slice3A_2049[0] : i32 from vector<1xi32>
      %slice3A_2051 = vector.extract_strided_slice %get3A_439 {offsets = [2], sizes = [1], strides = [1]} : vector<16xi32> to vector<1xi32>
      %squeeze3A_2052 = vector.extract %slice3A_2051[0] : i32 from vector<1xi32>
      %shift_right_arithmetic3A_2053 = arith.constant 7 : i32
      %shift_right_arithmetic3A_2054 = arith.shrsi %squeeze3A_2050, %shift_right_arithmetic3A_2053 : i32
      %mul3A_2055 = arith.constant 128 : i32
      %mul3A_2056 = arith.muli %shift_right_arithmetic3A_2054, %mul3A_2055 : i32
      %shift_right_arithmetic3A_2057 = arith.constant 7 : i32
      %shift_right_arithmetic3A_2058 = arith.shrsi %squeeze3A_2052, %shift_right_arithmetic3A_2057 : i32
      %mul3A_2059 = arith.constant 128 : i32
      %mul3A_2060 = arith.muli %shift_right_arithmetic3A_2058, %mul3A_2059 : i32
      %dma_start3A_2061 = arith.constant 0 : i32
      %dma_start3A_2062 = arith.constant 2 : i32
      %dma_start3A_2063 = arith.constant 0 : i32
      %dma_start3A_2064 = arith.constant 0 : i32
      %dma_start3A_2065 = arith.constant 0 : i32
      %dma_start3A_2066 = tpu.memref_slice %arg10[%dma_start3A_2061, %dma_start3A_2062, %dma_start3A_2063, %dma_start3A_2064, %dma_start3A_2065] : memref<2x4x4x8x128xf32, #tpu.memory_space<vmem>> -> memref<1x1x4x8x128xf32, #tpu.memory_space<vmem>>
      %dma_start3A_2067 = tpu.memref_squeeze %dma_start3A_2066 : memref<1x1x4x8x128xf32, #tpu.memory_space<vmem>> -> memref<4x8x128xf32, #tpu.memory_space<vmem>>
      %dma_start3A_2068 = arith.constant 0 : i32
      %dma_start3A_2069 = arith.constant 0 : i32
      %dma_start3A_2070 = tpu.memref_slice %arg4[%dma_start3A_2068, %dma_start3A_2069, %mul3A_2056] : memref<4x8x1000000xf32, #tpu.memory_space<hbm>> -> memref<4x8x128xf32, #tpu.memory_space<hbm>>
      %dma_start3A_2071 = arith.constant 0 : i32
      %dma_start3A_2072 = arith.constant 0 : i32
      %dma_start3A_2073 = arith.constant 0 : i32
      %dma_start3A_2074 = tpu.memref_slice %arg10[%dma_start3A_2061, %dma_start3A_2062, %dma_start3A_2071, %dma_start3A_2072, %dma_start3A_2073] : memref<2x4x4x8x128xf32, #tpu.memory_space<vmem>> -> memref<1x1x4x8x128xf32, #tpu.memory_space<vmem>>
      %dma_start3A_2075 = tpu.memref_squeeze %dma_start3A_2074 : memref<1x1x4x8x128xf32, #tpu.memory_space<vmem>> -> memref<4x8x128xf32, #tpu.memory_space<vmem>>
      %dma_start3A_2076 = arith.constant 0 : i32
      %dma_start3A_2077 = arith.constant 0 : i32
      %dma_start3A_2078 = tpu.memref_slice %arg4[%dma_start3A_2076, %dma_start3A_2077, %mul3A_2056] : memref<4x8x1000000xf32, #tpu.memory_space<hbm>> -> memref<4x8x128xf32, #tpu.memory_space<hbm>>
      tpu.enqueue_dma source(%dma_start3A_2078 : memref<4x8x128xf32, #tpu.memory_space<hbm>>) target(%dma_start3A_2075 : memref<4x8x128xf32, #tpu.memory_space<vmem>>) target_semaphore(%arg15 : memref<!tpu.dma_semaphore, #tpu.memory_space<semaphore_mem>>)
      %dma_start3A_2079 = arith.constant 0 : i32
      %dma_start3A_2080 = arith.constant 2 : i32
      %dma_start3A_2081 = arith.constant 0 : i32
      %dma_start3A_2082 = arith.constant 0 : i32
      %dma_start3A_2083 = arith.constant 0 : i32
      %dma_start3A_2084 = tpu.memref_slice %arg11[%dma_start3A_2079, %dma_start3A_2080, %dma_start3A_2081, %dma_start3A_2082, %dma_start3A_2083] : memref<2x4x4x8x128xf32, #tpu.memory_space<vmem>> -> memref<1x1x4x8x128xf32, #tpu.memory_space<vmem>>
      %dma_start3A_2085 = tpu.memref_squeeze %dma_start3A_2084 : memref<1x1x4x8x128xf32, #tpu.memory_space<vmem>> -> memref<4x8x128xf32, #tpu.memory_space<vmem>>
      %dma_start3A_2086 = arith.constant 0 : i32
      %dma_start3A_2087 = arith.constant 0 : i32
      %dma_start3A_2088 = tpu.memref_slice %arg5[%dma_start3A_2086, %dma_start3A_2087, %mul3A_2060] : memref<4x8x1000000xf32, #tpu.memory_space<hbm>> -> memref<4x8x128xf32, #tpu.memory_space<hbm>>
      %dma_start3A_2089 = arith.constant 0 : i32
      %dma_start3A_2090 = arith.constant 0 : i32
      %dma_start3A_2091 = arith.constant 0 : i32
      %dma_start3A_2092 = tpu.memref_slice %arg11[%dma_start3A_2079, %dma_start3A_2080, %dma_start3A_2089, %dma_start3A_2090, %dma_start3A_2091] : memref<2x4x4x8x128xf32, #tpu.memory_space<vmem>> -> memref<1x1x4x8x128xf32, #tpu.memory_space<vmem>>
      %dma_start3A_2093 = tpu.memref_squeeze %dma_start3A_2092 : memref<1x1x4x8x128xf32, #tpu.memory_space<vmem>> -> memref<4x8x128xf32, #tpu.memory_space<vmem>>
      %dma_start3A_2094 = arith.constant 0 : i32
      %dma_start3A_2095 = arith.constant 0 : i32
      %dma_start3A_2096 = tpu.memref_slice %arg5[%dma_start3A_2094, %dma_start3A_2095, %mul3A_2060] : memref<4x8x1000000xf32, #tpu.memory_space<hbm>> -> memref<4x8x128xf32, #tpu.memory_space<hbm>>
      tpu.enqueue_dma source(%dma_start3A_2096 : memref<4x8x128xf32, #tpu.memory_space<hbm>>) target(%dma_start3A_2093 : memref<4x8x128xf32, #tpu.memory_space<vmem>>) target_semaphore(%arg15 : memref<!tpu.dma_semaphore, #tpu.memory_space<semaphore_mem>>)
      %slice3A_2097 = vector.extract_strided_slice %get3A_406 {offsets = [3], sizes = [1], strides = [1]} : vector<16xi32> to vector<1xi32>
      %squeeze3A_2098 = vector.extract %slice3A_2097[0] : i32 from vector<1xi32>
      %slice3A_2099 = vector.extract_strided_slice %get3A_439 {offsets = [3], sizes = [1], strides = [1]} : vector<16xi32> to vector<1xi32>
      %squeeze3A_2100 = vector.extract %slice3A_2099[0] : i32 from vector<1xi32>
      %shift_right_arithmetic3A_2101 = arith.constant 7 : i32
      %shift_right_arithmetic3A_2102 = arith.shrsi %squeeze3A_2098, %shift_right_arithmetic3A_2101 : i32
      %mul3A_2103 = arith.constant 128 : i32
      %mul3A_2104 = arith.muli %shift_right_arithmetic3A_2102, %mul3A_2103 : i32
      %shift_right_arithmetic3A_2105 = arith.constant 7 : i32
      %shift_right_arithmetic3A_2106 = arith.shrsi %squeeze3A_2100, %shift_right_arithmetic3A_2105 : i32
      %mul3A_2107 = arith.constant 128 : i32
      %mul3A_2108 = arith.muli %shift_right_arithmetic3A_2106, %mul3A_2107 : i32
      %dma_start3A_2109 = arith.constant 0 : i32
      %dma_start3A_2110 = arith.constant 3 : i32
      %dma_start3A_2111 = arith.constant 0 : i32
      %dma_start3A_2112 = arith.constant 0 : i32
      %dma_start3A_2113 = arith.constant 0 : i32
      %dma_start3A_2114 = tpu.memref_slice %arg10[%dma_start3A_2109, %dma_start3A_2110, %dma_start3A_2111, %dma_start3A_2112, %dma_start3A_2113] : memref<2x4x4x8x128xf32, #tpu.memory_space<vmem>> -> memref<1x1x4x8x128xf32, #tpu.memory_space<vmem>>
      %dma_start3A_2115 = tpu.memref_squeeze %dma_start3A_2114 : memref<1x1x4x8x128xf32, #tpu.memory_space<vmem>> -> memref<4x8x128xf32, #tpu.memory_space<vmem>>
      %dma_start3A_2116 = arith.constant 0 : i32
      %dma_start3A_2117 = arith.constant 0 : i32
      %dma_start3A_2118 = tpu.memref_slice %arg4[%dma_start3A_2116, %dma_start3A_2117, %mul3A_2104] : memref<4x8x1000000xf32, #tpu.memory_space<hbm>> -> memref<4x8x128xf32, #tpu.memory_space<hbm>>
      %dma_start3A_2119 = arith.constant 0 : i32
      %dma_start3A_2120 = arith.constant 0 : i32
      %dma_start3A_2121 = arith.constant 0 : i32
      %dma_start3A_2122 = tpu.memref_slice %arg10[%dma_start3A_2109, %dma_start3A_2110, %dma_start3A_2119, %dma_start3A_2120, %dma_start3A_2121] : memref<2x4x4x8x128xf32, #tpu.memory_space<vmem>> -> memref<1x1x4x8x128xf32, #tpu.memory_space<vmem>>
      %dma_start3A_2123 = tpu.memref_squeeze %dma_start3A_2122 : memref<1x1x4x8x128xf32, #tpu.memory_space<vmem>> -> memref<4x8x128xf32, #tpu.memory_space<vmem>>
      %dma_start3A_2124 = arith.constant 0 : i32
      %dma_start3A_2125 = arith.constant 0 : i32
      %dma_start3A_2126 = tpu.memref_slice %arg4[%dma_start3A_2124, %dma_start3A_2125, %mul3A_2104] : memref<4x8x1000000xf32, #tpu.memory_space<hbm>> -> memref<4x8x128xf32, #tpu.memory_space<hbm>>
      tpu.enqueue_dma source(%dma_start3A_2126 : memref<4x8x128xf32, #tpu.memory_space<hbm>>) target(%dma_start3A_2123 : memref<4x8x128xf32, #tpu.memory_space<vmem>>) target_semaphore(%arg15 : memref<!tpu.dma_semaphore, #tpu.memory_space<semaphore_mem>>)
      %dma_start3A_2127 = arith.constant 0 : i32
      %dma_start3A_2128 = arith.constant 3 : i32
      %dma_start3A_2129 = arith.constant 0 : i32
      %dma_start3A_2130 = arith.constant 0 : i32
      %dma_start3A_2131 = arith.constant 0 : i32
      %dma_start3A_2132 = tpu.memref_slice %arg11[%dma_start3A_2127, %dma_start3A_2128, %dma_start3A_2129, %dma_start3A_2130, %dma_start3A_2131] : memref<2x4x4x8x128xf32, #tpu.memory_space<vmem>> -> memref<1x1x4x8x128xf32, #tpu.memory_space<vmem>>
      %dma_start3A_2133 = tpu.memref_squeeze %dma_start3A_2132 : memref<1x1x4x8x128xf32, #tpu.memory_space<vmem>> -> memref<4x8x128xf32, #tpu.memory_space<vmem>>
      %dma_start3A_2134 = arith.constant 0 : i32
      %dma_start3A_2135 = arith.constant 0 : i32
      %dma_start3A_2136 = tpu.memref_slice %arg5[%dma_start3A_2134, %dma_start3A_2135, %mul3A_2108] : memref<4x8x1000000xf32, #tpu.memory_space<hbm>> -> memref<4x8x128xf32, #tpu.memory_space<hbm>>
      %dma_start3A_2137 = arith.constant 0 : i32
      %dma_start3A_2138 = arith.constant 0 : i32
      %dma_start3A_2139 = arith.constant 0 : i32
      %dma_start3A_2140 = tpu.memref_slice %arg11[%dma_start3A_2127, %dma_start3A_2128, %dma_start3A_2137, %dma_start3A_2138, %dma_start3A_2139] : memref<2x4x4x8x128xf32, #tpu.memory_space<vmem>> -> memref<1x1x4x8x128xf32, #tpu.memory_space<vmem>>
      %dma_start3A_2141 = tpu.memref_squeeze %dma_start3A_2140 : memref<1x1x4x8x128xf32, #tpu.memory_space<vmem>> -> memref<4x8x128xf32, #tpu.memory_space<vmem>>
      %dma_start3A_2142 = arith.constant 0 : i32
      %dma_start3A_2143 = arith.constant 0 : i32
      %dma_start3A_2144 = tpu.memref_slice %arg5[%dma_start3A_2142, %dma_start3A_2143, %mul3A_2108] : memref<4x8x1000000xf32, #tpu.memory_space<hbm>> -> memref<4x8x128xf32, #tpu.memory_space<hbm>>
      tpu.enqueue_dma source(%dma_start3A_2144 : memref<4x8x128xf32, #tpu.memory_space<hbm>>) target(%dma_start3A_2141 : memref<4x8x128xf32, #tpu.memory_space<vmem>>) target_semaphore(%arg15 : memref<!tpu.dma_semaphore, #tpu.memory_space<semaphore_mem>>)
      %slice3A_2145 = vector.extract_strided_slice %get3A_376 {offsets = [12], sizes = [1], strides = [1]} : vector<16xi32> to vector<1xi32>
      %squeeze3A_2146 = vector.extract %slice3A_2145[0] : i32 from vector<1xi32>
      %slice3A_2147 = vector.extract_strided_slice %get3A_380 {offsets = [12], sizes = [1], strides = [1]} : vector<16xi32> to vector<1xi32>
      %squeeze3A_2148 = vector.extract %slice3A_2147[0] : i32 from vector<1xi32>
      %and3A_2149 = arith.constant 127 : i32
      %and3A_2150 = arith.andi %squeeze3A_2146, %and3A_2149 : i32
      %broadcast_in_dim3A_2151 = vector.broadcast %and3A_2150 : i32 to vector<16xi32>
      %and3A_2152 = arith.constant 127 : i32
      %and3A_2153 = arith.andi %squeeze3A_2148, %and3A_2152 : i32
      %broadcast_in_dim3A_2154 = vector.broadcast %and3A_2153 : i32 to vector<16xi32>
      %broadcast_in_dim3A_2155 = arith.constant 1 : i32
      %broadcast_in_dim3A_2156 = vector.broadcast %broadcast_in_dim3A_2155 : i32 to vector<16xi32>
      %broadcast_in_dim3A_2157 = arith.constant 0 : i32
      %broadcast_in_dim3A_2158 = vector.broadcast %broadcast_in_dim3A_2157 : i32 to vector<16xi32>
      %gather3A_2159 = tpu.vector_load_idx %arg10[%broadcast_in_dim3A_2156, %broadcast_in_dim3A_2158, %shift_right_arithmetic3A_9, %and3A_14, %broadcast_in_dim3A_2151] : memref<2x4x4x8x128xf32, #tpu.memory_space<vmem>>[vector<16xi32>, vector<16xi32>, vector<16xi32>, vector<16xi32>, vector<16xi32>], vector<16xf32>,
      %gather3A_2160 = tpu.vector_load_idx %arg10[%broadcast_in_dim3A_2156, %broadcast_in_dim3A_2158, %add3A_12, %and3A_14, %broadcast_in_dim3A_2151] : memref<2x4x4x8x128xf32, #tpu.memory_space<vmem>>[vector<16xi32>, vector<16xi32>, vector<16xi32>, vector<16xi32>, vector<16xi32>], vector<16xf32>,
      %gather3A_2161 = tpu.vector_load_idx %arg11[%broadcast_in_dim3A_2156, %broadcast_in_dim3A_2158, %shift_right_arithmetic3A_9, %and3A_14, %broadcast_in_dim3A_2154] : memref<2x4x4x8x128xf32, #tpu.memory_space<vmem>>[vector<16xi32>, vector<16xi32>, vector<16xi32>, vector<16xi32>, vector<16xi32>], vector<16xf32>,
      %gather3A_2162 = tpu.vector_load_idx %arg11[%broadcast_in_dim3A_2156, %broadcast_in_dim3A_2158, %add3A_12, %and3A_14, %broadcast_in_dim3A_2154] : memref<2x4x4x8x128xf32, #tpu.memory_space<vmem>>[vector<16xi32>, vector<16xi32>, vector<16xi32>, vector<16xi32>, vector<16xi32>], vector<16xf32>,
      %mul3A_2163 = arith.mulf %gather3A_2159, %gather3A_2161 : vector<16xf32>
      %mul3A_2164 = arith.mulf %mul3A_2163, %get3A_3 : vector<16xf32>
      %mul3A_2165 = arith.mulf %gather3A_2160, %gather3A_2162 : vector<16xf32>
      %mul3A_2166 = arith.mulf %mul3A_2165, %get3A_5 : vector<16xf32>
      %add3A_2167 = arith.addf %mul3A_2164, %mul3A_2166 : vector<16xf32>
      %swap3A_2168 = arith.constant 192 : index
      %swap3A_2169 = tpu.vector_load %arg12[%swap3A_2168] {strides = array<i32>} : memref<256xf32, #tpu.memory_space<vmem>>, vector<16xf32>,
      tpu.vector_store %arg12[%swap3A_2168], %add3A_2167 {strides = array<i32>} : memref<256xf32, #tpu.memory_space<vmem>>, vector<16xf32>,
      %slice3A_2170 = vector.extract_strided_slice %get3A_376 {offsets = [13], sizes = [1], strides = [1]} : vector<16xi32> to vector<1xi32>
      %squeeze3A_2171 = vector.extract %slice3A_2170[0] : i32 from vector<1xi32>
      %slice3A_2172 = vector.extract_strided_slice %get3A_380 {offsets = [13], sizes = [1], strides = [1]} : vector<16xi32> to vector<1xi32>
      %squeeze3A_2173 = vector.extract %slice3A_2172[0] : i32 from vector<1xi32>
      %and3A_2174 = arith.constant 127 : i32
      %and3A_2175 = arith.andi %squeeze3A_2171, %and3A_2174 : i32
      %broadcast_in_dim3A_2176 = vector.broadcast %and3A_2175 : i32 to vector<16xi32>
      %and3A_2177 = arith.constant 127 : i32
      %and3A_2178 = arith.andi %squeeze3A_2173, %and3A_2177 : i32
      %broadcast_in_dim3A_2179 = vector.broadcast %and3A_2178 : i32 to vector<16xi32>
      %broadcast_in_dim3A_2180 = arith.constant 1 : i32
      %broadcast_in_dim3A_2181 = vector.broadcast %broadcast_in_dim3A_2180 : i32 to vector<16xi32>
      %broadcast_in_dim3A_2182 = arith.constant 1 : i32
      %broadcast_in_dim3A_2183 = vector.broadcast %broadcast_in_dim3A_2182 : i32 to vector<16xi32>
      %gather3A_2184 = tpu.vector_load_idx %arg10[%broadcast_in_dim3A_2181, %broadcast_in_dim3A_2183, %shift_right_arithmetic3A_9, %and3A_14, %broadcast_in_dim3A_2176] : memref<2x4x4x8x128xf32, #tpu.memory_space<vmem>>[vector<16xi32>, vector<16xi32>, vector<16xi32>, vector<16xi32>, vector<16xi32>], vector<16xf32>,
      %gather3A_2185 = tpu.vector_load_idx %arg10[%broadcast_in_dim3A_2181, %broadcast_in_dim3A_2183, %add3A_12, %and3A_14, %broadcast_in_dim3A_2176] : memref<2x4x4x8x128xf32, #tpu.memory_space<vmem>>[vector<16xi32>, vector<16xi32>, vector<16xi32>, vector<16xi32>, vector<16xi32>], vector<16xf32>,
      %gather3A_2186 = tpu.vector_load_idx %arg11[%broadcast_in_dim3A_2181, %broadcast_in_dim3A_2183, %shift_right_arithmetic3A_9, %and3A_14, %broadcast_in_dim3A_2179] : memref<2x4x4x8x128xf32, #tpu.memory_space<vmem>>[vector<16xi32>, vector<16xi32>, vector<16xi32>, vector<16xi32>, vector<16xi32>], vector<16xf32>,
      %gather3A_2187 = tpu.vector_load_idx %arg11[%broadcast_in_dim3A_2181, %broadcast_in_dim3A_2183, %add3A_12, %and3A_14, %broadcast_in_dim3A_2179] : memref<2x4x4x8x128xf32, #tpu.memory_space<vmem>>[vector<16xi32>, vector<16xi32>, vector<16xi32>, vector<16xi32>, vector<16xi32>], vector<16xf32>,
      %mul3A_2188 = arith.mulf %gather3A_2184, %gather3A_2186 : vector<16xf32>
      %mul3A_2189 = arith.mulf %mul3A_2188, %get3A_3 : vector<16xf32>
      %mul3A_2190 = arith.mulf %gather3A_2185, %gather3A_2187 : vector<16xf32>
      %mul3A_2191 = arith.mulf %mul3A_2190, %get3A_5 : vector<16xf32>
      %add3A_2192 = arith.addf %mul3A_2189, %mul3A_2191 : vector<16xf32>
      %swap3A_2193 = arith.constant 208 : index
      %swap3A_2194 = tpu.vector_load %arg12[%swap3A_2193] {strides = array<i32>} : memref<256xf32, #tpu.memory_space<vmem>>, vector<16xf32>,
      tpu.vector_store %arg12[%swap3A_2193], %add3A_2192 {strides = array<i32>} : memref<256xf32, #tpu.memory_space<vmem>>, vector<16xf32>,
      %slice3A_2195 = vector.extract_strided_slice %get3A_376 {offsets = [14], sizes = [1], strides = [1]} : vector<16xi32> to vector<1xi32>
      %squeeze3A_2196 = vector.extract %slice3A_2195[0] : i32 from vector<1xi32>
      %slice3A_2197 = vector.extract_strided_slice %get3A_380 {offsets = [14], sizes = [1], strides = [1]} : vector<16xi32> to vector<1xi32>
      %squeeze3A_2198 = vector.extract %slice3A_2197[0] : i32 from vector<1xi32>
      %and3A_2199 = arith.constant 127 : i32
      %and3A_2200 = arith.andi %squeeze3A_2196, %and3A_2199 : i32
      %broadcast_in_dim3A_2201 = vector.broadcast %and3A_2200 : i32 to vector<16xi32>
      %and3A_2202 = arith.constant 127 : i32
      %and3A_2203 = arith.andi %squeeze3A_2198, %and3A_2202 : i32
      %broadcast_in_dim3A_2204 = vector.broadcast %and3A_2203 : i32 to vector<16xi32>
      %broadcast_in_dim3A_2205 = arith.constant 1 : i32
      %broadcast_in_dim3A_2206 = vector.broadcast %broadcast_in_dim3A_2205 : i32 to vector<16xi32>
      %broadcast_in_dim3A_2207 = arith.constant 2 : i32
      %broadcast_in_dim3A_2208 = vector.broadcast %broadcast_in_dim3A_2207 : i32 to vector<16xi32>
      %gather3A_2209 = tpu.vector_load_idx %arg10[%broadcast_in_dim3A_2206, %broadcast_in_dim3A_2208, %shift_right_arithmetic3A_9, %and3A_14, %broadcast_in_dim3A_2201] : memref<2x4x4x8x128xf32, #tpu.memory_space<vmem>>[vector<16xi32>, vector<16xi32>, vector<16xi32>, vector<16xi32>, vector<16xi32>], vector<16xf32>,
      %gather3A_2210 = tpu.vector_load_idx %arg10[%broadcast_in_dim3A_2206, %broadcast_in_dim3A_2208, %add3A_12, %and3A_14, %broadcast_in_dim3A_2201] : memref<2x4x4x8x128xf32, #tpu.memory_space<vmem>>[vector<16xi32>, vector<16xi32>, vector<16xi32>, vector<16xi32>, vector<16xi32>], vector<16xf32>,
      %gather3A_2211 = tpu.vector_load_idx %arg11[%broadcast_in_dim3A_2206, %broadcast_in_dim3A_2208, %shift_right_arithmetic3A_9, %and3A_14, %broadcast_in_dim3A_2204] : memref<2x4x4x8x128xf32, #tpu.memory_space<vmem>>[vector<16xi32>, vector<16xi32>, vector<16xi32>, vector<16xi32>, vector<16xi32>], vector<16xf32>,
      %gather3A_2212 = tpu.vector_load_idx %arg11[%broadcast_in_dim3A_2206, %broadcast_in_dim3A_2208, %add3A_12, %and3A_14, %broadcast_in_dim3A_2204] : memref<2x4x4x8x128xf32, #tpu.memory_space<vmem>>[vector<16xi32>, vector<16xi32>, vector<16xi32>, vector<16xi32>, vector<16xi32>], vector<16xf32>,
      %mul3A_2213 = arith.mulf %gather3A_2209, %gather3A_2211 : vector<16xf32>
      %mul3A_2214 = arith.mulf %mul3A_2213, %get3A_3 : vector<16xf32>
      %mul3A_2215 = arith.mulf %gather3A_2210, %gather3A_2212 : vector<16xf32>
      %mul3A_2216 = arith.mulf %mul3A_2215, %get3A_5 : vector<16xf32>
      %add3A_2217 = arith.addf %mul3A_2214, %mul3A_2216 : vector<16xf32>
      %swap3A_2218 = arith.constant 224 : index
      %swap3A_2219 = tpu.vector_load %arg12[%swap3A_2218] {strides = array<i32>} : memref<256xf32, #tpu.memory_space<vmem>>, vector<16xf32>,
      tpu.vector_store %arg12[%swap3A_2218], %add3A_2217 {strides = array<i32>} : memref<256xf32, #tpu.memory_space<vmem>>, vector<16xf32>,
      %slice3A_2220 = vector.extract_strided_slice %get3A_376 {offsets = [15], sizes = [1], strides = [1]} : vector<16xi32> to vector<1xi32>
      %squeeze3A_2221 = vector.extract %slice3A_2220[0] : i32 from vector<1xi32>
      %slice3A_2222 = vector.extract_strided_slice %get3A_380 {offsets = [15], sizes = [1], strides = [1]} : vector<16xi32> to vector<1xi32>
      %squeeze3A_2223 = vector.extract %slice3A_2222[0] : i32 from vector<1xi32>
      %and3A_2224 = arith.constant 127 : i32
      %and3A_2225 = arith.andi %squeeze3A_2221, %and3A_2224 : i32
      %broadcast_in_dim3A_2226 = vector.broadcast %and3A_2225 : i32 to vector<16xi32>
      %and3A_2227 = arith.constant 127 : i32
      %and3A_2228 = arith.andi %squeeze3A_2223, %and3A_2227 : i32
      %broadcast_in_dim3A_2229 = vector.broadcast %and3A_2228 : i32 to vector<16xi32>
      %broadcast_in_dim3A_2230 = arith.constant 1 : i32
      %broadcast_in_dim3A_2231 = vector.broadcast %broadcast_in_dim3A_2230 : i32 to vector<16xi32>
      %broadcast_in_dim3A_2232 = arith.constant 3 : i32
      %broadcast_in_dim3A_2233 = vector.broadcast %broadcast_in_dim3A_2232 : i32 to vector<16xi32>
      %gather3A_2234 = tpu.vector_load_idx %arg10[%broadcast_in_dim3A_2231, %broadcast_in_dim3A_2233, %shift_right_arithmetic3A_9, %and3A_14, %broadcast_in_dim3A_2226] : memref<2x4x4x8x128xf32, #tpu.memory_space<vmem>>[vector<16xi32>, vector<16xi32>, vector<16xi32>, vector<16xi32>, vector<16xi32>], vector<16xf32>,
      %gather3A_2235 = tpu.vector_load_idx %arg10[%broadcast_in_dim3A_2231, %broadcast_in_dim3A_2233, %add3A_12, %and3A_14, %broadcast_in_dim3A_2226] : memref<2x4x4x8x128xf32, #tpu.memory_space<vmem>>[vector<16xi32>, vector<16xi32>, vector<16xi32>, vector<16xi32>, vector<16xi32>], vector<16xf32>,
      %gather3A_2236 = tpu.vector_load_idx %arg11[%broadcast_in_dim3A_2231, %broadcast_in_dim3A_2233, %shift_right_arithmetic3A_9, %and3A_14, %broadcast_in_dim3A_2229] : memref<2x4x4x8x128xf32, #tpu.memory_space<vmem>>[vector<16xi32>, vector<16xi32>, vector<16xi32>, vector<16xi32>, vector<16xi32>], vector<16xf32>,
      %gather3A_2237 = tpu.vector_load_idx %arg11[%broadcast_in_dim3A_2231, %broadcast_in_dim3A_2233, %add3A_12, %and3A_14, %broadcast_in_dim3A_2229] : memref<2x4x4x8x128xf32, #tpu.memory_space<vmem>>[vector<16xi32>, vector<16xi32>, vector<16xi32>, vector<16xi32>, vector<16xi32>], vector<16xf32>,
      %mul3A_2238 = arith.mulf %gather3A_2234, %gather3A_2236 : vector<16xf32>
      %mul3A_2239 = arith.mulf %mul3A_2238, %get3A_3 : vector<16xf32>
      %mul3A_2240 = arith.mulf %gather3A_2235, %gather3A_2237 : vector<16xf32>
      %mul3A_2241 = arith.mulf %mul3A_2240, %get3A_5 : vector<16xf32>
      %add3A_2242 = arith.addf %mul3A_2239, %mul3A_2241 : vector<16xf32>
      %swap3A_2243 = arith.constant 240 : index
      %swap3A_2244 = tpu.vector_load %arg12[%swap3A_2243] {strides = array<i32>} : memref<256xf32, #tpu.memory_space<vmem>>, vector<16xf32>,
      tpu.vector_store %arg12[%swap3A_2243], %add3A_2242 {strides = array<i32>} : memref<256xf32, #tpu.memory_space<vmem>>, vector<16xf32>,
      %mul3A_2245 = arith.constant 16 : i32
      %mul3A_2246 = vector.broadcast %mul3A_2245 : i32 to vector<16xi32>
      %mul3A_2247 = arith.muli %iota3A, %mul3A_2246 : vector<16xi32>
      %add3A_2248 = arith.constant 0 : i32
      %add3A_2249 = vector.broadcast %add3A_2248 : i32 to vector<16xi32>
      %add3A_2250 = arith.addi %mul3A_2247, %add3A_2249 : vector<16xi32>
      %gather3A_2251 = tpu.vector_load_idx %arg12[%add3A_2250] : memref<256xf32, #tpu.memory_space<vmem>>[vector<16xi32>], vector<16xf32>,
      %add3A_2252 = arith.addf %get3A_7, %gather3A_2251 : vector<16xf32>
      %mul3A_2253 = arith.constant 16 : i32
      %mul3A_2254 = vector.broadcast %mul3A_2253 : i32 to vector<16xi32>
      %mul3A_2255 = arith.muli %iota3A, %mul3A_2254 : vector<16xi32>
      %add3A_2256 = arith.constant 1 : i32
      %add3A_2257 = vector.broadcast %add3A_2256 : i32 to vector<16xi32>
      %add3A_2258 = arith.addi %mul3A_2255, %add3A_2257 : vector<16xi32>
      %gather3A_2259 = tpu.vector_load_idx %arg12[%add3A_2258] : memref<256xf32, #tpu.memory_space<vmem>>[vector<16xi32>], vector<16xf32>,
      %add3A_2260 = arith.addf %add3A_2252, %gather3A_2259 : vector<16xf32>
      %mul3A_2261 = arith.constant 16 : i32
      %mul3A_2262 = vector.broadcast %mul3A_2261 : i32 to vector<16xi32>
      %mul3A_2263 = arith.muli %iota3A, %mul3A_2262 : vector<16xi32>
      %add3A_2264 = arith.constant 2 : i32
      %add3A_2265 = vector.broadcast %add3A_2264 : i32 to vector<16xi32>
      %add3A_2266 = arith.addi %mul3A_2263, %add3A_2265 : vector<16xi32>
      %gather3A_2267 = tpu.vector_load_idx %arg12[%add3A_2266] : memref<256xf32, #tpu.memory_space<vmem>>[vector<16xi32>], vector<16xf32>,
      %add3A_2268 = arith.addf %add3A_2260, %gather3A_2267 : vector<16xf32>
      %mul3A_2269 = arith.constant 16 : i32
      %mul3A_2270 = vector.broadcast %mul3A_2269 : i32 to vector<16xi32>
      %mul3A_2271 = arith.muli %iota3A, %mul3A_2270 : vector<16xi32>
      %add3A_2272 = arith.constant 3 : i32
      %add3A_2273 = vector.broadcast %add3A_2272 : i32 to vector<16xi32>
      %add3A_2274 = arith.addi %mul3A_2271, %add3A_2273 : vector<16xi32>
      %gather3A_2275 = tpu.vector_load_idx %arg12[%add3A_2274] : memref<256xf32, #tpu.memory_space<vmem>>[vector<16xi32>], vector<16xf32>,
      %add3A_2276 = arith.addf %add3A_2268, %gather3A_2275 : vector<16xf32>
      %mul3A_2277 = arith.constant 16 : i32
      %mul3A_2278 = vector.broadcast %mul3A_2277 : i32 to vector<16xi32>
      %mul3A_2279 = arith.muli %iota3A, %mul3A_2278 : vector<16xi32>
      %add3A_2280 = arith.constant 4 : i32
      %add3A_2281 = vector.broadcast %add3A_2280 : i32 to vector<16xi32>
      %add3A_2282 = arith.addi %mul3A_2279, %add3A_2281 : vector<16xi32>
      %gather3A_2283 = tpu.vector_load_idx %arg12[%add3A_2282] : memref<256xf32, #tpu.memory_space<vmem>>[vector<16xi32>], vector<16xf32>,
      %add3A_2284 = arith.addf %add3A_2276, %gather3A_2283 : vector<16xf32>
      %mul3A_2285 = arith.constant 16 : i32
      %mul3A_2286 = vector.broadcast %mul3A_2285 : i32 to vector<16xi32>
      %mul3A_2287 = arith.muli %iota3A, %mul3A_2286 : vector<16xi32>
      %add3A_2288 = arith.constant 5 : i32
      %add3A_2289 = vector.broadcast %add3A_2288 : i32 to vector<16xi32>
      %add3A_2290 = arith.addi %mul3A_2287, %add3A_2289 : vector<16xi32>
      %gather3A_2291 = tpu.vector_load_idx %arg12[%add3A_2290] : memref<256xf32, #tpu.memory_space<vmem>>[vector<16xi32>], vector<16xf32>,
      %add3A_2292 = arith.addf %add3A_2284, %gather3A_2291 : vector<16xf32>
      %mul3A_2293 = arith.constant 16 : i32
      %mul3A_2294 = vector.broadcast %mul3A_2293 : i32 to vector<16xi32>
      %mul3A_2295 = arith.muli %iota3A, %mul3A_2294 : vector<16xi32>
      %add3A_2296 = arith.constant 6 : i32
      %add3A_2297 = vector.broadcast %add3A_2296 : i32 to vector<16xi32>
      %add3A_2298 = arith.addi %mul3A_2295, %add3A_2297 : vector<16xi32>
      %gather3A_2299 = tpu.vector_load_idx %arg12[%add3A_2298] : memref<256xf32, #tpu.memory_space<vmem>>[vector<16xi32>], vector<16xf32>,
      %add3A_2300 = arith.addf %add3A_2292, %gather3A_2299 : vector<16xf32>
      %mul3A_2301 = arith.constant 16 : i32
      %mul3A_2302 = vector.broadcast %mul3A_2301 : i32 to vector<16xi32>
      %mul3A_2303 = arith.muli %iota3A, %mul3A_2302 : vector<16xi32>
      %add3A_2304 = arith.constant 7 : i32
      %add3A_2305 = vector.broadcast %add3A_2304 : i32 to vector<16xi32>
      %add3A_2306 = arith.addi %mul3A_2303, %add3A_2305 : vector<16xi32>
      %gather3A_2307 = tpu.vector_load_idx %arg12[%add3A_2306] : memref<256xf32, #tpu.memory_space<vmem>>[vector<16xi32>], vector<16xf32>,
      %add3A_2308 = arith.addf %add3A_2300, %gather3A_2307 : vector<16xf32>
      %mul3A_2309 = arith.constant 16 : i32
      %mul3A_2310 = vector.broadcast %mul3A_2309 : i32 to vector<16xi32>
      %mul3A_2311 = arith.muli %iota3A, %mul3A_2310 : vector<16xi32>
      %add3A_2312 = arith.constant 8 : i32
      %add3A_2313 = vector.broadcast %add3A_2312 : i32 to vector<16xi32>
      %add3A_2314 = arith.addi %mul3A_2311, %add3A_2313 : vector<16xi32>
      %gather3A_2315 = tpu.vector_load_idx %arg12[%add3A_2314] : memref<256xf32, #tpu.memory_space<vmem>>[vector<16xi32>], vector<16xf32>,
      %add3A_2316 = arith.addf %add3A_2308, %gather3A_2315 : vector<16xf32>
      %mul3A_2317 = arith.constant 16 : i32
      %mul3A_2318 = vector.broadcast %mul3A_2317 : i32 to vector<16xi32>
      %mul3A_2319 = arith.muli %iota3A, %mul3A_2318 : vector<16xi32>
      %add3A_2320 = arith.constant 9 : i32
      %add3A_2321 = vector.broadcast %add3A_2320 : i32 to vector<16xi32>
      %add3A_2322 = arith.addi %mul3A_2319, %add3A_2321 : vector<16xi32>
      %gather3A_2323 = tpu.vector_load_idx %arg12[%add3A_2322] : memref<256xf32, #tpu.memory_space<vmem>>[vector<16xi32>], vector<16xf32>,
      %add3A_2324 = arith.addf %add3A_2316, %gather3A_2323 : vector<16xf32>
      %mul3A_2325 = arith.constant 16 : i32
      %mul3A_2326 = vector.broadcast %mul3A_2325 : i32 to vector<16xi32>
      %mul3A_2327 = arith.muli %iota3A, %mul3A_2326 : vector<16xi32>
      %add3A_2328 = arith.constant 10 : i32
      %add3A_2329 = vector.broadcast %add3A_2328 : i32 to vector<16xi32>
      %add3A_2330 = arith.addi %mul3A_2327, %add3A_2329 : vector<16xi32>
      %gather3A_2331 = tpu.vector_load_idx %arg12[%add3A_2330] : memref<256xf32, #tpu.memory_space<vmem>>[vector<16xi32>], vector<16xf32>,
      %add3A_2332 = arith.addf %add3A_2324, %gather3A_2331 : vector<16xf32>
      %mul3A_2333 = arith.constant 16 : i32
      %mul3A_2334 = vector.broadcast %mul3A_2333 : i32 to vector<16xi32>
      %mul3A_2335 = arith.muli %iota3A, %mul3A_2334 : vector<16xi32>
      %add3A_2336 = arith.constant 11 : i32
      %add3A_2337 = vector.broadcast %add3A_2336 : i32 to vector<16xi32>
      %add3A_2338 = arith.addi %mul3A_2335, %add3A_2337 : vector<16xi32>
      %gather3A_2339 = tpu.vector_load_idx %arg12[%add3A_2338] : memref<256xf32, #tpu.memory_space<vmem>>[vector<16xi32>], vector<16xf32>,
      %add3A_2340 = arith.addf %add3A_2332, %gather3A_2339 : vector<16xf32>
      %mul3A_2341 = arith.constant 16 : i32
      %mul3A_2342 = vector.broadcast %mul3A_2341 : i32 to vector<16xi32>
      %mul3A_2343 = arith.muli %iota3A, %mul3A_2342 : vector<16xi32>
      %add3A_2344 = arith.constant 12 : i32
      %add3A_2345 = vector.broadcast %add3A_2344 : i32 to vector<16xi32>
      %add3A_2346 = arith.addi %mul3A_2343, %add3A_2345 : vector<16xi32>
      %gather3A_2347 = tpu.vector_load_idx %arg12[%add3A_2346] : memref<256xf32, #tpu.memory_space<vmem>>[vector<16xi32>], vector<16xf32>,
      %add3A_2348 = arith.addf %add3A_2340, %gather3A_2347 : vector<16xf32>
      %mul3A_2349 = arith.constant 16 : i32
      %mul3A_2350 = vector.broadcast %mul3A_2349 : i32 to vector<16xi32>
      %mul3A_2351 = arith.muli %iota3A, %mul3A_2350 : vector<16xi32>
      %add3A_2352 = arith.constant 13 : i32
      %add3A_2353 = vector.broadcast %add3A_2352 : i32 to vector<16xi32>
      %add3A_2354 = arith.addi %mul3A_2351, %add3A_2353 : vector<16xi32>
      %gather3A_2355 = tpu.vector_load_idx %arg12[%add3A_2354] : memref<256xf32, #tpu.memory_space<vmem>>[vector<16xi32>], vector<16xf32>,
      %add3A_2356 = arith.addf %add3A_2348, %gather3A_2355 : vector<16xf32>
      %mul3A_2357 = arith.constant 16 : i32
      %mul3A_2358 = vector.broadcast %mul3A_2357 : i32 to vector<16xi32>
      %mul3A_2359 = arith.muli %iota3A, %mul3A_2358 : vector<16xi32>
      %add3A_2360 = arith.constant 14 : i32
      %add3A_2361 = vector.broadcast %add3A_2360 : i32 to vector<16xi32>
      %add3A_2362 = arith.addi %mul3A_2359, %add3A_2361 : vector<16xi32>
      %gather3A_2363 = tpu.vector_load_idx %arg12[%add3A_2362] : memref<256xf32, #tpu.memory_space<vmem>>[vector<16xi32>], vector<16xf32>,
      %add3A_2364 = arith.addf %add3A_2356, %gather3A_2363 : vector<16xf32>
      %mul3A_2365 = arith.constant 16 : i32
      %mul3A_2366 = vector.broadcast %mul3A_2365 : i32 to vector<16xi32>
      %mul3A_2367 = arith.muli %iota3A, %mul3A_2366 : vector<16xi32>
      %add3A_2368 = arith.constant 15 : i32
      %add3A_2369 = vector.broadcast %add3A_2368 : i32 to vector<16xi32>
      %add3A_2370 = arith.addi %mul3A_2367, %add3A_2369 : vector<16xi32>
      %gather3A_2371 = tpu.vector_load_idx %arg12[%add3A_2370] : memref<256xf32, #tpu.memory_space<vmem>>[vector<16xi32>], vector<16xf32>,
      %add3A_2372 = arith.addf %add3A_2364, %gather3A_2371 : vector<16xf32>
      %mul3A_2373 = arith.constant 16 : i32
      %mul3A_2374 = arith.muli %scan3A_372, %mul3A_2373 : i32
      %swap3A_2375 = arith.index_cast %mul3A_2374 : i32 to index
      %swap3A_2376 = tpu.vector_load %arg13[%swap3A_2375] {strides = array<i32>} : memref<512xf32, #tpu.memory_space<vmem>>, vector<16xf32>,
      tpu.vector_store %arg13[%swap3A_2375], %add3A_2372 {strides = array<i32>} : memref<512xf32, #tpu.memory_space<vmem>>, vector<16xf32>,
    }
    %scan3A_212 = arith.constant 32 : i32
    %dma_wait3A = arith.constant 0 : i32
    %dma_wait3A_213 = arith.constant 0 : i32
    %dma_wait3A_214 = arith.constant 0 : i32
    %dma_wait3A_215 = arith.constant 0 : i32
    %dma_wait3A_216 = arith.constant 0 : i32
    %dma_wait3A_217 = tpu.memref_slice %arg10[%dma_wait3A, %dma_wait3A_213, %dma_wait3A_214, %dma_wait3A_215, %dma_wait3A_216] : memref<2x4x4x8x128xf32, #tpu.memory_space<vmem>> -> memref<1x1x4x8x128xf32, #tpu.memory_space<vmem>>
    %dma_wait3A_218 = tpu.memref_squeeze %dma_wait3A_217 : memref<1x1x4x8x128xf32, #tpu.memory_space<vmem>> -> memref<4x8x128xf32, #tpu.memory_space<vmem>>
    %dma_wait3A_219 = arith.constant 0 : i32
    %dma_wait3A_220 = arith.constant 0 : i32
    %dma_wait3A_221 = arith.constant 0 : i32
    %dma_wait3A_222 = tpu.memref_slice %arg4[%dma_wait3A_219, %dma_wait3A_220, %dma_wait3A_221] : memref<4x8x1000000xf32, #tpu.memory_space<hbm>> -> memref<4x8x128xf32, #tpu.memory_space<hbm>>
    %dma_wait3A_223 = arith.constant 0 : i32
    %dma_wait3A_224 = arith.constant 0 : i32
    %dma_wait3A_225 = arith.constant 0 : i32
    %dma_wait3A_226 = tpu.memref_slice %arg10[%dma_wait3A, %dma_wait3A_213, %dma_wait3A_223, %dma_wait3A_224, %dma_wait3A_225] : memref<2x4x4x8x128xf32, #tpu.memory_space<vmem>> -> memref<1x1x4x8x128xf32, #tpu.memory_space<vmem>>
    %dma_wait3A_227 = tpu.memref_squeeze %dma_wait3A_226 : memref<1x1x4x8x128xf32, #tpu.memory_space<vmem>> -> memref<4x8x128xf32, #tpu.memory_space<vmem>>
    %dma_wait3A_228 = arith.constant 0 : i32
    %dma_wait3A_229 = arith.constant 0 : i32
    %dma_wait3A_230 = arith.constant 0 : i32
    %dma_wait3A_231 = tpu.memref_slice %arg4[%dma_wait3A_228, %dma_wait3A_229, %dma_wait3A_230] : memref<4x8x1000000xf32, #tpu.memory_space<hbm>> -> memref<4x8x128xf32, #tpu.memory_space<hbm>>
    tpu.wait_dma2 semaphore(%arg15 : memref<!tpu.dma_semaphore, #tpu.memory_space<semaphore_mem>>) src(%dma_wait3A_231 : memref<4x8x128xf32, #tpu.memory_space<hbm>>) dst(%dma_wait3A_227 : memref<4x8x128xf32, #tpu.memory_space<vmem>>)
    %dma_wait3A_232 = arith.constant 0 : i32
    %dma_wait3A_233 = arith.constant 0 : i32
    %dma_wait3A_234 = arith.constant 0 : i32
    %dma_wait3A_235 = arith.constant 0 : i32
    %dma_wait3A_236 = arith.constant 0 : i32
    %dma_wait3A_237 = tpu.memref_slice %arg11[%dma_wait3A_232, %dma_wait3A_233, %dma_wait3A_234, %dma_wait3A_235, %dma_wait3A_236] : memref<2x4x4x8x128xf32, #tpu.memory_space<vmem>> -> memref<1x1x4x8x128xf32, #tpu.memory_space<vmem>>
    %dma_wait3A_238 = tpu.memref_squeeze %dma_wait3A_237 : memref<1x1x4x8x128xf32, #tpu.memory_space<vmem>> -> memref<4x8x128xf32, #tpu.memory_space<vmem>>
    %dma_wait3A_239 = arith.constant 0 : i32
    %dma_wait3A_240 = arith.constant 0 : i32
    %dma_wait3A_241 = arith.constant 0 : i32
    %dma_wait3A_242 = tpu.memref_slice %arg5[%dma_wait3A_239, %dma_wait3A_240, %dma_wait3A_241] : memref<4x8x1000000xf32, #tpu.memory_space<hbm>> -> memref<4x8x128xf32, #tpu.memory_space<hbm>>
    %dma_wait3A_243 = arith.constant 0 : i32
    %dma_wait3A_244 = arith.constant 0 : i32
    %dma_wait3A_245 = arith.constant 0 : i32
    %dma_wait3A_246 = tpu.memref_slice %arg11[%dma_wait3A_232, %dma_wait3A_233, %dma_wait3A_243, %dma_wait3A_244, %dma_wait3A_245] : memref<2x4x4x8x128xf32, #tpu.memory_space<vmem>> -> memref<1x1x4x8x128xf32, #tpu.memory_space<vmem>>
    %dma_wait3A_247 = tpu.memref_squeeze %dma_wait3A_246 : memref<1x1x4x8x128xf32, #tpu.memory_space<vmem>> -> memref<4x8x128xf32, #tpu.memory_space<vmem>>
    %dma_wait3A_248 = arith.constant 0 : i32
    %dma_wait3A_249 = arith.constant 0 : i32
    %dma_wait3A_250 = arith.constant 0 : i32
    %dma_wait3A_251 = tpu.memref_slice %arg5[%dma_wait3A_248, %dma_wait3A_249, %dma_wait3A_250] : memref<4x8x1000000xf32, #tpu.memory_space<hbm>> -> memref<4x8x128xf32, #tpu.memory_space<hbm>>
    tpu.wait_dma2 semaphore(%arg15 : memref<!tpu.dma_semaphore, #tpu.memory_space<semaphore_mem>>) src(%dma_wait3A_251 : memref<4x8x128xf32, #tpu.memory_space<hbm>>) dst(%dma_wait3A_247 : memref<4x8x128xf32, #tpu.memory_space<vmem>>)
    %dma_wait3A_252 = arith.constant 0 : i32
    %dma_wait3A_253 = arith.constant 1 : i32
    %dma_wait3A_254 = arith.constant 0 : i32
    %dma_wait3A_255 = arith.constant 0 : i32
    %dma_wait3A_256 = arith.constant 0 : i32
    %dma_wait3A_257 = tpu.memref_slice %arg10[%dma_wait3A_252, %dma_wait3A_253, %dma_wait3A_254, %dma_wait3A_255, %dma_wait3A_256] : memref<2x4x4x8x128xf32, #tpu.memory_space<vmem>> -> memref<1x1x4x8x128xf32, #tpu.memory_space<vmem>>
    %dma_wait3A_258 = tpu.memref_squeeze %dma_wait3A_257 : memref<1x1x4x8x128xf32, #tpu.memory_space<vmem>> -> memref<4x8x128xf32, #tpu.memory_space<vmem>>
    %dma_wait3A_259 = arith.constant 0 : i32
    %dma_wait3A_260 = arith.constant 0 : i32
    %dma_wait3A_261 = arith.constant 0 : i32
    %dma_wait3A_262 = tpu.memref_slice %arg4[%dma_wait3A_259, %dma_wait3A_260, %dma_wait3A_261] : memref<4x8x1000000xf32, #tpu.memory_space<hbm>> -> memref<4x8x128xf32, #tpu.memory_space<hbm>>
    %dma_wait3A_263 = arith.constant 0 : i32
    %dma_wait3A_264 = arith.constant 0 : i32
    %dma_wait3A_265 = arith.constant 0 : i32
    %dma_wait3A_266 = tpu.memref_slice %arg10[%dma_wait3A_252, %dma_wait3A_253, %dma_wait3A_263, %dma_wait3A_264, %dma_wait3A_265] : memref<2x4x4x8x128xf32, #tpu.memory_space<vmem>> -> memref<1x1x4x8x128xf32, #tpu.memory_space<vmem>>
    %dma_wait3A_267 = tpu.memref_squeeze %dma_wait3A_266 : memref<1x1x4x8x128xf32, #tpu.memory_space<vmem>> -> memref<4x8x128xf32, #tpu.memory_space<vmem>>
    %dma_wait3A_268 = arith.constant 0 : i32
    %dma_wait3A_269 = arith.constant 0 : i32
    %dma_wait3A_270 = arith.constant 0 : i32
    %dma_wait3A_271 = tpu.memref_slice %arg4[%dma_wait3A_268, %dma_wait3A_269, %dma_wait3A_270] : memref<4x8x1000000xf32, #tpu.memory_space<hbm>> -> memref<4x8x128xf32, #tpu.memory_space<hbm>>
    tpu.wait_dma2 semaphore(%arg15 : memref<!tpu.dma_semaphore, #tpu.memory_space<semaphore_mem>>) src(%dma_wait3A_271 : memref<4x8x128xf32, #tpu.memory_space<hbm>>) dst(%dma_wait3A_267 : memref<4x8x128xf32, #tpu.memory_space<vmem>>)
    %dma_wait3A_272 = arith.constant 0 : i32
    %dma_wait3A_273 = arith.constant 1 : i32
    %dma_wait3A_274 = arith.constant 0 : i32
    %dma_wait3A_275 = arith.constant 0 : i32
    %dma_wait3A_276 = arith.constant 0 : i32
    %dma_wait3A_277 = tpu.memref_slice %arg11[%dma_wait3A_272, %dma_wait3A_273, %dma_wait3A_274, %dma_wait3A_275, %dma_wait3A_276] : memref<2x4x4x8x128xf32, #tpu.memory_space<vmem>> -> memref<1x1x4x8x128xf32, #tpu.memory_space<vmem>>
    %dma_wait3A_278 = tpu.memref_squeeze %dma_wait3A_277 : memref<1x1x4x8x128xf32, #tpu.memory_space<vmem>> -> memref<4x8x128xf32, #tpu.memory_space<vmem>>
    %dma_wait3A_279 = arith.constant 0 : i32
    %dma_wait3A_280 = arith.constant 0 : i32
    %dma_wait3A_281 = arith.constant 0 : i32
    %dma_wait3A_282 = tpu.memref_slice %arg5[%dma_wait3A_279, %dma_wait3A_280, %dma_wait3A_281] : memref<4x8x1000000xf32, #tpu.memory_space<hbm>> -> memref<4x8x128xf32, #tpu.memory_space<hbm>>
    %dma_wait3A_283 = arith.constant 0 : i32
    %dma_wait3A_284 = arith.constant 0 : i32
    %dma_wait3A_285 = arith.constant 0 : i32
    %dma_wait3A_286 = tpu.memref_slice %arg11[%dma_wait3A_272, %dma_wait3A_273, %dma_wait3A_283, %dma_wait3A_284, %dma_wait3A_285] : memref<2x4x4x8x128xf32, #tpu.memory_space<vmem>> -> memref<1x1x4x8x128xf32, #tpu.memory_space<vmem>>
    %dma_wait3A_287 = tpu.memref_squeeze %dma_wait3A_286 : memref<1x1x4x8x128xf32, #tpu.memory_space<vmem>> -> memref<4x8x128xf32, #tpu.memory_space<vmem>>
    %dma_wait3A_288 = arith.constant 0 : i32
    %dma_wait3A_289 = arith.constant 0 : i32
    %dma_wait3A_290 = arith.constant 0 : i32
    %dma_wait3A_291 = tpu.memref_slice %arg5[%dma_wait3A_288, %dma_wait3A_289, %dma_wait3A_290] : memref<4x8x1000000xf32, #tpu.memory_space<hbm>> -> memref<4x8x128xf32, #tpu.memory_space<hbm>>
    tpu.wait_dma2 semaphore(%arg15 : memref<!tpu.dma_semaphore, #tpu.memory_space<semaphore_mem>>) src(%dma_wait3A_291 : memref<4x8x128xf32, #tpu.memory_space<hbm>>) dst(%dma_wait3A_287 : memref<4x8x128xf32, #tpu.memory_space<vmem>>)
    %dma_wait3A_292 = arith.constant 0 : i32
    %dma_wait3A_293 = arith.constant 2 : i32
    %dma_wait3A_294 = arith.constant 0 : i32
    %dma_wait3A_295 = arith.constant 0 : i32
    %dma_wait3A_296 = arith.constant 0 : i32
    %dma_wait3A_297 = tpu.memref_slice %arg10[%dma_wait3A_292, %dma_wait3A_293, %dma_wait3A_294, %dma_wait3A_295, %dma_wait3A_296] : memref<2x4x4x8x128xf32, #tpu.memory_space<vmem>> -> memref<1x1x4x8x128xf32, #tpu.memory_space<vmem>>
    %dma_wait3A_298 = tpu.memref_squeeze %dma_wait3A_297 : memref<1x1x4x8x128xf32, #tpu.memory_space<vmem>> -> memref<4x8x128xf32, #tpu.memory_space<vmem>>
    %dma_wait3A_299 = arith.constant 0 : i32
    %dma_wait3A_300 = arith.constant 0 : i32
    %dma_wait3A_301 = arith.constant 0 : i32
    %dma_wait3A_302 = tpu.memref_slice %arg4[%dma_wait3A_299, %dma_wait3A_300, %dma_wait3A_301] : memref<4x8x1000000xf32, #tpu.memory_space<hbm>> -> memref<4x8x128xf32, #tpu.memory_space<hbm>>
    %dma_wait3A_303 = arith.constant 0 : i32
    %dma_wait3A_304 = arith.constant 0 : i32
    %dma_wait3A_305 = arith.constant 0 : i32
    %dma_wait3A_306 = tpu.memref_slice %arg10[%dma_wait3A_292, %dma_wait3A_293, %dma_wait3A_303, %dma_wait3A_304, %dma_wait3A_305] : memref<2x4x4x8x128xf32, #tpu.memory_space<vmem>> -> memref<1x1x4x8x128xf32, #tpu.memory_space<vmem>>
    %dma_wait3A_307 = tpu.memref_squeeze %dma_wait3A_306 : memref<1x1x4x8x128xf32, #tpu.memory_space<vmem>> -> memref<4x8x128xf32, #tpu.memory_space<vmem>>
    %dma_wait3A_308 = arith.constant 0 : i32
    %dma_wait3A_309 = arith.constant 0 : i32
    %dma_wait3A_310 = arith.constant 0 : i32
    %dma_wait3A_311 = tpu.memref_slice %arg4[%dma_wait3A_308, %dma_wait3A_309, %dma_wait3A_310] : memref<4x8x1000000xf32, #tpu.memory_space<hbm>> -> memref<4x8x128xf32, #tpu.memory_space<hbm>>
    tpu.wait_dma2 semaphore(%arg15 : memref<!tpu.dma_semaphore, #tpu.memory_space<semaphore_mem>>) src(%dma_wait3A_311 : memref<4x8x128xf32, #tpu.memory_space<hbm>>) dst(%dma_wait3A_307 : memref<4x8x128xf32, #tpu.memory_space<vmem>>)
    %dma_wait3A_312 = arith.constant 0 : i32
    %dma_wait3A_313 = arith.constant 2 : i32
    %dma_wait3A_314 = arith.constant 0 : i32
    %dma_wait3A_315 = arith.constant 0 : i32
    %dma_wait3A_316 = arith.constant 0 : i32
    %dma_wait3A_317 = tpu.memref_slice %arg11[%dma_wait3A_312, %dma_wait3A_313, %dma_wait3A_314, %dma_wait3A_315, %dma_wait3A_316] : memref<2x4x4x8x128xf32, #tpu.memory_space<vmem>> -> memref<1x1x4x8x128xf32, #tpu.memory_space<vmem>>
    %dma_wait3A_318 = tpu.memref_squeeze %dma_wait3A_317 : memref<1x1x4x8x128xf32, #tpu.memory_space<vmem>> -> memref<4x8x128xf32, #tpu.memory_space<vmem>>
    %dma_wait3A_319 = arith.constant 0 : i32
    %dma_wait3A_320 = arith.constant 0 : i32
    %dma_wait3A_321 = arith.constant 0 : i32
    %dma_wait3A_322 = tpu.memref_slice %arg5[%dma_wait3A_319, %dma_wait3A_320, %dma_wait3A_321] : memref<4x8x1000000xf32, #tpu.memory_space<hbm>> -> memref<4x8x128xf32, #tpu.memory_space<hbm>>
    %dma_wait3A_323 = arith.constant 0 : i32
    %dma_wait3A_324 = arith.constant 0 : i32
    %dma_wait3A_325 = arith.constant 0 : i32
    %dma_wait3A_326 = tpu.memref_slice %arg11[%dma_wait3A_312, %dma_wait3A_313, %dma_wait3A_323, %dma_wait3A_324, %dma_wait3A_325] : memref<2x4x4x8x128xf32, #tpu.memory_space<vmem>> -> memref<1x1x4x8x128xf32, #tpu.memory_space<vmem>>
    %dma_wait3A_327 = tpu.memref_squeeze %dma_wait3A_326 : memref<1x1x4x8x128xf32, #tpu.memory_space<vmem>> -> memref<4x8x128xf32, #tpu.memory_space<vmem>>
    %dma_wait3A_328 = arith.constant 0 : i32
    %dma_wait3A_329 = arith.constant 0 : i32
    %dma_wait3A_330 = arith.constant 0 : i32
    %dma_wait3A_331 = tpu.memref_slice %arg5[%dma_wait3A_328, %dma_wait3A_329, %dma_wait3A_330] : memref<4x8x1000000xf32, #tpu.memory_space<hbm>> -> memref<4x8x128xf32, #tpu.memory_space<hbm>>
    tpu.wait_dma2 semaphore(%arg15 : memref<!tpu.dma_semaphore, #tpu.memory_space<semaphore_mem>>) src(%dma_wait3A_331 : memref<4x8x128xf32, #tpu.memory_space<hbm>>) dst(%dma_wait3A_327 : memref<4x8x128xf32, #tpu.memory_space<vmem>>)
    %dma_wait3A_332 = arith.constant 0 : i32
    %dma_wait3A_333 = arith.constant 3 : i32
    %dma_wait3A_334 = arith.constant 0 : i32
    %dma_wait3A_335 = arith.constant 0 : i32
    %dma_wait3A_336 = arith.constant 0 : i32
    %dma_wait3A_337 = tpu.memref_slice %arg10[%dma_wait3A_332, %dma_wait3A_333, %dma_wait3A_334, %dma_wait3A_335, %dma_wait3A_336] : memref<2x4x4x8x128xf32, #tpu.memory_space<vmem>> -> memref<1x1x4x8x128xf32, #tpu.memory_space<vmem>>
    %dma_wait3A_338 = tpu.memref_squeeze %dma_wait3A_337 : memref<1x1x4x8x128xf32, #tpu.memory_space<vmem>> -> memref<4x8x128xf32, #tpu.memory_space<vmem>>
    %dma_wait3A_339 = arith.constant 0 : i32
    %dma_wait3A_340 = arith.constant 0 : i32
    %dma_wait3A_341 = arith.constant 0 : i32
    %dma_wait3A_342 = tpu.memref_slice %arg4[%dma_wait3A_339, %dma_wait3A_340, %dma_wait3A_341] : memref<4x8x1000000xf32, #tpu.memory_space<hbm>> -> memref<4x8x128xf32, #tpu.memory_space<hbm>>
    %dma_wait3A_343 = arith.constant 0 : i32
    %dma_wait3A_344 = arith.constant 0 : i32
    %dma_wait3A_345 = arith.constant 0 : i32
    %dma_wait3A_346 = tpu.memref_slice %arg10[%dma_wait3A_332, %dma_wait3A_333, %dma_wait3A_343, %dma_wait3A_344, %dma_wait3A_345] : memref<2x4x4x8x128xf32, #tpu.memory_space<vmem>> -> memref<1x1x4x8x128xf32, #tpu.memory_space<vmem>>
    %dma_wait3A_347 = tpu.memref_squeeze %dma_wait3A_346 : memref<1x1x4x8x128xf32, #tpu.memory_space<vmem>> -> memref<4x8x128xf32, #tpu.memory_space<vmem>>
    %dma_wait3A_348 = arith.constant 0 : i32
    %dma_wait3A_349 = arith.constant 0 : i32
    %dma_wait3A_350 = arith.constant 0 : i32
    %dma_wait3A_351 = tpu.memref_slice %arg4[%dma_wait3A_348, %dma_wait3A_349, %dma_wait3A_350] : memref<4x8x1000000xf32, #tpu.memory_space<hbm>> -> memref<4x8x128xf32, #tpu.memory_space<hbm>>
    tpu.wait_dma2 semaphore(%arg15 : memref<!tpu.dma_semaphore, #tpu.memory_space<semaphore_mem>>) src(%dma_wait3A_351 : memref<4x8x128xf32, #tpu.memory_space<hbm>>) dst(%dma_wait3A_347 : memref<4x8x128xf32, #tpu.memory_space<vmem>>)
    %dma_wait3A_352 = arith.constant 0 : i32
    %dma_wait3A_353 = arith.constant 3 : i32
    %dma_wait3A_354 = arith.constant 0 : i32
    %dma_wait3A_355 = arith.constant 0 : i32
    %dma_wait3A_356 = arith.constant 0 : i32
    %dma_wait3A_357 = tpu.memref_slice %arg11[%dma_wait3A_352, %dma_wait3A_353, %dma_wait3A_354, %dma_wait3A_355, %dma_wait3A_356] : memref<2x4x4x8x128xf32, #tpu.memory_space<vmem>> -> memref<1x1x4x8x128xf32, #tpu.memory_space<vmem>>
    %dma_wait3A_358 = tpu.memref_squeeze %dma_wait3A_357 : memref<1x1x4x8x128xf32, #tpu.memory_space<vmem>> -> memref<4x8x128xf32, #tpu.memory_space<vmem>>
    %dma_wait3A_359 = arith.constant 0 : i32
    %dma_wait3A_360 = arith.constant 0 : i32
    %dma_wait3A_361 = arith.constant 0 : i32
    %dma_wait3A_362 = tpu.memref_slice %arg5[%dma_wait3A_359, %dma_wait3A_360, %dma_wait3A_361] : memref<4x8x1000000xf32, #tpu.memory_space<hbm>> -> memref<4x8x128xf32, #tpu.memory_space<hbm>>
    %dma_wait3A_363 = arith.constant 0 : i32
    %dma_wait3A_364 = arith.constant 0 : i32
    %dma_wait3A_365 = arith.constant 0 : i32
    %dma_wait3A_366 = tpu.memref_slice %arg11[%dma_wait3A_352, %dma_wait3A_353, %dma_wait3A_363, %dma_wait3A_364, %dma_wait3A_365] : memref<2x4x4x8x128xf32, #tpu.memory_space<vmem>> -> memref<1x1x4x8x128xf32, #tpu.memory_space<vmem>>
    %dma_wait3A_367 = tpu.memref_squeeze %dma_wait3A_366 : memref<1x1x4x8x128xf32, #tpu.memory_space<vmem>> -> memref<4x8x128xf32, #tpu.memory_space<vmem>>
    %dma_wait3A_368 = arith.constant 0 : i32
    %dma_wait3A_369 = arith.constant 0 : i32
    %dma_wait3A_370 = arith.constant 0 : i32
    %dma_wait3A_371 = tpu.memref_slice %arg5[%dma_wait3A_368, %dma_wait3A_369, %dma_wait3A_370] : memref<4x8x1000000xf32, #tpu.memory_space<hbm>> -> memref<4x8x128xf32, #tpu.memory_space<hbm>>
    tpu.wait_dma2 semaphore(%arg15 : memref<!tpu.dma_semaphore, #tpu.memory_space<semaphore_mem>>) src(%dma_wait3A_371 : memref<4x8x128xf32, #tpu.memory_space<hbm>>) dst(%dma_wait3A_367 : memref<4x8x128xf32, #tpu.memory_space<vmem>>)
    "tpu.region"() ({
      %run_scoped3A = tpu.sem_alloc : memref<!tpu.dma_semaphore, #tpu.memory_space<semaphore_mem>>
      %dma_start3A_372 = tpu.memref_slice %arg7[%mul3A_2] : memref<16384xf32, #tpu.memory_space<hbm>> -> memref<512xf32, #tpu.memory_space<hbm>>
      %dma_start3A_373 = tpu.memref_slice %arg7[%mul3A_2] : memref<16384xf32, #tpu.memory_space<hbm>> -> memref<512xf32, #tpu.memory_space<hbm>>
      tpu.enqueue_dma source(%arg13 : memref<512xf32, #tpu.memory_space<vmem>>) target(%dma_start3A_373 : memref<512xf32, #tpu.memory_space<hbm>>) target_semaphore(%run_scoped3A : memref<!tpu.dma_semaphore, #tpu.memory_space<semaphore_mem>>)
      %dma_wait3A_374 = tpu.memref_slice %arg7[%mul3A_2] : memref<16384xf32, #tpu.memory_space<hbm>> -> memref<512xf32, #tpu.memory_space<hbm>>
      %dma_wait3A_375 = tpu.memref_slice %arg7[%mul3A_2] : memref<16384xf32, #tpu.memory_space<hbm>> -> memref<512xf32, #tpu.memory_space<hbm>>
      tpu.wait_dma2 semaphore(%run_scoped3A : memref<!tpu.dma_semaphore, #tpu.memory_space<semaphore_mem>>) src(%arg13 : memref<512xf32, #tpu.memory_space<vmem>>) dst(%dma_wait3A_375 : memref<512xf32, #tpu.memory_space<hbm>>)
      tpu.yield
    }) : () -> ()
    return
  }
}

</mosaic_0001>

<sc_bundles>
// kernel: kernel.3.cloned.1.call-start
scs
__scs_entry_jumppad:
0x0: {  	(pc) =	sbr.rel $0x88, $3  }
0x1: {  	(tag) =	ssettag $0x0;
	lr =	simm.s32 $0x1  }
0x2: {  	[smem:$0x3F9B] =	sst lr;
	_ =	strace $0xD0000000  }
0x3: {  	_ = 	snop  }
0x4: {  	_ = 	snop  }
0x5: {  	_ = 	snop  }
0x6: {  	_ = 	snop  }
0x7: {  	_ = 	snop  }
__scs_overlays_trampoline_lowered:
0x8: {  	[smem:$0x3FAA] =	sst s0  }
0x9: {  	[smem:$0x3FAB] =	sst s1  }
0xa: {  	[smem:$0x3FAC] =	sst s2  }
0xb: {  	[smem:$0x3FAD] =	sst s3  }
0xc: {  	[smem:$0x3FAE] =	sst s4  }
0xd: {  	[smem:$0x3FAF] =	sst s5  }
0xe: {  	[smem:$0x3FB0] =	sst s6  }
0xf: {  	[smem:$0x3FB1] =	sst s7  }
0x10: {  	[smem:$0x3FB2] =	sst s8  }
0x11: {  	[smem:$0x3FB3] =	sst s9;
	s0 =	simm.s32 @!p0 $0x0  }
0x12: {  	s1 =	sld [smem:$0x3F99];
	s0 =	simm.s32 @p0 $0x1  }
0x13: {  	[smem:$0x3FB4] =	sst s0;
	s0 =	simm.s32 @!p1 $0x0  }
0x14: {  	s2 =	sld [smem:$0x3F98];
	s0 =	simm.s32 @p1 $0x1  }
0x15: {  	[smem:$0x3FB5] =	sst s0;
	s0 =	simm.s32 @!p2 $0x0  }
0x16: {  	s3 =	sld [smem:$0x3FDB];
	s0 =	simm.s32 @p2 $0x1  }
0x17: {  	s4 =	simm.s32 $0x1BF5;
	[smem:$0x3FB7] =	sst s0  }
0x18: {  	s0 =	sld [smem:$0x3F9A];
	_ =	swait.ge [sflag:s4], $0x0  }
0x19: {  	s7 =	sld [smem:$0x3F9B]  }
0x1a: {  	s8 =	sadd.s32 $0xFFFFE003, lr  }
0x1b: {  	s9 =	sadd.s32 $0xFFFFFEF7, lr;
	s5 =	simm.s32 $0xFFFFFFFF;
	p2 =	slt.u32 s8, $0xFFFFF086  }
0x1c: {  	p1 =	slt.u32 s9, $0xF7A;
	s5 =	simm.s32 @!p2 $0x0  }
0x1d: {  	s5 =	simm.s32 @p1 $0x1;
	p0 =	seq.s32 s7, s2  }
0x1e: {  	s7 =	smul.u32 @!p0 $0xF7A, s2;
	p2 =	seq.s32 @!p0 s5, $0x0  }
0x1f: {  	s9 =	smul.u32 $0xF7A, s1;
	s8 =	simm.s32 @!p0 $0x1BF5;
	p2 =	por !p2, p0  }
0x20: {  	[sflag:s8] =	ssyncset.s32 @!p0 $0xFFFFF086;
	s6 =	sadd.s32 @!p0 s3, s7;
	s7 =	simm.s32 @!p0 $0x108  }
0x21: {  	s3 =	sadd.s32 s3, s9;
	s6 =	sadd.s32 @!p0 $0x88, s6;
	s7 =	simm.s32 @p2 $0x1082  }
0x22: {  	[simem:s7], [sflag:s8] =	dma.local @!p0 [hbm:s6], $0xF7A  }
0x23: {  	s9 =	sor.u32 $0xD0000000, s2;
	s6 =	simm.s32 $0x108;
	_ =	swait.ge @!p0 [sflag:s8], $0x0  }
0x24: {  	s3 =	sadd.s32 $0x88, s3;
	s6 =	simm.s32 @!p1 $0x1082;
	[sflag:s4] =	ssyncset.s32 $0xFFFFF086  }
0x25: {  	[simem:s6], [sflag:s4] =	dma.local [hbm:s3], $0xF7A  }
0x26: {  	[smem:$0x3F9B] =	sst s1;
	(tag) =	ssettag s2;
	_ =	strace s9  }
0x27: {  	s1 =	sld [smem:$0x3FAB]  }
0x28: {  	s2 =	sld [smem:$0x3FAC]  }
0x29: {  	s4 =	sld [smem:$0x3FAE]  }
0x2a: {  	p0 =	seq.s32 s5, $0x0;
	s5 =	sld [smem:$0x3FAF]  }
0x2b: {  	s6 =	sld [smem:$0x3FB0]  }
0x2c: {  	s7 =	sld [smem:$0x3FB1]  }
0x2d: {  	s3 =	simm.s32 $0x108;
	s8 =	sld [smem:$0x3FB2]  }
0x2e: {  	s3 =	simm.s32 @!p0 $0x1082;
	s9 =	sld [smem:$0x3FB3]  }
0x2f: {  	lr =	sadd.s32 s0, s3;
	s0 =	sld [smem:$0x3FAA]  }
0x30: {  	s3 =	sld [smem:$0x3FAD]  }
0x31: {  	[smem:$0x3FB6] =	sst s10  }
0x32: {  	s10 =	sld [smem:$0x3FB4];
	_ =	sdelay $0x3  }
0x33: {  	p0 =	seq.s32 s10, $0x1;
	s10 =	sld [smem:$0x3FB6];
	_ =	sdelay $0x3  }
0x34: {  	[smem:$0x3FB6] =	sst s10  }
0x35: {  	s10 =	sld [smem:$0x3FB5];
	_ =	sdelay $0x3  }
0x36: {  	p1 =	seq.s32 s10, $0x1;
	s10 =	sld [smem:$0x3FB6];
	_ =	sdelay $0x3  }
0x37: {  	[smem:$0x3FB6] =	sst s10  }
0x38: {  	s10 =	sld [smem:$0x3FB7]  }
0x39: {  	_ = 	snop;
	(pc) =	sbr.ind lr, $3  }
0x3a: {  	_ = 	snop  }
0x3b: {  	_ = 	snop  }
0x3c: {  	p2 =	seq.s32 s10, $0x1;
	s10 =	sld [smem:$0x3FB6]  }
0x3d: {  	_ =	shalt  }
0x3e: {  	_ =	shalt  }
0x3f: {  	_ =	shalt  }
0x40: {  	_ =	shalt  }
0x41: {  	_ =	shalt  }
0x42: {  	_ =	shalt  }
0x43: {  	_ =	shalt  }
0x44: {  	_ =	shalt  }
0x45: {  	_ =	shalt  }
0x46: {  	_ =	shalt  }
0x47: {  	_ =	shalt  }
0x48: {  	_ =	shalt  }
0x49: {  	_ =	shalt  }
0x4a: {  	_ =	shalt  }
0x4b: {  	_ =	shalt  }
0x4c: {  	_ =	shalt  }
0x4d: {  	_ =	shalt  }
0x4e: {  	_ =	shalt  }
0x4f: {  	_ =	shalt  }
0x50: {  	_ =	shalt  }
0x51: {  	_ =	shalt  }
0x52: {  	_ =	shalt  }
0x53: {  	_ =	shalt  }
0x54: {  	_ =	shalt  }
0x55: {  	_ =	shalt  }
0x56: {  	_ =	shalt  }
0x57: {  	_ =	shalt  }
0x58: {  	_ =	shalt  }
0x59: {  	_ =	shalt  }
0x5a: {  	_ =	shalt  }
0x5b: {  	_ =	shalt  }
0x5c: {  	_ =	shalt  }
0x5d: {  	_ =	shalt  }
0x5e: {  	_ =	shalt  }
0x5f: {  	_ =	shalt  }
0x60: {  	_ =	shalt  }
0x61: {  	_ =	shalt  }
0x62: {  	_ =	shalt  }
0x63: {  	_ =	shalt  }
0x64: {  	_ =	shalt  }
0x65: {  	_ =	shalt  }
0x66: {  	_ =	shalt  }
0x67: {  	_ =	shalt  }
0x68: {  	_ =	shalt  }
0x69: {  	_ =	shalt  }
0x6a: {  	_ =	shalt  }
0x6b: {  	_ =	shalt  }
0x6c: {  	_ =	shalt  }
0x6d: {  	_ =	shalt  }
0x6e: {  	_ =	shalt  }
0x6f: {  	_ =	shalt  }
0x70: {  	_ =	shalt  }
0x71: {  	_ =	shalt  }
0x72: {  	_ =	shalt  }
0x73: {  	_ =	shalt  }
0x74: {  	_ =	shalt  }
0x75: {  	_ =	shalt  }
0x76: {  	_ =	shalt  }
0x77: {  	_ =	shalt  }
0x78: {  	_ =	shalt  }
0x79: {  	_ =	shalt  }
0x7a: {  	_ =	shalt  }
0x7b: {  	_ =	shalt  }
0x7c: {  	_ =	shalt  }
0x7d: {  	_ =	shalt  }
0x7e: {  	_ =	shalt  }
0x7f: {  	_ =	shalt  }
0x80: {  	_ =	shalt  }
0x81: {  	_ =	shalt  }
0x82: {  	_ =	shalt  }
0x83: {  	_ =	shalt  }
0x84: {  	_ =	shalt  }
0x85: {  	_ =	shalt  }
0x86: {  	_ =	shalt  }
0x87: {  	_ =	shalt  }
.Lfunc_end0:
.L_simem_size_0:
called_computation_lowered:
.L_overlay_start_0:
0x88: {  	s2 =	sld [smem:$0x3FD9]  }
0x89: {  	s3 =	sld [smem:$0x3FFE];
	_ =	sdelay $0x1  }
0x8a: {  	s1 =	srdreg.scid  }
0x8b: {  	s0 =	sand.u32 $0x1, s1  }
0x8c: {  	s17 =	sshll.u32 s0, $0xA;
	s2 =	sadd.s32 s3, s2  }
0x8d: {  	s2 =	sadd.s32 s2, s17  }
0x8e: {  	[smem:$0x3FC2] =	sst s2  }
0x8f: {  	_ = 	snop  }
0x90: {  	s2 =	sld [smem:$0x3FC7]  }
0x91: {  	s18 =	sld [smem:$0x3FC6]  }
0x92: {  	s4 =	sld [smem:$0x3FD0];
	(tm) =	ssettm $0x1  }
0x93: {  	s5 =	sld [smem:$0x3FFB];
	_ =	sdelay $0x3  }
0x94: {  	_ =	strace s5  }
0x95: {  	s5 =	sld [smem:$0x3FFC];
	_ =	sdelay $0x3  }
0x96: {  	_ =	strace s5  }
0x97: {  	s5 =	sld [smem:$0x3FFD];
	_ =	sdelay $0x3  }
0x98: {  	_ =	strace s5  }
0x99: {  	_ =	strace $0x8FFFFFFF  }
0x9a: {  	s19 =	sld [smem:$0x3FDB];
	_ =	sdelay $0x1  }
0x9b: {  	s6 =	simm.s32 $_scs_section_size  }
0x9c: {  	s7 =	simm.s32 $_size__tile_overlayer_lowered;
	s8 =	simm.s32 $_tile_overlayer_lowered  }
0x9d: {  	s22 =	simm.s32 $0x1BFF;
	s21 =	sshll.u32 s8, $0x1;
	s5 =	sadd.s32 s6, s19  }
0x9e: {  	s9 =	simm.s32 $0x0;
	s20 =	sshll.u32 s7, $0x1;
	s7 =	sadd.s32 s21, s5  }
0x9f: {  	[timem:s9], [sflag:s22] =	dma.local [hbm:s7], s20  }
0xa0: {  	_ =	swait.ge [sflag:s22], s20  }
0xa1: {  	s6 =	ssub.s32 $0x0, s20;
	[sflag:s22] =	ssyncset.done $0x0  }
0xa2: {  	[sflag:s22] =	ssyncadd.s32 s6;
	_ =	sdelay $0x1  }
0xa3: {  	s23 =	simm.s32 $0x1B8B  }
0xa4: {  	_ =	swait.ge [sflag:s23], $0x1  }
0xa5: {  	[sflag:s23] =	ssyncset.done $0x0  }
0xa6: {  	s25 =	simm.s32 $0x1B8E;
	s24 =	sld [smem:$0x3FFE];
	[sflag:s23] =	ssyncadd.s32 $0xFFFFFFFF  }
0xa7: {  	s26 =	simm.s32 $execute0_lowered;
	[smem:$0x3FD2] =	sst s25  }
0xa8: {  	s7 =	sshll.u32 s26, $0x1;
	_ =	strace $0x80000046;
	[dreg:$0x1] =	wrdreg $0xFFFFFFFF  }
0xa9: {  	s28 =	simm.s32 $_size_execute0_lowered;
	s5 =	sadd.s32 s5, s7;
	[dreg:$0x0] =	wrdreg $0x0  }
0xaa: {  	s7 =	sshll.u32 s28, $0x1;
	[dreg:$0x2] =	wrdreg s5  }
0xab: {  	[dreg:$0x3] =	wrdreg s7  }
0xac: {  	[dreg:$0x4] =	wrdreg $0xC0  }
0xad: {  	_ =	task [dreg:s9], $0x5FFFF  }
0xae: {  	[dreg:$0x1] =	wrdreg $0xFFFFFFFF  }
0xaf: {  	[dreg:$0x0] =	wrdreg $0x60  }
0xb0: {  	[dreg:$0x2] =	wrdreg s24  }
0xb1: {  	[dreg:$0x3] =	wrdreg s2  }
0xb2: {  	[dreg:$0x4] =	wrdreg s18  }
0xb3: {  	[dreg:$0x5] =	wrdreg s4  }
0xb4: {  	[dreg:$0x6] =	wrdreg $0x9  }
0xb5: {  	_ =	task.clear_ibuf [dreg:s9], $0x7FFFF;
	_ =	strace $0x90000046  }
0xb6: {  	s29 =	simm.s32 $0x9;
	_ =	strace $0x80000048  }
0xb7: {  	_ =	swait.ge [sflag:s29], $0x1  }
0xb8: {  	[sflag:s29] =	ssyncadd.s32 $0xFFFFFFFF  }
0xb9: {  	_ =	strace $0x90000048  }
0xba: {  	_ =	sfence  }
0xbb: {  	s30 =	sld [smem:$0x0];
	_ =	sdelay $0x2  }
0xbc: {  	s31 =	sshll.u32 s1, $0xD;
	s1 =	sshrl.u32 s1, $0x2  }
0xbd: {  	s3 =	sand.u32 $0x4000, s31;
	s1 =	sadd.s32 s1, s30  }
0xbe: {  	s0 =	sor.u32 s3, s0;
	s1 =	sshll.u32 s1, $0x11  }
0xbf: {  	s0 =	sor.u32 s1, s0  }
0xc0: {  	s0 =	sadd.s32 $0x8F2B, s0  }
0xc1: {  	[sflag:s0] =	ssyncadd.remote.s32 $0x1  }
0xc2: {  	_ =	sfence.sel $0xFFFF  }
0xc3: {  	[dreg:$0x0] =	wrdreg $0xFFFFFFFF;
	(pc) =	sbr.abs _section_cstart, $3  }
0xc4: {  	[dreg:$0x1] =	wrdreg $0xFFFFFFFF  }
0xc5: {  	_ =	task.clear_ibuf [dreg:s9], $0x2FFFF;
	_ =	strace $0x9FFFFFFF  }
0xc6: {  	(tm) =	ssettm $0x7FFFFFFF  }
0xc7: {  	_ =	shalt  }
tec
execute0_lowered:
.L_overlay_start_1:
0x0: {  	(tag) =	ssettag $0x1  }
0x1: {  	s0 =	rddreg [dreg:$0x0]  }
0x2: {  	s1 =	rddreg [dreg:$0x1]  }
0x3: {  	s3 =	rddreg [dreg:$0x2];
	s2 =	srdreg.scid  }
0x4: {  	s6 =	stileid.u32;
	s4 =	rddreg [dreg:$0x3]  }
0x5: {  	s8 =	simm.s32 $0x0;
	s12 =	simm.s32 $0x400;
	s15 =	simm.s32 $0x7A1400  }
0x6: {  	s16 =	simm.s32 $0x8400;
	s29 =	simm.s32 $0x9400;
	s9 =	simm.s32 $0x2400  }
0x7: {  	s11 =	simm.s32 $0xA400;
	s28 =	simm.s32 $0xFFFFFFFF;
	s13 =	simm.s32 $0xB400  }
0x8: {  	v13 =	vlaneseq.u32;
	s14 =	simm.s32 $0x4400;
	s31 =	simm.s32 $0xC400;
	s17 =	simm.s32 $0x5400  }
0x9: {  	s20 =	simm.s32 $0x6400;
	s30 =	simm.s32 $0xE400;
	s21 =	simm.s32 $0x7400;
	v0 =	vmul.u32 $0x80, v13  }
0xa: {  	s10 =	simm.s32 $0x10400;
	s2 =	sand.u32 $0x1, s2;
	s5 =	sshll.u32 s6, $0x1;
	v13 =	vmul.u32 $0x10, v13  }
0xb: {  	s6 =	sshll.u32 s6, $0x7;
	[smem:$0x7FF] =	sst s8;
	s5 =	sor.u32 s2, s5;
	v1 =	vor.u32 $0x800, v0;
	v2 =	vor.u32 $0x1000, v0;
	v3 =	vor.u32 $0x1800, v0  }
0xc: {  	s2 =	ssub.s32 $0x2, s2;
	_ =	strace $0x80000047;
	[dreg:$0x5] =	wrdreg s28;
	v4 =	vor.u32 $0x2000, v0;
	v5 =	vor.u32 $0x2800, v0;
	v6 =	vor.u32 $0x3000, v0  }
0xd: {  	s7 =	sshll.u32 s5, $0x4;
	s22 =	sshrl.u32 s2, $0x1;
	s26 =	sshll.u32 s5, $0x6;
	v7 =	vor.u32 $0x3800, v0;
	v8 =	vor.u32 $0x4000, v0;
	v9 =	vor.u32 $0x4800, v0  }
0xe: {  	v10 =	vor.u32 $0x5000, v0;
	v11 =	vor.u32 $0x5800, v0;
	v12 =	vor.u32 $0x6000, v0;
	s5 =	simm.s32 $0x0;
	s6 =	sor.u32 s6, s7;
	s23 =	ssub.s32 s2, s22  }
0xf: {  	v14 =	vor.u32 $0x6800, v0;
	v15 =	vor.u32 $0x7000, v0;
	v16 =	vor.u32 $0x7800, v0;
	s2 =	sadd.s32 s4, s26;
	s26 =	simm.s32 $0xF400;
	s6 =	sand.u32 $0x670, s6  }
0x10: {  	v17 =	vor.u32 $0x1, v13;
	v18 =	vor.u32 $0x2, v13;
	v19 =	vor.u32 $0x3, v13;
	[dreg:$0x9] =	wrdreg s2;
	s6 =	sadd.s32 s6, s0;
	s0 =	sadd.s32 $0x1400, s0  }
0x11: {  	v20 =	vor.u32 $0x4, v13;
	v21 =	vor.u32 $0x5, v13;
	v22 =	vor.u32 $0x6, v13;
	s2 =	simm.s32 $0x3400;
	[dreg:$0x6] =	wrdreg s0;
	s24 =	sadd.s32 $0x400, s6  }
0x12: {  	v23 =	vor.u32 $0x7, v13;
	v24 =	vor.u32 $0x8, v13;
	v25 =	vor.u32 $0x9, v13;
	s25 =	sadd.s32 $0xC00, s6;
	s0 =	smax.u32 s23, $0x1;
	[dreg:$0x7] =	wrdreg s24  }
0x13: {  	v26 =	vor.u32 $0xA, v13;
	v27 =	vor.u32 $0xB, v13;
	v28 =	vor.u32 $0xC, v13;
	s6 =	simm.s32 $0x3;
	s23 =	simm.s32 $0x1;
	[dreg:$0x8] =	wrdreg s25  }
0x14: {  	v29 =	vor.u32 $0xD, v13;
	v30 =	vor.u32 $0xE, v13;
	v31 =	vor.u32 $0xF, v13;
	[dreg:$0xa] =	wrdreg s0;
	s24 =	simm.s32 $0x1400;
	s0 =	simm.s32 $0x2  }
.LBB2_1:
0x15: {  	[dreg:$0xb] =	wrdreg s5  }
0x16: {  	s4 =	rddreg [dreg:$0x6];
	s28 =	simm.s32 $0x10700  }
0x17: {  	[tilespmem:s28], [sflag:$0x3] =	stream.linear.gather [hbm4b:s4+s8], $0x80, $0x38;
	[tilespmem:$0x10780] =	vst v63  }
0x18: {  	_ =	swait.ge [sflag:s6], $0x80  }
0x19: {  	[sflag:s6] =	ssyncset.done $0x0  }
0x1a: {  	s7 =	simm.s32 $0x80;
	s5 =	rddreg [dreg:$0x7];
	[sflag:s6] =	ssyncadd.s32 $0xFFFFFF80  }
0x1b: {  	[tilespmem:s8], [sflag:$0x3] =	stream.strided.gather [hbm4b:s5+s7], $0x200, s12, s7, $0x38;
	[tilespmem:$0x10780] =	vst v63  }
0x1c: {  	_ =	swait.ge [sflag:s6], $0x200  }
0x1d: {  	[sflag:s6] =	ssyncset.done $0x0  }
0x1e: {  	s18 =	simm.s32 $0x200;
	s8 =	rddreg [dreg:$0x8];
	[sflag:s6] =	ssyncadd.s32 $0xFFFFFE00  }
0x1f: {  	[tilespmem:s18], [sflag:$0x3] =	stream.strided.gather [hbm4b:s8+s7], $0x200, s12, s7, $0x38;
	[tilespmem:$0x10780] =	vst v63  }
0x20: {  	_ =	swait.ge [sflag:s6], $0x200  }
0x21: {  	[sflag:s6] =	ssyncset.done $0x0  }
0x22: {  	[sflag:s6] =	ssyncadd.s32 $0xFFFFFE00  }
0x23: {  	v35 =	vld [tilespmem:$0x0]  }
0x24: {  	v36 =	vld [tilespmem:$0x200];
	_ =	sdelay $0x3  }
0x25: {  	(v2sf) =	vpush v35, $0x0  }
0x26: {  	(v2sf) =	vpush v36, $0x0;
	_ =	sdelay $0x1  }
0x27: {  	(v2sf) =	vpush v35, $0x1;
	_ =	sdelay $0x4  }
0x28: {  	(v2sf) =	vpush v36, $0x1  }
0x29: {  	(v2sf) =	vpush v35, $0x2;
	_ =	sdelay $0x5  }
0x2a: {  	s19 =	spop (v2sf);
	(v2sf) =	vpush v36, $0x2  }
0x2b: {  	s22 =	spop (v2sf);
	(v2sf) =	vpush v35, $0x3  }
0x2c: {  	v32 =	vld [tilespmem:$0x10700];
	s4 =	sand.u32 $0xFFFFF80, s19  }
0x2d: {  	v33 =	vld [tilespmem:$0x10710];
	s4 =	sadd.s32 s1, s4;
	s25 =	spop (v2sf)  }
0x2e: {  	v34 =	vld [tilespmem:$0x10720];
	(v2sf) =	vpush v36, $0x3;
	[tilespmem:s12], [sflag:$0x1] =	stream.strided.gather [hbm4b:s4+s12], $0x1000, s15, s12, $0x38  }
0x2f: {  	s4 =	sand.u32 $0xFFFFF80, s22  }
0x30: {  	s4 =	sadd.s32 s3, s4  }
0x31: {  	[tilespmem:s16], [sflag:$0x1] =	stream.strided.gather [hbm4b:s4+s12], $0x1000, s15, s12, $0x38;
	[tilespmem:$0x10780] =	vst v63  }
0x32: {  	s28 =	spop (v2sf);
	s4 =	sand.u32 $0xFFFFF80, s25  }
0x33: {  	s6 =	sand.u32 $0xFFFFF80, s28;
	s7 =	spop (v2sf);
	s4 =	sadd.s32 s1, s4  }
0x34: {  	[tilespmem:s24], [sflag:$0x1] =	stream.strided.gather [hbm4b:s4+s12], $0x1000, s15, s12, $0x38;
	[tilespmem:$0x10780] =	vst v63  }
0x35: {  	s8 =	sand.u32 $0xFFFFF80, s7;
	s4 =	sadd.s32 s3, s6  }
0x36: {  	[tilespmem:s29], [sflag:$0x1] =	stream.strided.gather [hbm4b:s4+s12], $0x1000, s15, s12, $0x38;
	[tilespmem:$0x10780] =	vst v63  }
0x37: {  	s4 =	sadd.s32 s1, s8  }
0x38: {  	[tilespmem:s9], [sflag:$0x1] =	stream.strided.gather [hbm4b:s4+s12], $0x1000, s15, s12, $0x38;
	[tilespmem:$0x10780] =	vst v63  }
0x39: {  	s18 =	spop (v2sf)  }
0x3a: {  	s19 =	sand.u32 $0xFFFFF80, s18;
	s22 =	spop (v2sf)  }
0x3b: {  	s4 =	sadd.s32 s3, s19;
	s25 =	sand.u32 $0xFFFFF80, s22  }
0x3c: {  	[tilespmem:s11], [sflag:$0x1] =	stream.strided.gather [hbm4b:s4+s12], $0x1000, s15, s12, $0x38;
	[tilespmem:$0x10780] =	vst v63  }
0x3d: {  	s28 =	spop (v2sf);
	s4 =	sadd.s32 s1, s25  }
0x3e: {  	[tilespmem:s2], [sflag:$0x1] =	stream.strided.gather [hbm4b:s4+s12], $0x1000, s15, s12, $0x38;
	[tilespmem:$0x10780] =	vst v63  }
0x3f: {  	s5 =	simm.s32 $0x10;
	s4 =	sand.u32 $0xFFFFF80, s28  }
0x40: {  	s6 =	simm.s32 $0x0;
	s2 =	simm.s32 $0xD400;
	s4 =	sadd.s32 s3, s4  }
0x41: {  	[tilespmem:s13], [sflag:$0x1] =	stream.strided.gather [hbm4b:s4+s12], $0x1000, s15, s12, $0x38;
	[tilespmem:$0x10780] =	vst v63  }
.LBB2_2:
0x42: {  	s4 =	rddreg [dreg:$0x5];
	p0 =	seq.s32 s6, $0x7C0  }
0x43: {  	s4 =	simm.s32 @!p0 $0x0  }
0x44: {  	s4 =	sshll.u32 s4, $0x9  }
0x45: {  	s7 =	sshra.s32 s6, $0x2;
	s4 =	sadd.s32 s4, s5  }
0x46: {  	s8 =	sand.u32 $0x70, s5;
	v38 =	vld [tilespmem:s7+$0x0];
	s4 =	sand.u32 $0xFFFFFF80, s4  }
0x47: {  	v37 =	vld [tilespmem:s7+$0x200];
	s4 =	sor.u32 s8, s4  }
0x48: {  	[dreg:$0xc] =	wrdreg s7;
	v36 =	vld [tilespmem:s4+$0x0]  }
0x49: {  	v35 =	vld [tilespmem:s4+$0x200];
	_ =	swait.ge [sflag:s23], $0x1000  }
0x4a: {  	[sflag:s23] =	ssyncset.done $0x0  }
0x4b: {  	[sflag:s23] =	ssyncadd.s32 $0xFFFFF000  }
0x4c: {  	_ =	swait.ge [sflag:s23], $0x1000  }
0x4d: {  	[sflag:s23] =	ssyncset.done $0x0  }
0x4e: {  	[sflag:s23] =	ssyncadd.s32 $0xFFFFF000  }
0x4f: {  	_ =	swait.ge [sflag:s23], $0x1000  }
0x50: {  	[sflag:s23] =	ssyncset.done $0x0  }
0x51: {  	[sflag:s23] =	ssyncadd.s32 $0xFFFFF000  }
0x52: {  	_ =	swait.ge [sflag:s23], $0x1000  }
0x53: {  	[sflag:s23] =	ssyncset.done $0x0  }
0x54: {  	[sflag:s23] =	ssyncadd.s32 $0xFFFFF000  }
0x55: {  	_ =	swait.ge [sflag:s23], $0x1000  }
0x56: {  	[sflag:s23] =	ssyncset.done $0x0  }
0x57: {  	[sflag:s23] =	ssyncadd.s32 $0xFFFFF000  }
0x58: {  	_ =	swait.ge [sflag:s23], $0x1000  }
0x59: {  	[sflag:s23] =	ssyncset.done $0x0  }
0x5a: {  	[sflag:s23] =	ssyncadd.s32 $0xFFFFF000  }
0x5b: {  	_ =	swait.ge [sflag:s23], $0x1000  }
0x5c: {  	[sflag:s23] =	ssyncset.done $0x0  }
0x5d: {  	[sflag:s23] =	ssyncadd.s32 $0xFFFFF000  }
0x5e: {  	_ =	swait.ge [sflag:s23], $0x1000  }
0x5f: {  	(v2sf) =	vpush v38, $0x4;
	_ =	sdelay $0x1  }
0x60: {  	(v2sf) =	vpush v37, $0x4;
	_ =	sdelay $0x1  }
0x61: {  	(v2sf) =	vpush v38, $0x5  }
0x62: {  	(v2sf) =	vpush v37, $0x5;
	_ =	sdelay $0x3  }
0x63: {  	(v2sf) =	vpush v38, $0x6;
	_ =	sdelay $0x5  }
0x64: {  	s18 =	spop (v2sf);
	(v2sf) =	vpush v37, $0x6;
	_ =	sdelay $0x1  }
0x65: {  	s19 =	spop (v2sf);
	(v2sf) =	vpush v38, $0x7  }
0x66: {  	[sflag:s23] =	ssyncset.done $0x0  }
0x67: {  	[sflag:s23] =	ssyncadd.s32 $0xFFFFF000;
	s7 =	sand.u32 $0xFFFFF80, s18;
	s13 =	spop (v2sf);
	(v2sf) =	vpush v37, $0x7  }
0x68: {  	s4 =	sadd.s32 s1, s7;
	s8 =	sand.u32 $0xFFFFF80, s19;
	s11 =	spop (v2sf);
	(v2sf) =	vpush v38, $0x0  }
0x69: {  	[tilespmem:s14], [sflag:$0x2] =	stream.strided.gather [hbm4b:s4+s12], $0x1000, s15, s12, $0x38;
	[tilespmem:$0x10780] =	vst v63  }
0x6a: {  	s4 =	sadd.s32 s3, s8;
	s9 =	sand.u32 $0xFFFFF80, s13  }
0x6b: {  	(v2sf) =	vpush v37, $0x0;
	[tilespmem:s31], [sflag:$0x2] =	stream.strided.gather [hbm4b:s4+s12], $0x1000, s15, s12, $0x38;
	[tilespmem:$0x10780] =	vst v63  }
0x6c: {  	s14 =	sand.u32 $0xFFFFF80, s11;
	s4 =	sadd.s32 s1, s9;
	s9 =	spop (v2sf)  }
0x6d: {  	[tilespmem:s17], [sflag:$0x2] =	stream.strided.gather [hbm4b:s4+s12], $0x1000, s15, s12, $0x38;
	[tilespmem:$0x10780] =	vst v63  }
0x6e: {  	s4 =	sadd.s32 s3, s14;
	s17 =	sand.u32 $0xFFFFF80, s9  }
0x6f: {  	[tilespmem:s2], [sflag:$0x2] =	stream.strided.gather [hbm4b:s4+s12], $0x1000, s15, s12, $0x38;
	[tilespmem:$0x10780] =	vst v63  }
0x70: {  	s8 =	sadd.s32 s1, s17  }
0x71: {  	[tilespmem:s20], [sflag:$0x2] =	stream.strided.gather [hbm4b:s8+s12], $0x1000, s15, s12, $0x38;
	[tilespmem:$0x10780] =	vst v63  }
0x72: {  	s4 =	spop (v2sf)  }
0x73: {  	s20 =	sand.u32 $0xFFFFF80, s4  }
0x74: {  	s14 =	spop (v2sf);
	s8 =	sadd.s32 s3, s20  }
0x75: {  	[tilespmem:s30], [sflag:$0x2] =	stream.strided.gather [hbm4b:s8+s12], $0x1000, s15, s12, $0x38;
	[tilespmem:$0x10780] =	vst v63  }
0x76: {  	s22 =	sand.u32 $0xFFFFF80, s14;
	s8 =	spop (v2sf)  }
0x77: {  	s17 =	sadd.s32 s1, s22;
	s25 =	spop (v2sf)  }
0x78: {  	(v2sf) =	vpush v38, $0x1;
	[tilespmem:s21], [sflag:$0x2] =	stream.strided.gather [hbm4b:s17+s12], $0x1000, s15, s12, $0x38;
	[tilespmem:$0x10780] =	vst v63  }
0x79: {  	s17 =	sand.u32 $0x7F, s25  }
0x7a: {  	s28 =	spop (v2sf);
	(v2sf) =	vpush v37, $0x1;
	v39 =	vor.u32 s17, v0  }
0x7b: {  	s20 =	sand.u32 $0x7F, s28;
	v40 =	vor.u32 s17, v1  }
0x7c: {  	s7 =	sand.u32 $0xFFFFF80, s8;
	v41 =	vor.u32 s20, v0  }
0x7d: {  	s17 =	sadd.s32 s3, s7;
	v42 =	vor.u32 s20, v1  }
0x7e: {  	[tilespmem:s26], [sflag:$0x2] =	stream.strided.gather [hbm4b:s17+s12], $0x1000, s15, s12, $0x38;
	[tilespmem:$0x10780] =	vst v63  }
0x7f: {  	v39 =	vld.idx.msk [tilespmem:v39+s12+$0x0], $0xffff  }
0x80: {  	v40 =	vld.idx.msk [tilespmem:v40+s12+$0x0], $0xffff  }
0x81: {  	v41 =	vld.idx.msk [tilespmem:v41+s16+$0x0], $0xffff  }
0x82: {  	v42 =	vld.idx.msk [tilespmem:v42+s16+$0x0], $0xffff;
	_ =	sdelay $0x3  }
0x83: {  	v39 =	vmul.f32 v41, v39  }
0x84: {  	(v2sf) =	vpush v38, $0x2;
	v40 =	vmul.f32 v42, v40;
	s21 =	spop (v2sf)  }
0x85: {  	v39 =	vmul.f32 v39, v32;
	s17 =	sand.u32 $0x7F, s21  }
0x86: {  	v40 =	vmul.f32 v40, v33;
	(v2sf) =	vpush v37, $0x2;
	s22 =	spop (v2sf);
	v56 =	vor.u32 s17, v2  }
0x87: {  	s20 =	sand.u32 $0x7F, s22;
	v57 =	vor.u32 s17, v3  }
0x88: {  	v39 =	vadd.f32 v40, v39;
	v58 =	vor.u32 s20, v2  }
0x89: {  	v43 =	vor.u32 s20, v3  }
0x8a: {  	[tilespmem:$0x10400] =	vst v39  }
0x8b: {  	v39 =	vld.idx.msk [tilespmem:v56+s12+$0x0], $0xffff  }
0x8c: {  	v59 =	vld.idx.msk [tilespmem:v57+s12+$0x0], $0xffff  }
0x8d: {  	v40 =	vld.idx.msk [tilespmem:v58+s16+$0x0], $0xffff  }
0x8e: {  	v60 =	vld.idx.msk [tilespmem:v43+s16+$0x0], $0xffff;
	_ =	sdelay $0x4  }
0x8f: {  	(v2sf) =	vpush v38, $0x3;
	s25 =	spop (v2sf);
	v39 =	vmul.f32 v40, v39;
	v61 =	vmul.f32 v60, v59  }
0x90: {  	(v2sf) =	vpush v37, $0x3;
	s17 =	sand.u32 $0x7F, s25  }
0x91: {  	v62 =	vor.u32 s17, v4;
	v39 =	vmul.f32 v39, v32;
	v40 =	vmul.f32 v61, v33;
	s26 =	spop (v2sf)  }
0x92: {  	v63 =	vor.u32 s17, v5;
	s20 =	sand.u32 $0x7F, s26  }
0x93: {  	v39 =	vadd.f32 v40, v39;
	v45 =	vor.u32 s20, v4  }
0x94: {  	v46 =	vor.u32 s20, v5  }
0x95: {  	[tilespmem:$0x10410] =	vst v39  }
0x96: {  	v39 =	vld.idx.msk [tilespmem:v62+s12+$0x0], $0xffff  }
0x97: {  	v47 =	vld.idx.msk [tilespmem:v63+s12+$0x0], $0xffff  }
0x98: {  	v40 =	vld.idx.msk [tilespmem:v45+s16+$0x0], $0xffff  }
0x99: {  	v48 =	vld.idx.msk [tilespmem:v46+s16+$0x0], $0xffff;
	_ =	sdelay $0x4  }
0x9a: {  	s28 =	spop (v2sf);
	v39 =	vmul.f32 v40, v39;
	v49 =	vmul.f32 v48, v47  }
0x9b: {  	s17 =	sand.u32 $0x7F, s28  }
0x9c: {  	s7 =	spop (v2sf);
	v50 =	vor.u32 s17, v6;
	v39 =	vmul.f32 v39, v32;
	v40 =	vmul.f32 v49, v33  }
0x9d: {  	s20 =	sand.u32 $0x7F, s7;
	v51 =	vor.u32 s17, v7  }
0x9e: {  	v52 =	vor.u32 s20, v6;
	v39 =	vadd.f32 v40, v39  }
0x9f: {  	v53 =	vor.u32 s20, v7  }
0xa0: {  	[tilespmem:$0x10420] =	vst v39  }
0xa1: {  	v39 =	vld.idx.msk [tilespmem:v50+s12+$0x0], $0xffff  }
0xa2: {  	v54 =	vld.idx.msk [tilespmem:v51+s12+$0x0], $0xffff  }
0xa3: {  	v40 =	vld.idx.msk [tilespmem:v52+s16+$0x0], $0xffff  }
0xa4: {  	v55 =	vld.idx.msk [tilespmem:v53+s16+$0x0], $0xffff;
	_ =	sdelay $0x4  }
0xa5: {  	v39 =	vmul.f32 v40, v39;
	v56 =	vmul.f32 v55, v54;
	_ =	sdelay $0x1  }
0xa6: {  	v39 =	vmul.f32 v39, v32;
	v40 =	vmul.f32 v56, v33;
	_ =	sdelay $0x1  }
0xa7: {  	v39 =	vadd.f32 v40, v39;
	_ =	sdelay $0x1  }
0xa8: {  	[tilespmem:$0x10430] =	vst v39  }
0xa9: {  	_ =	swait.ge [sflag:s0], $0x1000  }
0xaa: {  	[sflag:s0] =	ssyncset.done $0x0  }
0xab: {  	[sflag:s0] =	ssyncadd.s32 $0xFFFFF000  }
0xac: {  	_ =	swait.ge [sflag:s0], $0x1000  }
0xad: {  	[sflag:s0] =	ssyncset.done $0x0  }
0xae: {  	[sflag:s0] =	ssyncadd.s32 $0xFFFFF000  }
0xaf: {  	_ =	swait.ge [sflag:s0], $0x1000  }
0xb0: {  	[sflag:s0] =	ssyncset.done $0x0  }
0xb1: {  	[sflag:s0] =	ssyncadd.s32 $0xFFFFF000  }
0xb2: {  	_ =	swait.ge [sflag:s0], $0x1000  }
0xb3: {  	[sflag:s0] =	ssyncset.done $0x0  }
0xb4: {  	[sflag:s0] =	ssyncadd.s32 $0xFFFFF000  }
0xb5: {  	_ =	swait.ge [sflag:s0], $0x1000  }
0xb6: {  	[sflag:s0] =	ssyncset.done $0x0  }
0xb7: {  	[sflag:s0] =	ssyncadd.s32 $0xFFFFF000  }
0xb8: {  	_ =	swait.ge [sflag:s0], $0x1000  }
0xb9: {  	[sflag:s0] =	ssyncset.done $0x0  }
0xba: {  	[sflag:s0] =	ssyncadd.s32 $0xFFFFF000  }
0xbb: {  	_ =	swait.ge [sflag:s0], $0x1000  }
0xbc: {  	[sflag:s0] =	ssyncset.done $0x0  }
0xbd: {  	[sflag:s0] =	ssyncadd.s32 $0xFFFFF000  }
0xbe: {  	_ =	swait.ge [sflag:s0], $0x1000  }
0xbf: {  	(v2sf) =	vpush v38, $0x8;
	_ =	sdelay $0x1  }
0xc0: {  	(v2sf) =	vpush v37, $0x8  }
0xc1: {  	(v2sf) =	vpush v38, $0x9;
	_ =	sdelay $0x3  }
0xc2: {  	(v2sf) =	vpush v37, $0x9;
	_ =	sdelay $0x2  }
0xc3: {  	(v2sf) =	vpush v38, $0xA;
	_ =	sdelay $0x4  }
0xc4: {  	s26 =	spop (v2sf);
	(v2sf) =	vpush v37, $0xA  }
0xc5: {  	[sflag:s0] =	ssyncset.done $0x0  }
0xc6: {  	[sflag:s0] =	ssyncadd.s32 $0xFFFFF000;
	s20 =	sand.u32 $0xFFFFF80, s26;
	s28 =	spop (v2sf)  }
0xc7: {  	s17 =	sadd.s32 s1, s20;
	s21 =	sand.u32 $0xFFFFF80, s28;
	s25 =	spop (v2sf)  }
0xc8: {  	(v2sf) =	vpush v38, $0xB;
	[tilespmem:s12], [sflag:$0x1] =	stream.strided.gather [hbm4b:s17+s12], $0x1000, s15, s12, $0x38;
	[tilespmem:$0x10780] =	vst v63  }
0xc9: {  	s17 =	sadd.s32 s3, s21;
	s22 =	sand.u32 $0xFFFFF80, s25  }
0xca: {  	[tilespmem:s16], [sflag:$0x1] =	stream.strided.gather [hbm4b:s17+s12], $0x1000, s15, s12, $0x38;
	[tilespmem:$0x10780] =	vst v63  }
0xcb: {  	s21 =	spop (v2sf);
	s17 =	sadd.s32 s1, s22  }
0xcc: {  	(v2sf) =	vpush v37, $0xB;
	[tilespmem:s24], [sflag:$0x1] =	stream.strided.gather [hbm4b:s17+s12], $0x1000, s15, s12, $0x38;
	[tilespmem:$0x10780] =	vst v63  }
0xcd: {  	s24 =	sand.u32 $0xFFFFF80, s21  }
0xce: {  	s17 =	sadd.s32 s3, s24;
	s24 =	spop (v2sf)  }
0xcf: {  	[tilespmem:s29], [sflag:$0x1] =	stream.strided.gather [hbm4b:s17+s12], $0x1000, s15, s12, $0x38;
	[tilespmem:$0x10780] =	vst v63  }
0xd0: {  	s7 =	sand.u32 $0xFFFFF80, s24  }
0xd1: {  	s22 =	simm.s32 $0x2400;
	s17 =	sadd.s32 s1, s7  }
0xd2: {  	[tilespmem:s22], [sflag:$0x1] =	stream.strided.gather [hbm4b:s17+s12], $0x1000, s15, s12, $0x38;
	[tilespmem:$0x10780] =	vst v63  }
0xd3: {  	s20 =	spop (v2sf)  }
0xd4: {  	s7 =	sand.u32 $0xFFFFF80, s20  }
0xd5: {  	s22 =	simm.s32 $0xA400;
	s17 =	sadd.s32 s3, s7  }
0xd6: {  	[tilespmem:s22], [sflag:$0x1] =	stream.strided.gather [hbm4b:s17+s12], $0x1000, s15, s12, $0x38;
	[tilespmem:$0x10780] =	vst v63  }
0xd7: {  	s17 =	spop (v2sf)  }
0xd8: {  	s22 =	sand.u32 $0xFFFFF80, s17  }
0xd9: {  	s29 =	sand.u32 $0x7F, s18;
	s18 =	simm.s32 $0x3400;
	s22 =	sadd.s32 s1, s22  }
0xda: {  	v57 =	vor.u32 s29, v8;
	[tilespmem:s18], [sflag:$0x1] =	stream.strided.gather [hbm4b:s22+s12], $0x1000, s15, s12, $0x38;
	[tilespmem:$0x10780] =	vst v63  }
0xdb: {  	s19 =	sand.u32 $0x7F, s19;
	v58 =	vor.u32 s29, v9;
	s18 =	spop (v2sf)  }
0xdc: {  	v59 =	vor.u32 s19, v8;
	s7 =	sand.u32 $0xFFFFF80, s18  }
0xdd: {  	v60 =	vor.u32 s19, v9;
	s19 =	simm.s32 $0xB400;
	s22 =	sadd.s32 s3, s7  }
0xde: {  	[tilespmem:s19], [sflag:$0x1] =	stream.strided.gather [hbm4b:s22+s12], $0x1000, s15, s12, $0x38;
	[tilespmem:$0x10780] =	vst v63  }
0xdf: {  	v39 =	vld.idx.msk [tilespmem:v57+s12+$0x0], $0xffff  }
0xe0: {  	v40 =	vld.idx.msk [tilespmem:v58+s12+$0x0], $0xffff  }
0xe1: {  	v41 =	vld.idx.msk [tilespmem:v59+s16+$0x0], $0xffff  }
0xe2: {  	v42 =	vld.idx.msk [tilespmem:v60+s16+$0x0], $0xffff;
	_ =	sdelay $0x4  }
0xe3: {  	v39 =	vmul.f32 v41, v39;
	v40 =	vmul.f32 v42, v40  }
0xe4: {  	s13 =	sand.u32 $0x7F, s13  }
0xe5: {  	v61 =	vor.u32 s13, v10;
	v39 =	vmul.f32 v39, v32;
	v40 =	vmul.f32 v40, v33  }
0xe6: {  	s11 =	sand.u32 $0x7F, s11;
	v62 =	vor.u32 s13, v11  }
0xe7: {  	v63 =	vor.u32 s11, v10;
	v39 =	vadd.f32 v40, v39  }
0xe8: {  	v45 =	vor.u32 s11, v11  }
0xe9: {  	[tilespmem:$0x10440] =	vst v39  }
0xea: {  	v39 =	vld.idx.msk [tilespmem:v61+s12+$0x0], $0xffff  }
0xeb: {  	v46 =	vld.idx.msk [tilespmem:v62+s12+$0x0], $0xffff  }
0xec: {  	v40 =	vld.idx.msk [tilespmem:v63+s16+$0x0], $0xffff  }
0xed: {  	v47 =	vld.idx.msk [tilespmem:v45+s16+$0x0], $0xffff;
	_ =	sdelay $0x4  }
0xee: {  	v39 =	vmul.f32 v40, v39;
	v48 =	vmul.f32 v47, v46  }
0xef: {  	s9 =	sand.u32 $0x7F, s9  }
0xf0: {  	v49 =	vor.u32 s9, v12;
	v39 =	vmul.f32 v39, v32;
	v40 =	vmul.f32 v48, v33  }
0xf1: {  	s4 =	sand.u32 $0x7F, s4;
	v50 =	vor.u32 s9, v14  }
0xf2: {  	v51 =	vor.u32 s4, v12;
	v39 =	vadd.f32 v40, v39  }
0xf3: {  	v52 =	vor.u32 s4, v14  }
0xf4: {  	[tilespmem:$0x10450] =	vst v39  }
0xf5: {  	v39 =	vld.idx.msk [tilespmem:v49+s12+$0x0], $0xffff  }
0xf6: {  	v53 =	vld.idx.msk [tilespmem:v50+s12+$0x0], $0xffff  }
0xf7: {  	v40 =	vld.idx.msk [tilespmem:v51+s16+$0x0], $0xffff  }
0xf8: {  	v54 =	vld.idx.msk [tilespmem:v52+s16+$0x0], $0xffff;
	_ =	sdelay $0x4  }
0xf9: {  	v39 =	vmul.f32 v40, v39;
	v55 =	vmul.f32 v54, v53  }
0xfa: {  	s22 =	sand.u32 $0x7F, s14  }
0xfb: {  	v56 =	vor.u32 s22, v15;
	v39 =	vmul.f32 v39, v32;
	v40 =	vmul.f32 v55, v33  }
0xfc: {  	s8 =	sand.u32 $0x7F, s8;
	v57 =	vor.u32 s22, v16  }
0xfd: {  	v58 =	vor.u32 s8, v15;
	v39 =	vadd.f32 v40, v39  }
0xfe: {  	v59 =	vor.u32 s8, v16  }
0xff: {  	[tilespmem:$0x10460] =	vst v39  }
0x100: {  	v39 =	vld.idx.msk [tilespmem:v56+s12+$0x0], $0xffff  }
0x101: {  	v60 =	vld.idx.msk [tilespmem:v57+s12+$0x0], $0xffff  }
0x102: {  	v40 =	vld.idx.msk [tilespmem:v58+s16+$0x0], $0xffff  }
0x103: {  	v61 =	vld.idx.msk [tilespmem:v59+s16+$0x0], $0xffff;
	_ =	sdelay $0x4  }
0x104: {  	v39 =	vmul.f32 v40, v39;
	v62 =	vmul.f32 v61, v60;
	_ =	sdelay $0x1  }
0x105: {  	v39 =	vmul.f32 v39, v32;
	v40 =	vmul.f32 v62, v33;
	_ =	sdelay $0x1  }
0x106: {  	v39 =	vadd.f32 v40, v39;
	_ =	sdelay $0x1  }
0x107: {  	[tilespmem:$0x10470] =	vst v39  }
0x108: {  	_ =	swait.ge [sflag:s23], $0x1000  }
0x109: {  	[sflag:s23] =	ssyncset.done $0x0  }
0x10a: {  	[sflag:s23] =	ssyncadd.s32 $0xFFFFF000  }
0x10b: {  	_ =	swait.ge [sflag:s23], $0x1000  }
0x10c: {  	[sflag:s23] =	ssyncset.done $0x0  }
0x10d: {  	[sflag:s23] =	ssyncadd.s32 $0xFFFFF000  }
0x10e: {  	_ =	swait.ge [sflag:s23], $0x1000  }
0x10f: {  	[sflag:s23] =	ssyncset.done $0x0  }
0x110: {  	[sflag:s23] =	ssyncadd.s32 $0xFFFFF000  }
0x111: {  	_ =	swait.ge [sflag:s23], $0x1000  }
0x112: {  	[sflag:s23] =	ssyncset.done $0x0  }
0x113: {  	[sflag:s23] =	ssyncadd.s32 $0xFFFFF000  }
0x114: {  	_ =	swait.ge [sflag:s23], $0x1000  }
0x115: {  	[sflag:s23] =	ssyncset.done $0x0  }
0x116: {  	[sflag:s23] =	ssyncadd.s32 $0xFFFFF000  }
0x117: {  	_ =	swait.ge [sflag:s23], $0x1000  }
0x118: {  	[sflag:s23] =	ssyncset.done $0x0  }
0x119: {  	[sflag:s23] =	ssyncadd.s32 $0xFFFFF000  }
0x11a: {  	_ =	swait.ge [sflag:s23], $0x1000  }
0x11b: {  	[sflag:s23] =	ssyncset.done $0x0  }
0x11c: {  	[sflag:s23] =	ssyncadd.s32 $0xFFFFF000  }
0x11d: {  	_ =	swait.ge [sflag:s23], $0x1000  }
0x11e: {  	(v2sf) =	vpush v38, $0xC;
	_ =	sdelay $0x1  }
0x11f: {  	(v2sf) =	vpush v37, $0xC  }
0x120: {  	(v2sf) =	vpush v38, $0xD;
	_ =	sdelay $0x2  }
0x121: {  	(v2sf) =	vpush v37, $0xD;
	_ =	sdelay $0x3  }
0x122: {  	(v2sf) =	vpush v38, $0xE;
	_ =	sdelay $0x4  }
0x123: {  	s22 =	spop (v2sf);
	(v2sf) =	vpush v37, $0xE  }
0x124: {  	s31 =	simm.s32 $0x4400  }
0x125: {  	[sflag:s23] =	ssyncset.done $0x0;
	s7 =	sand.u32 $0xFFFFF80, s22;
	s19 =	spop (v2sf)  }
0x126: {  	[sflag:s23] =	ssyncadd.s32 $0xFFFFF000;
	s4 =	sadd.s32 s1, s7;
	s14 =	spop (v2sf)  }
0x127: {  	(v2sf) =	vpush v38, $0xF;
	[tilespmem:s31], [sflag:$0x2] =	stream.strided.gather [hbm4b:s4+s12], $0x1000, s15, s12, $0x38;
	[tilespmem:$0x10780] =	vst v63  }
0x128: {  	s8 =	sand.u32 $0xFFFFF80, s19;
	s31 =	simm.s32 $0xC400  }
0x129: {  	s4 =	sadd.s32 s3, s8;
	s9 =	sand.u32 $0xFFFFF80, s14;
	s13 =	spop (v2sf)  }
0x12a: {  	[tilespmem:s31], [sflag:$0x2] =	stream.strided.gather [hbm4b:s4+s12], $0x1000, s15, s12, $0x38;
	[tilespmem:$0x10780] =	vst v63  }
0x12b: {  	s2 =	simm.s32 $0x5400;
	(v2sf) =	vpush v37, $0xF;
	s11 =	sand.u32 $0xFFFFF80, s13;
	s4 =	sadd.s32 s1, s9  }
0x12c: {  	[tilespmem:s2], [sflag:$0x2] =	stream.strided.gather [hbm4b:s4+s12], $0x1000, s15, s12, $0x38;
	[tilespmem:$0x10780] =	vst v63  }
0x12d: {  	s4 =	sadd.s32 s3, s11;
	s11 =	spop (v2sf)  }
0x12e: {  	s2 =	simm.s32 $0xD400;
	s7 =	sand.u32 $0xFFFFF80, s11  }
0x12f: {  	[tilespmem:s2], [sflag:$0x2] =	stream.strided.gather [hbm4b:s4+s12], $0x1000, s15, s12, $0x38;
	[tilespmem:$0x10780] =	vst v63  }
0x130: {  	s30 =	simm.s32 $0x6400;
	s4 =	sadd.s32 s1, s7  }
0x131: {  	[tilespmem:s30], [sflag:$0x2] =	stream.strided.gather [hbm4b:s4+s12], $0x1000, s15, s12, $0x38;
	[tilespmem:$0x10780] =	vst v63  }
0x132: {  	s9 =	spop (v2sf)  }
0x133: {  	s8 =	sand.u32 $0xFFFFF80, s9  }
0x134: {  	s30 =	simm.s32 $0xE400;
	s4 =	sadd.s32 s3, s8  }
0x135: {  	[tilespmem:s30], [sflag:$0x2] =	stream.strided.gather [hbm4b:s4+s12], $0x1000, s15, s12, $0x38;
	[tilespmem:$0x10780] =	vst v63  }
0x136: {  	s4 =	spop (v2sf)  }
0x137: {  	s7 =	sand.u32 $0xFFFFF80, s4  }
0x138: {  	s26 =	sand.u32 $0x7F, s26;
	s8 =	sadd.s32 s1, s7;
	s7 =	simm.s32 $0x7400  }
0x139: {  	v63 =	vor.u32 s26, v0;
	[tilespmem:s7], [sflag:$0x2] =	stream.strided.gather [hbm4b:s8+s12], $0x1000, s15, s12, $0x38;
	[tilespmem:$0x10780] =	vst v63  }
0x13a: {  	s28 =	sand.u32 $0x7F, s28;
	v44 =	vor.u32 s26, v1;
	s8 =	spop (v2sf)  }
0x13b: {  	v45 =	vor.u32 s28, v0;
	s7 =	sand.u32 $0xFFFFF80, s8  }
0x13c: {  	v46 =	vor.u32 s28, v1;
	s28 =	simm.s32 $0xF400;
	s26 =	sadd.s32 s3, s7  }
0x13d: {  	[tilespmem:s28], [sflag:$0x2] =	stream.strided.gather [hbm4b:s26+s12], $0x1000, s15, s12, $0x38;
	[tilespmem:$0x10780] =	vst v63  }
0x13e: {  	v37 =	vld.idx.msk [tilespmem:v63+s12+$0x0], $0xffff  }
0x13f: {  	v38 =	vld.idx.msk [tilespmem:v44+s12+$0x0], $0xffff  }
0x140: {  	v39 =	vld.idx.msk [tilespmem:v45+s16+$0x0], $0xffff  }
0x141: {  	v40 =	vld.idx.msk [tilespmem:v46+s16+$0x0], $0xffff;
	_ =	sdelay $0x4  }
0x142: {  	v37 =	vmul.f32 v39, v37;
	v38 =	vmul.f32 v40, v38  }
0x143: {  	s25 =	sand.u32 $0x7F, s25  }
0x144: {  	v47 =	vor.u32 s25, v2;
	v37 =	vmul.f32 v37, v32;
	v38 =	vmul.f32 v38, v33  }
0x145: {  	s21 =	sand.u32 $0x7F, s21;
	v48 =	vor.u32 s25, v3  }
0x146: {  	v49 =	vor.u32 s21, v2;
	v37 =	vadd.f32 v38, v37  }
0x147: {  	v50 =	vor.u32 s21, v3  }
0x148: {  	[tilespmem:$0x10480] =	vst v37  }
0x149: {  	v37 =	vld.idx.msk [tilespmem:v47+s12+$0x0], $0xffff  }
0x14a: {  	v51 =	vld.idx.msk [tilespmem:v48+s12+$0x0], $0xffff  }
0x14b: {  	v38 =	vld.idx.msk [tilespmem:v49+s16+$0x0], $0xffff  }
0x14c: {  	v52 =	vld.idx.msk [tilespmem:v50+s16+$0x0], $0xffff;
	_ =	sdelay $0x4  }
0x14d: {  	v37 =	vmul.f32 v38, v37;
	v53 =	vmul.f32 v52, v51  }
0x14e: {  	s25 =	sand.u32 $0x7F, s24  }
0x14f: {  	v54 =	vor.u32 s25, v4;
	v37 =	vmul.f32 v37, v32;
	v38 =	vmul.f32 v53, v33  }
0x150: {  	s20 =	sand.u32 $0x7F, s20;
	v55 =	vor.u32 s25, v5  }
0x151: {  	v56 =	vor.u32 s20, v4;
	v37 =	vadd.f32 v38, v37  }
0x152: {  	v57 =	vor.u32 s20, v5  }
0x153: {  	[tilespmem:$0x10490] =	vst v37  }
0x154: {  	v37 =	vld.idx.msk [tilespmem:v54+s12+$0x0], $0xffff  }
0x155: {  	v58 =	vld.idx.msk [tilespmem:v55+s12+$0x0], $0xffff  }
0x156: {  	v38 =	vld.idx.msk [tilespmem:v56+s16+$0x0], $0xffff  }
0x157: {  	v59 =	vld.idx.msk [tilespmem:v57+s16+$0x0], $0xffff;
	_ =	sdelay $0x4  }
0x158: {  	v37 =	vmul.f32 v38, v37;
	v60 =	vmul.f32 v59, v58  }
0x159: {  	s17 =	sand.u32 $0x7F, s17  }
0x15a: {  	v61 =	vor.u32 s17, v6;
	v37 =	vmul.f32 v37, v32;
	v38 =	vmul.f32 v60, v33  }
0x15b: {  	v62 =	vor.u32 s17, v7;
	s28 =	sand.u32 $0x7F, s18  }
0x15c: {  	v63 =	vor.u32 s28, v6;
	v37 =	vadd.f32 v38, v37  }
0x15d: {  	v44 =	vor.u32 s28, v7  }
0x15e: {  	[tilespmem:$0x104A0] =	vst v37  }
0x15f: {  	v37 =	vld.idx.msk [tilespmem:v61+s12+$0x0], $0xffff  }
0x160: {  	v45 =	vld.idx.msk [tilespmem:v62+s12+$0x0], $0xffff  }
0x161: {  	v38 =	vld.idx.msk [tilespmem:v63+s16+$0x0], $0xffff  }
0x162: {  	v46 =	vld.idx.msk [tilespmem:v44+s16+$0x0], $0xffff;
	_ =	sdelay $0x4  }
0x163: {  	v37 =	vmul.f32 v38, v37;
	v47 =	vmul.f32 v46, v45;
	_ =	sdelay $0x1  }
0x164: {  	v37 =	vmul.f32 v37, v32;
	v38 =	vmul.f32 v47, v33;
	_ =	sdelay $0x1  }
0x165: {  	v37 =	vadd.f32 v38, v37;
	_ =	sdelay $0x1  }
0x166: {  	[tilespmem:$0x104B0] =	vst v37  }
0x167: {  	_ =	swait.ge [sflag:s0], $0x1000  }
0x168: {  	[sflag:s0] =	ssyncset.done $0x0  }
0x169: {  	[sflag:s0] =	ssyncadd.s32 $0xFFFFF000  }
0x16a: {  	_ =	swait.ge [sflag:s0], $0x1000  }
0x16b: {  	[sflag:s0] =	ssyncset.done $0x0  }
0x16c: {  	[sflag:s0] =	ssyncadd.s32 $0xFFFFF000  }
0x16d: {  	_ =	swait.ge [sflag:s0], $0x1000  }
0x16e: {  	[sflag:s0] =	ssyncset.done $0x0  }
0x16f: {  	[sflag:s0] =	ssyncadd.s32 $0xFFFFF000  }
0x170: {  	_ =	swait.ge [sflag:s0], $0x1000  }
0x171: {  	[sflag:s0] =	ssyncset.done $0x0  }
0x172: {  	[sflag:s0] =	ssyncadd.s32 $0xFFFFF000  }
0x173: {  	_ =	swait.ge [sflag:s0], $0x1000  }
0x174: {  	[sflag:s0] =	ssyncset.done $0x0  }
0x175: {  	[sflag:s0] =	ssyncadd.s32 $0xFFFFF000  }
0x176: {  	_ =	swait.ge [sflag:s0], $0x1000  }
0x177: {  	[sflag:s0] =	ssyncset.done $0x0  }
0x178: {  	[sflag:s0] =	ssyncadd.s32 $0xFFFFF000  }
0x179: {  	_ =	swait.ge [sflag:s0], $0x1000  }
0x17a: {  	[sflag:s0] =	ssyncset.done $0x0  }
0x17b: {  	[sflag:s0] =	ssyncadd.s32 $0xFFFFF000  }
0x17c: {  	_ =	swait.ge [sflag:s0], $0x1000  }
0x17d: {  	(v2sf) =	vpush v36, $0x0;
	_ =	sdelay $0x1  }
0x17e: {  	(v2sf) =	vpush v35, $0x0;
	_ =	sdelay $0x1  }
0x17f: {  	(v2sf) =	vpush v36, $0x1;
	_ =	sdelay $0x2  }
0x180: {  	(v2sf) =	vpush v35, $0x1;
	_ =	sdelay $0x7  }
0x181: {  	s7 =	spop (v2sf);
	(v2sf) =	vpush v36, $0x2;
	_ =	sdelay $0x1  }
0x182: {  	s18 =	spop (v2sf);
	(v2sf) =	vpush v35, $0x2  }
0x183: {  	[sflag:s0] =	ssyncset.done $0x0;
	s17 =	sand.u32 $0xFFFFF80, s7  }
0x184: {  	[sflag:s0] =	ssyncadd.s32 $0xFFFFF000;
	s17 =	sadd.s32 s1, s17;
	s25 =	spop (v2sf)  }
0x185: {  	(v2sf) =	vpush v36, $0x3;
	[tilespmem:s12], [sflag:$0x1] =	stream.strided.gather [hbm4b:s17+s12], $0x1000, s15, s12, $0x38;
	[tilespmem:$0x10780] =	vst v63  }
0x186: {  	s17 =	sand.u32 $0xFFFFF80, s18  }
0x187: {  	s28 =	spop (v2sf);
	s17 =	sadd.s32 s3, s17  }
0x188: {  	(v2sf) =	vpush v35, $0x3;
	[tilespmem:s16], [sflag:$0x1] =	stream.strided.gather [hbm4b:s17+s12], $0x1000, s15, s12, $0x38;
	[tilespmem:$0x10780] =	vst v63  }
0x189: {  	s17 =	sand.u32 $0xFFFFF80, s25  }
0x18a: {  	s24 =	simm.s32 $0x1400;
	s17 =	sadd.s32 s1, s17  }
0x18b: {  	[tilespmem:s24], [sflag:$0x1] =	stream.strided.gather [hbm4b:s17+s12], $0x1000, s15, s12, $0x38;
	[tilespmem:$0x10780] =	vst v63  }
0x18c: {  	s17 =	sand.u32 $0xFFFFF80, s28  }
0x18d: {  	s29 =	simm.s32 $0x9400;
	s17 =	sadd.s32 s3, s17  }
0x18e: {  	[tilespmem:s29], [sflag:$0x1] =	stream.strided.gather [hbm4b:s17+s12], $0x1000, s15, s12, $0x38;
	[tilespmem:$0x10780] =	vst v63  }
0x18f: {  	s7 =	spop (v2sf)  }
0x190: {  	s17 =	sand.u32 $0xFFFFF80, s7  }
0x191: {  	s18 =	simm.s32 $0x2400;
	s25 =	spop (v2sf);
	s17 =	sadd.s32 s1, s17  }
0x192: {  	[tilespmem:s18], [sflag:$0x1] =	stream.strided.gather [hbm4b:s17+s12], $0x1000, s15, s12, $0x38;
	[tilespmem:$0x10780] =	vst v63  }
0x193: {  	s17 =	sand.u32 $0xFFFFF80, s25  }
0x194: {  	s28 =	simm.s32 $0xA400;
	s18 =	spop (v2sf);
	s17 =	sadd.s32 s3, s17  }
0x195: {  	[tilespmem:s28], [sflag:$0x1] =	stream.strided.gather [hbm4b:s17+s12], $0x1000, s15, s12, $0x38;
	[tilespmem:$0x10780] =	vst v63  }
0x196: {  	s19 =	sand.u32 $0x7F, s19;
	s25 =	sand.u32 $0x7F, s22;
	s17 =	sand.u32 $0xFFFFF80, s18  }
0x197: {  	v48 =	vor.u32 s25, v8;
	s28 =	simm.s32 $0x3400;
	s18 =	spop (v2sf);
	s17 =	sadd.s32 s1, s17  }
0x198: {  	v49 =	vor.u32 s25, v9;
	[tilespmem:s28], [sflag:$0x1] =	stream.strided.gather [hbm4b:s17+s12], $0x1000, s15, s12, $0x38;
	[tilespmem:$0x10780] =	vst v63  }
0x199: {  	v50 =	vor.u32 s19, v8;
	s17 =	sand.u32 $0xFFFFF80, s18  }
0x19a: {  	v51 =	vor.u32 s19, v9;
	s22 =	simm.s32 $0xB400;
	s17 =	sadd.s32 s3, s17  }
0x19b: {  	[tilespmem:s22], [sflag:$0x1] =	stream.strided.gather [hbm4b:s17+s12], $0x1000, s15, s12, $0x38;
	[tilespmem:$0x10780] =	vst v63  }
0x19c: {  	v35 =	vld.idx.msk [tilespmem:v48+s12+$0x0], $0xffff  }
0x19d: {  	v36 =	vld.idx.msk [tilespmem:v49+s12+$0x0], $0xffff  }
0x19e: {  	v37 =	vld.idx.msk [tilespmem:v50+s16+$0x0], $0xffff  }
0x19f: {  	v38 =	vld.idx.msk [tilespmem:v51+s16+$0x0], $0xffff;
	_ =	sdelay $0x4  }
0x1a0: {  	v35 =	vmul.f32 v37, v35;
	v36 =	vmul.f32 v38, v36  }
0x1a1: {  	s14 =	sand.u32 $0x7F, s14  }
0x1a2: {  	v52 =	vor.u32 s14, v10;
	v35 =	vmul.f32 v35, v32;
	v36 =	vmul.f32 v36, v33  }
0x1a3: {  	s13 =	sand.u32 $0x7F, s13;
	v53 =	vor.u32 s14, v11  }
0x1a4: {  	v54 =	vor.u32 s13, v10;
	v35 =	vadd.f32 v36, v35  }
0x1a5: {  	v55 =	vor.u32 s13, v11  }
0x1a6: {  	[tilespmem:$0x104C0] =	vst v35  }
0x1a7: {  	v35 =	vld.idx.msk [tilespmem:v52+s12+$0x0], $0xffff  }
0x1a8: {  	v56 =	vld.idx.msk [tilespmem:v53+s12+$0x0], $0xffff  }
0x1a9: {  	v36 =	vld.idx.msk [tilespmem:v54+s16+$0x0], $0xffff  }
0x1aa: {  	v57 =	vld.idx.msk [tilespmem:v55+s16+$0x0], $0xffff;
	_ =	sdelay $0x4  }
0x1ab: {  	v35 =	vmul.f32 v36, v35;
	v58 =	vmul.f32 v57, v56  }
0x1ac: {  	s11 =	sand.u32 $0x7F, s11  }
0x1ad: {  	v59 =	vor.u32 s11, v12;
	v35 =	vmul.f32 v35, v32;
	v36 =	vmul.f32 v58, v33  }
0x1ae: {  	s9 =	sand.u32 $0x7F, s9;
	v60 =	vor.u32 s11, v14  }
0x1af: {  	v61 =	vor.u32 s9, v12;
	v35 =	vadd.f32 v36, v35  }
0x1b0: {  	v62 =	vor.u32 s9, v14  }
0x1b1: {  	[tilespmem:$0x104D0] =	vst v35  }
0x1b2: {  	v35 =	vld.idx.msk [tilespmem:v59+s12+$0x0], $0xffff  }
0x1b3: {  	v63 =	vld.idx.msk [tilespmem:v60+s12+$0x0], $0xffff  }
0x1b4: {  	v36 =	vld.idx.msk [tilespmem:v61+s16+$0x0], $0xffff  }
0x1b5: {  	v40 =	vld.idx.msk [tilespmem:v62+s16+$0x0], $0xffff;
	_ =	sdelay $0x4  }
0x1b6: {  	v35 =	vmul.f32 v36, v35;
	v41 =	vmul.f32 v40, v63  }
0x1b7: {  	s4 =	sand.u32 $0x7F, s4  }
0x1b8: {  	v42 =	vor.u32 s4, v15;
	v35 =	vmul.f32 v35, v32;
	v36 =	vmul.f32 v41, v33  }
0x1b9: {  	v43 =	vor.u32 s4, v16;
	s25 =	sand.u32 $0x7F, s8  }
0x1ba: {  	v44 =	vor.u32 s25, v15;
	v35 =	vadd.f32 v36, v35  }
0x1bb: {  	v45 =	vor.u32 s25, v16  }
0x1bc: {  	[tilespmem:$0x104E0] =	vst v35  }
0x1bd: {  	v35 =	vld.idx.msk [tilespmem:v42+s12+$0x0], $0xffff  }
0x1be: {  	v46 =	vld.idx.msk [tilespmem:v43+s12+$0x0], $0xffff  }
0x1bf: {  	v36 =	vld.idx.msk [tilespmem:v44+s16+$0x0], $0xffff  }
0x1c0: {  	v47 =	vld.idx.msk [tilespmem:v45+s16+$0x0], $0xffff;
	_ =	sdelay $0x4  }
0x1c1: {  	v35 =	vmul.f32 v36, v35;
	v48 =	vmul.f32 v47, v46;
	_ =	sdelay $0x1  }
0x1c2: {  	v35 =	vmul.f32 v35, v32;
	v36 =	vmul.f32 v48, v33;
	_ =	sdelay $0x1  }
0x1c3: {  	v35 =	vadd.f32 v36, v35;
	_ =	sdelay $0x1  }
0x1c4: {  	[tilespmem:$0x104F0] =	vst v35  }
0x1c5: {  	v35 =	vld.idx.msk [tilespmem:v13+s10+$0x0], $0xffff;
	_ =	sdelay $0x1  }
0x1c6: {  	v49 =	vld.idx.msk [tilespmem:v17+s10+$0x0], $0xffff;
	_ =	sdelay $0x1  }
0x1c7: {  	v50 =	vld.idx.msk [tilespmem:v18+s10+$0x0], $0xffff  }
0x1c8: {  	v35 =	vadd.f32 v35, v34  }
0x1c9: {  	v51 =	vld.idx.msk [tilespmem:v19+s10+$0x0], $0xffff  }
0x1ca: {  	v35 =	vadd.f32 v49, v35  }
0x1cb: {  	v52 =	vld.idx.msk [tilespmem:v20+s10+$0x0], $0xffff  }
0x1cc: {  	v35 =	vadd.f32 v50, v35  }
0x1cd: {  	v53 =	vld.idx.msk [tilespmem:v21+s10+$0x0], $0xffff  }
0x1ce: {  	v35 =	vadd.f32 v51, v35  }
0x1cf: {  	v54 =	vld.idx.msk [tilespmem:v22+s10+$0x0], $0xffff  }
0x1d0: {  	v35 =	vadd.f32 v52, v35  }
0x1d1: {  	v55 =	vld.idx.msk [tilespmem:v23+s10+$0x0], $0xffff  }
0x1d2: {  	v35 =	vadd.f32 v53, v35  }
0x1d3: {  	v56 =	vld.idx.msk [tilespmem:v24+s10+$0x0], $0xffff  }
0x1d4: {  	v35 =	vadd.f32 v54, v35  }
0x1d5: {  	v57 =	vld.idx.msk [tilespmem:v25+s10+$0x0], $0xffff  }
0x1d6: {  	v35 =	vadd.f32 v55, v35  }
0x1d7: {  	v58 =	vld.idx.msk [tilespmem:v26+s10+$0x0], $0xffff  }
0x1d8: {  	v35 =	vadd.f32 v56, v35  }
0x1d9: {  	v59 =	vld.idx.msk [tilespmem:v27+s10+$0x0], $0xffff  }
0x1da: {  	v35 =	vadd.f32 v57, v35  }
0x1db: {  	v60 =	vld.idx.msk [tilespmem:v28+s10+$0x0], $0xffff  }
0x1dc: {  	v35 =	vadd.f32 v58, v35  }
0x1dd: {  	v61 =	vld.idx.msk [tilespmem:v29+s10+$0x0], $0xffff  }
0x1de: {  	v35 =	vadd.f32 v59, v35  }
0x1df: {  	v62 =	vld.idx.msk [tilespmem:v30+s10+$0x0], $0xffff  }
0x1e0: {  	v35 =	vadd.f32 v60, v35  }
0x1e1: {  	v63 =	vld.idx.msk [tilespmem:v31+s10+$0x0], $0xffff  }
0x1e2: {  	v35 =	vadd.f32 v61, v35  }
0x1e3: {  	p0 =	sne.s32 s6, $0x7C0  }
.Ltmp0:
0x1e4: {  	v35 =	vadd.f32 v62, v35;
	(pc) =	sbr.rel @p0 .LBB2_2-.Ltmp0, $4  }
0x1e5: {  	_ = 	snop  }
0x1e6: {  	s6 =	sadd.s32 $0x40, s6;
	s5 =	sadd.s32 $0x10, s5;
	v35 =	vadd.f32 v63, v35  }
0x1e7: {  	s21 =	simm.s32 $0x7400;
	s20 =	simm.s32 $0x6400;
	s28 =	rddreg [dreg:$0xc]  }
0x1e8: {  	s26 =	simm.s32 $0xF400;
	s14 =	simm.s32 $0x4400;
	s17 =	simm.s32 $0x5400;
	[tilespmem:s28+$0x10500] =	vst v35  }
0x1e9: {  	_ =	swait.ge [sflag:s23], $0x1000  }
0x1ea: {  	[sflag:s23] =	ssyncset.done $0x0  }
0x1eb: {  	[sflag:s23] =	ssyncadd.s32 $0xFFFFF000  }
0x1ec: {  	_ =	swait.ge [sflag:s23], $0x1000  }
0x1ed: {  	[sflag:s23] =	ssyncset.done $0x0  }
0x1ee: {  	[sflag:s23] =	ssyncadd.s32 $0xFFFFF000  }
0x1ef: {  	_ =	swait.ge [sflag:s23], $0x1000  }
0x1f0: {  	[sflag:s23] =	ssyncset.done $0x0  }
0x1f1: {  	[sflag:s23] =	ssyncadd.s32 $0xFFFFF000  }
0x1f2: {  	_ =	swait.ge [sflag:s23], $0x1000  }
0x1f3: {  	[sflag:s23] =	ssyncset.done $0x0  }
0x1f4: {  	[sflag:s23] =	ssyncadd.s32 $0xFFFFF000  }
0x1f5: {  	_ =	swait.ge [sflag:s23], $0x1000  }
0x1f6: {  	[sflag:s23] =	ssyncset.done $0x0  }
0x1f7: {  	[sflag:s23] =	ssyncadd.s32 $0xFFFFF000  }
0x1f8: {  	_ =	swait.ge [sflag:s23], $0x1000  }
0x1f9: {  	[sflag:s23] =	ssyncset.done $0x0  }
0x1fa: {  	[sflag:s23] =	ssyncadd.s32 $0xFFFFF000  }
0x1fb: {  	_ =	swait.ge [sflag:s23], $0x1000  }
0x1fc: {  	[sflag:s23] =	ssyncset.done $0x0  }
0x1fd: {  	[sflag:s23] =	ssyncadd.s32 $0xFFFFF000  }
0x1fe: {  	_ =	swait.ge [sflag:s23], $0x1000  }
0x1ff: {  	s8 =	simm.s32 $0x0;
	s2 =	simm.s32 $0x10500;
	[sflag:s23] =	ssyncset.done $0x0  }
0x200: {  	s6 =	simm.s32 $0x3;
	s4 =	rddreg [dreg:$0x9];
	[sflag:s23] =	ssyncadd.s32 $0xFFFFF000  }
0x201: {  	[hbm4b:s4+s8] =	stream.linear.scatter [tilespmem:s2], [sflag:$0x3], $0x200, $0x38;
	[tilespmem:$0x10780] =	vst v63  }
0x202: {  	_ =	swait.ge [sflag:s6], $0x200  }
0x203: {  	s5 =	rddreg [dreg:$0xb]  }
0x204: {  	s28 =	rddreg [dreg:$0xa];
	s5 =	sadd.s32 $0x1, s5  }
0x205: {  	p0 =	sne.s32 s5, s28  }
.Ltmp1:
0x206: {  	_ = 	snop;
	(pc) =	sbr.rel @p0 .LBB2_1-.Ltmp1, $3  }
0x207: {  	_ =	sdelay $0x1  }
0x208: {  	s9 =	simm.s32 $0x2400;
	s11 =	simm.s32 $0xA400;
	[sflag:s6] =	ssyncset.done $0x0  }
0x209: {  	s13 =	simm.s32 $0xB400;
	s2 =	simm.s32 $0x3400;
	[sflag:s6] =	ssyncadd.s32 $0xFFFFFE00  }
0x20a: {  	_ =	sfence.sel $0x180000  }
0x20b: {  	[bflag:$0x0] =	sbarrier.arrive $0xFFFF  }
0x20c: {  	_ =	strace $0x90000047  }
0x20d: {  	s0 =	stileid.u32;
	[bflag:$0x2] =	sbarrier.arrive $0xFFFF  }
0x20e: {  	p0 =	sne.s32 s0, $0x0;
	s0 =	rddreg [dreg:$0x4]  }
0x20f: {  	s0 =	sadd.s32 @!p0 $0x100000, s0  }
0x210: {  	[sflag:s0] =	ssyncadd.tile.s32 @!p0 $0x1;
	_ =	shalt  }
.Lfunc_end2:
_tile_overlayer_lowered:
.L_overlay_start_2:
0x211: {  	(tag) =	ssettag $0x2  }
0x212: {  	s0 =	rddreg [dreg:$0x0];
	s2 =	stileid.u32  }
0x213: {  	s1 =	rddreg [dreg:$0x1];
	p0 =	sne.s32 s2, $0x0  }
0x214: {  	s3 =	rddreg [dreg:$0x2];
	[bflag:$0x3] =	sbarrier.arrive $0xFFFF;
	s2 =	simm.s32 @!p0 $0x1C03  }
0x215: {  	[timem:s3], [sflag:s2] =	dma.local @!p0 [hbm:s0], s1  }
0x216: {  	s0 =	simm.s32 @!p0 $0x3  }
0x217: {  	_ =	swait.ge @!p0 [sflag:s0], s1  }
0x218: {  	s1 =	ssub.s32 @!p0 $0x0, s1;
	[sflag:s0] =	ssyncset.done @!p0 $0x0  }
0x219: {  	[sflag:s0] =	ssyncadd.s32 @!p0 s1  }
0x21a: {  	[bflag:$0x3] =	sbarrier.arrive $0xFFFF  }
0x21b: {  	_ =	shalt  }

</sc_bundles>
